<compile_context>
chip_gen: v7x
topology: tpu7x:2x2x1
jax: 0.10.2.dev20260603
libtpu: 0.0.44.dev20260713+nightly
codegen_flags: <defaults>
</compile_context>

<pallas_src>
import functools

import jax
import jax.numpy as jnp
from jax import lax
from jax.experimental import pallas as pl
from jax.experimental.pallas import tpu as pltpu
from jax.experimental.pallas import tpu_sc as plsc

NC = 2
NS = 16
NW = NC * NS
CK = 96

_MESH = plsc.VectorSubcoreMesh(core_axis_name="c", subcore_axis_name="s")


def _make_agg_kernel(n_pad, epw_pad, gather):
  rpt = n_pad // NS
  n_ch = epw_pad // CK
  feat = 128
  WO = 80
  n_wo = rpt // WO

  scratch = []
  if gather:
    scratch += [pltpu.VMEM((CK,), jnp.int32) for _ in range(3)]
  scratch += [pltpu.VMEM((CK,), jnp.int32) for _ in range(3)]
  n_rows = 3 if gather else 1
  scratch += [pltpu.VMEM((CK, feat), jnp.float32) for _ in range(n_rows)]
  scratch += [pltpu.VMEM_SHARED((n_pad, feat), jnp.float32)]
  n_sem = 6 if gather else 3
  scratch += [pltpu.SemaphoreType.DMA for _ in range(n_sem)]

  def body(*args):
    if gather:
      (u_hbm, src_hbm, dst_hbm, out_hbm,
       si0, si1, si2, di0, di1, di2, r0, r1, r2, acc,
       g0, g1, g2, s0, s1, s2) = args
      si = (si0, si1, si2)
      rows = (r0, r1, r2)
      gsem = (g0, g1, g2)
      ssem = (s0, s1, s2)
    else:
      dst_hbm, out_hbm, di0, di1, di2, r0, acc, s0, s1, s2 = args
      rows = (r0, r0, r0)
      ssem = (s0, s1, s2)
    di = (di0, di1, di2)
    c = lax.axis_index("c")
    s = lax.axis_index("s")
    t = c * NS + s
    ebase = t * epw_pad

    def fill_row(j, _):
      def fill_lane(f, _):
        r0[j, pl.ds(f * 16, 16)] = jnp.zeros((16,), jnp.float32)
        return 0
      lax.fori_loop(0, feat // 16, fill_lane, 0)
      return 0
    lax.fori_loop(0, CK, fill_row, 0)

    def zero_acc(j, _):
      pltpu.sync_copy(r0.at[pl.ds(0, WO)], acc.at[pl.ds(s * rpt + j * WO, WO)])
      return 0
    lax.fori_loop(0, n_wo, zero_acc, 0)

    if not gather:
      def ones_row(j, _):
        def ones_lane(f, _):
          r0[j, pl.ds(f * 16, 16)] = jnp.full((16,), 1.0, jnp.float32)
          return 0
        lax.fori_loop(0, feat // 16, ones_lane, 0)
        return 0
      lax.fori_loop(0, CK, ones_row, 0)
    plsc.subcore_barrier()

    def prep(i, b):
      pltpu.sync_copy(dst_hbm.at[pl.ds(ebase + i * CK, CK)], di[b])
      if gather:
        pltpu.sync_copy(src_hbm.at[pl.ds(ebase + i * CK, CK)], si[b])
        pltpu.async_copy(u_hbm.at[si[b]], rows[b], gsem[b])

    prep(0, 0)
    prep(1, 1)

    def group(j, _):
      for k in range(3):
        i = 3 * j + k
        b = k
        b2 = (k + 2) % 3
        if gather:
          pltpu.make_async_copy(u_hbm.at[si[b]], rows[b], gsem[b]).wait()
        pltpu.async_copy(rows[b], acc.at[di[b]], ssem[b], add=True)

        @pl.when(jnp.logical_and(i >= 1, i + 2 < n_ch))
        def _():
          pltpu.make_async_copy(rows[b2], acc.at[di[b2]], ssem[b2]).wait()

        @pl.when(i + 2 < n_ch)
        def _():
          prep(i + 2, b2)
      return 0
    lax.fori_loop(0, n_ch // 3, group, 0)

    for b in range(3):
      pltpu.make_async_copy(rows[b], acc.at[di[b]], ssem[b]).wait()
    plsc.subcore_barrier()

    def writeout(j, _):
      pltpu.sync_copy(acc.at[pl.ds(s * rpt + j * WO, WO)], r0.at[pl.ds(0, WO)])
      pltpu.sync_copy(r0.at[pl.ds(0, WO)],
                      out_hbm.at[c, pl.ds(s * rpt + j * WO, WO)])
      return 0
    lax.fori_loop(0, n_wo, writeout, 0)

  return pl.kernel(
      body,
      out_type=jax.ShapeDtypeStruct((NC, n_pad, feat), jnp.float32),
      mesh=_MESH,
      scratch_types=scratch,
  )


def _tc_call(body, n, blk, in_specs_minor, out_minor, n_outs=1):
  grid = n // blk
  in_specs = []
  for m in in_specs_minor:
    if isinstance(m, tuple):
      in_specs.append(
          pl.BlockSpec(m, functools.partial(lambda r, i: (0,) * r, len(m))))
    else:
      in_specs.append(pl.BlockSpec((blk, m), lambda i: (i, 0)))
  if n_outs == 1:
    out_specs = pl.BlockSpec((blk, out_minor[0]), lambda i: (i, 0))
    out_shape = jax.ShapeDtypeStruct((n, out_minor[0]), jnp.float32)
  else:
    out_specs = [pl.BlockSpec((blk, m), lambda i: (i, 0)) for m in out_minor]
    out_shape = [jax.ShapeDtypeStruct((n, m), jnp.float32) for m in out_minor]
  return pl.pallas_call(
      body, grid=(grid,), in_specs=in_specs, out_specs=out_specs,
      out_shape=out_shape)


def _t0_body(x_ref, d0_ref, d1_ref, u_ref, dinv_ref):
  deg = d0_ref[:, 0:1] + d1_ref[:, 0:1] + 1.0
  dinv = lax.rsqrt(deg)
  dinv_ref[...] = jnp.broadcast_to(dinv, dinv_ref.shape)
  u_ref[...] = x_ref[...] * dinv


def _t1_body(p0_ref, p1_ref, u_ref, dinv_ref, w1_ref, b1_ref, w2_ref, g1_ref):
  dinv = dinv_ref[...]
  z = dinv * (p0_ref[...] + p1_ref[...] + u_ref[...])
  h = jnp.maximum(
      jnp.dot(z, w1_ref[...], preferred_element_type=jnp.float32)
      + b1_ref[...], 0.0)
  g1_ref[...] = dinv * jnp.dot(h, w2_ref[...],
                               preferred_element_type=jnp.float32)


def _t2_body(q0_ref, q1_ref, g1_ref, dinv_ref, b2_ref, u3_ref):
  dinv = dinv_ref[...]
  h2 = jnp.maximum(dinv * (q0_ref[...] + q1_ref[...] + g1_ref[...])
                   + b2_ref[...], 0.0)
  u3_ref[...] = dinv * h2


def _t3_body(r0_ref, r1_ref, u3_ref, dinv_ref, w3_ref, b3_ref, o_ref, *, n_cls):
  s3 = dinv_ref[...] * (r0_ref[...] + r1_ref[...] + u3_ref[...])
  z = jnp.dot(s3, w3_ref[...], preferred_element_type=jnp.float32) + b3_ref[...]
  zc = z[:, :n_cls]
  m = jnp.max(zc, axis=1, keepdims=True)
  lse = jnp.log(jnp.sum(jnp.exp(zc - m), axis=1, keepdims=True))
  o_ref[...] = z - m - lse


def kernel(x, edge_index, W1, b1, W2, b2, W3, b3):
  n, d_in = x.shape
  e = edge_index.shape[1]
  h1 = W1.shape[1]
  h2 = W2.shape[1]
  c_cls = W3.shape[1]
  fp = 48
  epw = e // NW
  blk = 1000
  n_pad = -(-n // (80 * NS)) * (80 * NS)
  n_ch = -(-epw // CK)
  epw_pad = n_ch * CK

  epad = ((0, 0), (0, epw_pad - epw))
  src = jnp.pad(edge_index[0].astype(jnp.int32).reshape(NW, epw),
                epad).reshape(-1)
  dst = jnp.pad(edge_index[1].astype(jnp.int32).reshape(NW, epw),
                epad, constant_values=n).reshape(-1)
  w3p = jnp.pad(W3, ((0, 0), (0, fp - c_cls)))
  b1r = b1.reshape(1, h1)
  b2r = b2.reshape(1, h2)
  b3r = jnp.pad(b3, (0, fp - c_cls)).reshape(1, fp)

  deg_parts = _make_agg_kernel(n_pad, epw_pad, gather=False)(dst)
  agg128 = _make_agg_kernel(n_pad, epw_pad, gather=True)

  u, dinvb = _tc_call(_t0_body, n, blk, [d_in, 128, 128], [d_in, d_in],
                      n_outs=2)(x, deg_parts[0], deg_parts[1])
  p = agg128(u, src, dst)
  g1 = _tc_call(_t1_body, n, blk,
                [d_in, d_in, d_in, d_in, (d_in, h1), (1, h1), (h1, h2)],
                [h2])(p[0], p[1], u, dinvb, W1, b1r, W2)
  q = agg128(g1, src, dst)
  u3 = _tc_call(_t2_body, n, blk,
                [h2, h2, h2, d_in, (1, h2)],
                [d_in])(q[0], q[1], g1, dinvb, b2r)
  r = agg128(u3, src, dst)
  o = _tc_call(functools.partial(_t3_body, n_cls=c_cls), n, blk,
               [d_in, d_in, d_in, d_in, (h2, fp), (1, fp)],
               [fp])(r[0], r[1], u3, dinvb, w3p, b3r)
  return o[:, :c_cls]

# --- scband reference (transcript-rebuilt; emitter-appended) ---
"""Pipeline reference for scband-net-22093311770979 (READ-ONLY COPY).

The authoritative reference and input builder live on the scoring server;
editing this copy changes nothing except your own understanding.
"""

import jax, jax.numpy as jnp
import numpy as np

N = 10000
E = 320000
D_IN = 128
H1 = 512
H2 = 128
C = 40


def setup_inputs(seed: int = 0) -> dict:
    key = jax.random.key(seed)
    ks = jax.random.split(key, 9)
    x = jax.random.normal(ks[0], (N, D_IN), dtype=jnp.float32)
    edge_index = jax.random.randint(ks[1], (2, E), 0, N, dtype=jnp.int64)
    W1 = jax.random.normal(ks[2], (D_IN, H1), dtype=jnp.float32) * 0.05
    b1 = jnp.zeros((H1,), dtype=jnp.float32)
    W2 = jax.random.normal(ks[3], (H1, H2), dtype=jnp.float32) * 0.05
    b2 = jnp.zeros((H2,), dtype=jnp.float32)
    W3 = jax.random.normal(ks[4], (H2, C), dtype=jnp.float32) * 0.05
    b3 = jnp.zeros((C,), dtype=jnp.float32)
    return {"x": x, "edge_index": edge_index, "W1": W1, "b1": b1,
            "W2": W2, "b2": b2, "W3": W3, "b3": b3}


def _gcn_conv(x, src, dst, W, b, n_nodes):
    # PyG GCNConv: h = x @ W; propagate with sym-normalized adj (self-loops added); out + b
    h = x @ W
    ones = jnp.ones((src.shape[0],), dtype=h.dtype)
    deg = jnp.zeros((n_nodes,), dtype=h.dtype).at[dst].add(ones)
    dinv = jnp.where(deg > 0, 1.0 / jnp.sqrt(deg), 0.0)
    norm = dinv[src] * dinv[dst]
    msg = h[src] * norm[:, None]
    out = jnp.zeros((n_nodes, h.shape[1]), dtype=h.dtype).at[dst].add(msg)
    return out + b


def reference(x, edge_index, W1, b1, W2, b2, W3, b3):
    n_nodes = x.shape[0]
    loops = jnp.arange(n_nodes, dtype=edge_index.dtype)
    src = jnp.concatenate([edge_index[0], loops])
    dst = jnp.concatenate([edge_index[1], loops])
    h = jax.nn.relu(_gcn_conv(x, src, dst, W1, b1, n_nodes))
    h = jax.nn.relu(_gcn_conv(h, src, dst, W2, b2, n_nodes))
    # F.dropout(training=self.training) is identity in eval mode
    h = _gcn_conv(h, src, dst, W3, b3, n_nodes)
    return jax.nn.log_softmax(h, axis=1)

if __name__ == "__main__":
    import jax
    _d = setup_inputs()
    print(jax.jit(kernel)(*tuple(_d.values())))

</pallas_src>

<mosaic_0001>
#map = affine_map<(d0, d1) -> (0)>
#map1 = affine_map<(d0, d1) -> (0, 0, 0)>
module attributes {stable_mosaic.version = 14 : i64} {
  func.func @body(%arg0: i32, %arg1: i32, %arg2: memref<322560xi32, #tpu.memory_space<hbm>>, %arg3: memref<2x10240x128xf32, #tpu.memory_space<hbm>>, %arg4: memref<96xi32, #tpu.memory_space<vmem>>, %arg5: memref<96xi32, #tpu.memory_space<vmem>>, %arg6: memref<96xi32, #tpu.memory_space<vmem>>, %arg7: memref<96x128xf32, #tpu.memory_space<vmem>>, %arg8: memref<10240x128xf32, #tpu.memory_space<vmem_shared>>, %arg9: memref<!tpu.dma_semaphore, #tpu.memory_space<semaphore_mem>>, %arg10: memref<!tpu.dma_semaphore, #tpu.memory_space<semaphore_mem>>, %arg11: memref<!tpu.dma_semaphore, #tpu.memory_space<semaphore_mem>>) attributes {dimension_semantics = [#tpu.dimension_semantics<core_parallel>, #tpu.dimension_semantics<subcore_parallel>], iteration_bounds = array<i64: 2, 16>, scalar_prefetch = 0 : i64, scratch_operands = 8 : i64, tpu.core_type = #tpu.core_type<sc_vector_subcore>, window_params = [{transform_indices = #map}, {transform_indices = #map1}]} {
    %mul3A = arith.constant 16 : i32
    %mul3A_0 = arith.muli %arg0, %mul3A : i32
    %add3A = arith.addi %mul3A_0, %arg1 : i32
    %mul3A_1 = arith.constant 10080 : i32
    %mul3A_2 = arith.muli %add3A, %mul3A_1 : i32
    %scan3A = arith.constant 0 : i32
    %scan3A_3 = arith.constant 0 : i32
    %scan3A_4 = arith.constant 96 : i32
    %scan3A_5 = arith.addi %scan3A_3, %scan3A_4 : i32
    %scan3A_6 = arith.constant 1 : i32
    %scan3A_7 = scf.for %scan3A_50 = %scan3A_3 to %scan3A_5 step %scan3A_6 iter_args(%scan3A_51 = %scan3A) -> (i32)  : i32 {
      %scan3A_52 = arith.constant 0 : i32
      %scan3A_53 = arith.constant 0 : i32
      %scan3A_54 = arith.constant 8 : i32
      %scan3A_55 = arith.addi %scan3A_53, %scan3A_54 : i32
      %scan3A_56 = arith.constant 1 : i32
      %scan3A_57 = scf.for %scan3A_60 = %scan3A_53 to %scan3A_55 step %scan3A_56 iter_args(%scan3A_61 = %scan3A_52) -> (i32)  : i32 {
        %broadcast_in_dim3A = arith.constant 0.000000e+00 : f32
        %broadcast_in_dim3A_62 = vector.broadcast %broadcast_in_dim3A : f32 to vector<16xf32>
        %mul3A_63 = arith.constant 16 : i32
        %mul3A_64 = arith.muli %scan3A_60, %mul3A_63 : i32
        %swap3A = arith.index_cast %scan3A_50 : i32 to index
        %swap3A_65 = arith.index_cast %mul3A_64 : i32 to index
        %swap3A_66 = tpu.vector_load %arg7[%swap3A, %swap3A_65] {strides = array<i32>} : memref<96x128xf32, #tpu.memory_space<vmem>>, vector<1x16xf32>,
        %swap3A_67 = vector.shape_cast %swap3A_66 : vector<1x16xf32> to vector<16xf32>
        %swap3A_68 = vector.shape_cast %broadcast_in_dim3A_62 : vector<16xf32> to vector<1x16xf32>
        tpu.vector_store %arg7[%swap3A, %swap3A_65], %swap3A_68 {strides = array<i32>} : memref<96x128xf32, #tpu.memory_space<vmem>>, vector<1x16xf32>,
        %scan3A_69 = arith.constant 0 : i32
        scf.yield %scan3A_69 : i32
      }
      %scan3A_58 = arith.constant 8 : i32
      %scan3A_59 = arith.constant 0 : i32
      scf.yield %scan3A_59 : i32
    }
    %scan3A_8 = arith.constant 96 : i32
    %scan3A_9 = arith.constant 0 : i32
    %scan3A_10 = arith.constant 0 : i32
    %scan3A_11 = arith.constant 8 : i32
    %scan3A_12 = arith.addi %scan3A_10, %scan3A_11 : i32
    %scan3A_13 = arith.constant 1 : i32
    %scan3A_14 = scf.for %scan3A_50 = %scan3A_10 to %scan3A_12 step %scan3A_13 iter_args(%scan3A_51 = %scan3A_9) -> (i32)  : i32 {
      %mul3A_52 = arith.constant 640 : i32
      %mul3A_53 = arith.muli %arg1, %mul3A_52 : i32
      %mul3A_54 = arith.constant 80 : i32
      %mul3A_55 = arith.muli %scan3A_50, %mul3A_54 : i32
      %add3A_56 = arith.addi %mul3A_53, %mul3A_55 : i32
      "tpu.region"() ({
        %run_scoped3A = tpu.sem_alloc : memref<!tpu.dma_semaphore, #tpu.memory_space<semaphore_mem>>
        %dma_start3A = arith.constant 0 : i32
        %dma_start3A_58 = arith.constant 0 : i32
        %dma_start3A_59 = tpu.memref_slice %arg7[%dma_start3A, %dma_start3A_58] : memref<96x128xf32, #tpu.memory_space<vmem>> -> memref<80x128xf32, #tpu.memory_space<vmem>>
        %dma_start3A_60 = arith.constant 0 : i32
        %dma_start3A_61 = tpu.memref_slice %arg8[%add3A_56, %dma_start3A_60] : memref<10240x128xf32, #tpu.memory_space<vmem_shared>> -> memref<80x128xf32, #tpu.memory_space<vmem_shared>>
        %dma_start3A_62 = arith.constant 0 : i32
        %dma_start3A_63 = tpu.memref_slice %arg8[%add3A_56, %dma_start3A_62] : memref<10240x128xf32, #tpu.memory_space<vmem_shared>> -> memref<80x128xf32, #tpu.memory_space<vmem_shared>>
        %dma_start3A_64 = arith.constant 0 : i32
        %dma_start3A_65 = arith.constant 0 : i32
        %dma_start3A_66 = tpu.memref_slice %arg7[%dma_start3A_64, %dma_start3A_65] : memref<96x128xf32, #tpu.memory_space<vmem>> -> memref<80x128xf32, #tpu.memory_space<vmem>>
        tpu.enqueue_dma source(%dma_start3A_66 : memref<80x128xf32, #tpu.memory_space<vmem>>) target(%dma_start3A_63 : memref<80x128xf32, #tpu.memory_space<vmem_shared>>) target_semaphore(%run_scoped3A : memref<!tpu.dma_semaphore, #tpu.memory_space<semaphore_mem>>)
        %dma_wait3A_67 = arith.constant 0 : i32
        %dma_wait3A_68 = arith.constant 0 : i32
        %dma_wait3A_69 = tpu.memref_slice %arg7[%dma_wait3A_67, %dma_wait3A_68] : memref<96x128xf32, #tpu.memory_space<vmem>> -> memref<80x128xf32, #tpu.memory_space<vmem>>
        %dma_wait3A_70 = arith.constant 0 : i32
        %dma_wait3A_71 = tpu.memref_slice %arg8[%add3A_56, %dma_wait3A_70] : memref<10240x128xf32, #tpu.memory_space<vmem_shared>> -> memref<80x128xf32, #tpu.memory_space<vmem_shared>>
        %dma_wait3A_72 = arith.constant 0 : i32
        %dma_wait3A_73 = tpu.memref_slice %arg8[%add3A_56, %dma_wait3A_72] : memref<10240x128xf32, #tpu.memory_space<vmem_shared>> -> memref<80x128xf32, #tpu.memory_space<vmem_shared>>
        %dma_wait3A_74 = arith.constant 0 : i32
        %dma_wait3A_75 = arith.constant 0 : i32
        %dma_wait3A_76 = tpu.memref_slice %arg7[%dma_wait3A_74, %dma_wait3A_75] : memref<96x128xf32, #tpu.memory_space<vmem>> -> memref<80x128xf32, #tpu.memory_space<vmem>>
        tpu.wait_dma2 semaphore(%run_scoped3A : memref<!tpu.dma_semaphore, #tpu.memory_space<semaphore_mem>>) src(%dma_wait3A_76 : memref<80x128xf32, #tpu.memory_space<vmem>>) dst(%dma_wait3A_73 : memref<80x128xf32, #tpu.memory_space<vmem_shared>>)
        tpu.yield
      }) : () -> ()
      %scan3A_57 = arith.constant 0 : i32
      scf.yield %scan3A_57 : i32
    }
    %scan3A_15 = arith.constant 8 : i32
    %scan3A_16 = arith.constant 0 : i32
    %scan3A_17 = arith.constant 0 : i32
    %scan3A_18 = arith.constant 96 : i32
    %scan3A_19 = arith.addi %scan3A_17, %scan3A_18 : i32
    %scan3A_20 = arith.constant 1 : i32
    %scan3A_21 = scf.for %scan3A_50 = %scan3A_17 to %scan3A_19 step %scan3A_20 iter_args(%scan3A_51 = %scan3A_16) -> (i32)  : i32 {
      %scan3A_52 = arith.constant 0 : i32
      %scan3A_53 = arith.constant 0 : i32
      %scan3A_54 = arith.constant 8 : i32
      %scan3A_55 = arith.addi %scan3A_53, %scan3A_54 : i32
      %scan3A_56 = arith.constant 1 : i32
      %scan3A_57 = scf.for %scan3A_60 = %scan3A_53 to %scan3A_55 step %scan3A_56 iter_args(%scan3A_61 = %scan3A_52) -> (i32)  : i32 {
        %broadcast_in_dim3A = arith.constant 1.000000e+00 : f32
        %broadcast_in_dim3A_62 = vector.broadcast %broadcast_in_dim3A : f32 to vector<16xf32>
        %mul3A_63 = arith.constant 16 : i32
        %mul3A_64 = arith.muli %scan3A_60, %mul3A_63 : i32
        %swap3A = arith.index_cast %scan3A_50 : i32 to index
        %swap3A_65 = arith.index_cast %mul3A_64 : i32 to index
        %swap3A_66 = tpu.vector_load %arg7[%swap3A, %swap3A_65] {strides = array<i32>} : memref<96x128xf32, #tpu.memory_space<vmem>>, vector<1x16xf32>,
        %swap3A_67 = vector.shape_cast %swap3A_66 : vector<1x16xf32> to vector<16xf32>
        %swap3A_68 = vector.shape_cast %broadcast_in_dim3A_62 : vector<16xf32> to vector<1x16xf32>
        tpu.vector_store %arg7[%swap3A, %swap3A_65], %swap3A_68 {strides = array<i32>} : memref<96x128xf32, #tpu.memory_space<vmem>>, vector<1x16xf32>,
        %scan3A_69 = arith.constant 0 : i32
        scf.yield %scan3A_69 : i32
      }
      %scan3A_58 = arith.constant 8 : i32
      %scan3A_59 = arith.constant 0 : i32
      scf.yield %scan3A_59 : i32
    }
    %scan3A_22 = arith.constant 96 : i32
    %barrier3A = arith.constant 0 : index
    tpu.barrier barrier_id(%barrier3A)
    %add3A_23 = arith.constant 0 : i32
    %add3A_24 = arith.addi %mul3A_2, %add3A_23 : i32
    "tpu.region"() ({
      %run_scoped3A = tpu.sem_alloc : memref<!tpu.dma_semaphore, #tpu.memory_space<semaphore_mem>>
      %dma_start3A = tpu.memref_slice %arg2[%add3A_24] : memref<322560xi32, #tpu.memory_space<hbm>> -> memref<96xi32, #tpu.memory_space<hbm>>
      %dma_start3A_50 = tpu.memref_slice %arg2[%add3A_24] : memref<322560xi32, #tpu.memory_space<hbm>> -> memref<96xi32, #tpu.memory_space<hbm>>
      tpu.enqueue_dma source(%dma_start3A_50 : memref<96xi32, #tpu.memory_space<hbm>>) target(%arg4 : memref<96xi32, #tpu.memory_space<vmem>>) target_semaphore(%run_scoped3A : memref<!tpu.dma_semaphore, #tpu.memory_space<semaphore_mem>>)
      %dma_wait3A_51 = tpu.memref_slice %arg2[%add3A_24] : memref<322560xi32, #tpu.memory_space<hbm>> -> memref<96xi32, #tpu.memory_space<hbm>>
      %dma_wait3A_52 = tpu.memref_slice %arg2[%add3A_24] : memref<322560xi32, #tpu.memory_space<hbm>> -> memref<96xi32, #tpu.memory_space<hbm>>
      tpu.wait_dma2 semaphore(%run_scoped3A : memref<!tpu.dma_semaphore, #tpu.memory_space<semaphore_mem>>) src(%dma_wait3A_52 : memref<96xi32, #tpu.memory_space<hbm>>) dst(%arg4 : memref<96xi32, #tpu.memory_space<vmem>>)
      tpu.yield
    }) : () -> ()
    %add3A_25 = arith.constant 96 : i32
    %add3A_26 = arith.addi %mul3A_2, %add3A_25 : i32
    "tpu.region"() ({
      %run_scoped3A = tpu.sem_alloc : memref<!tpu.dma_semaphore, #tpu.memory_space<semaphore_mem>>
      %dma_start3A = tpu.memref_slice %arg2[%add3A_26] : memref<322560xi32, #tpu.memory_space<hbm>> -> memref<96xi32, #tpu.memory_space<hbm>>
      %dma_start3A_50 = tpu.memref_slice %arg2[%add3A_26] : memref<322560xi32, #tpu.memory_space<hbm>> -> memref<96xi32, #tpu.memory_space<hbm>>
      tpu.enqueue_dma source(%dma_start3A_50 : memref<96xi32, #tpu.memory_space<hbm>>) target(%arg5 : memref<96xi32, #tpu.memory_space<vmem>>) target_semaphore(%run_scoped3A : memref<!tpu.dma_semaphore, #tpu.memory_space<semaphore_mem>>)
      %dma_wait3A_51 = tpu.memref_slice %arg2[%add3A_26] : memref<322560xi32, #tpu.memory_space<hbm>> -> memref<96xi32, #tpu.memory_space<hbm>>
      %dma_wait3A_52 = tpu.memref_slice %arg2[%add3A_26] : memref<322560xi32, #tpu.memory_space<hbm>> -> memref<96xi32, #tpu.memory_space<hbm>>
      tpu.wait_dma2 semaphore(%run_scoped3A : memref<!tpu.dma_semaphore, #tpu.memory_space<semaphore_mem>>) src(%dma_wait3A_52 : memref<96xi32, #tpu.memory_space<hbm>>) dst(%arg5 : memref<96xi32, #tpu.memory_space<vmem>>)
      tpu.yield
    }) : () -> ()
    %scan3A_27 = arith.constant 0 : i32
    %scan3A_28 = arith.constant 0 : i32
    %scan3A_29 = arith.constant 35 : i32
    %scan3A_30 = arith.addi %scan3A_28, %scan3A_29 : i32
    %scan3A_31 = arith.constant 1 : i32
    %scan3A_32 = scf.for %scan3A_50 = %scan3A_28 to %scan3A_30 step %scan3A_31 iter_args(%scan3A_51 = %scan3A_27) -> (i32)  : i32 {
      %mul3A_52 = arith.constant 3 : i32
      %mul3A_53 = arith.muli %mul3A_52, %scan3A_50 : i32
      %add3A_54 = arith.constant 0 : i32
      %add3A_55 = arith.addi %mul3A_53, %add3A_54 : i32
      %dma_start3A = arith.constant 0 : i32
      %dma_start3A_56 = arith.constant 0 : i32
      %dma_start3A_57 = tpu.memref_slice %arg8[%dma_start3A, %dma_start3A_56] : memref<10240x128xf32, #tpu.memory_space<vmem_shared>> -> memref<10240x128xf32, #tpu.memory_space<vmem_shared>>
      tpu.enqueue_indirect_dma source(%arg7 : memref<96x128xf32, #tpu.memory_space<vmem>>) target(%dma_start3A_57 : memref<10240x128xf32, #tpu.memory_space<vmem_shared>>) offsets(%arg4 : memref<96xi32, #tpu.memory_space<vmem>>) semaphore(%arg9 : memref<!tpu.dma_semaphore, #tpu.memory_space<semaphore_mem>>) {add = true}
      %ge3A = arith.constant 1 : i32
      %ge3A_58 = arith.cmpi sge, %add3A_55, %ge3A : i32
      %add3A_59 = arith.constant 2 : i32
      %add3A_60 = arith.addi %add3A_55, %add3A_59 : i32
      %lt3A = arith.constant 105 : i32
      %lt3A_61 = arith.cmpi slt, %add3A_60, %lt3A : i32
      %and3A = arith.andi %ge3A_58, %lt3A_61 : i1
      %convert_element_type3A = arith.extui %and3A : i1 to i32
      %cond3A = arith.constant 0 : i32
      %cond3A_62 = arith.cmpi ne, %convert_element_type3A, %cond3A : i32
      scf.if %cond3A_62 {
        %dma_wait3A_119 = arith.constant 0 : i32
        %dma_wait3A_120 = arith.constant 0 : i32
        %dma_wait3A_121 = tpu.memref_slice %arg8[%dma_wait3A_119, %dma_wait3A_120] : memref<10240x128xf32, #tpu.memory_space<vmem_shared>> -> memref<10240x128xf32, #tpu.memory_space<vmem_shared>>
        tpu.wait_indirect_dma semaphore(%arg11 : memref<!tpu.dma_semaphore, #tpu.memory_space<semaphore_mem>>) src(%arg7 : memref<96x128xf32, #tpu.memory_space<vmem>>) dst(%dma_wait3A_121 : memref<10240x128xf32, #tpu.memory_space<vmem_shared>>)
      } else {
      }
      %add3A_63 = arith.constant 2 : i32
      %add3A_64 = arith.addi %add3A_55, %add3A_63 : i32
      %lt3A_65 = arith.constant 105 : i32
      %lt3A_66 = arith.cmpi slt, %add3A_64, %lt3A_65 : i32
      %convert_element_type3A_67 = arith.extui %lt3A_66 : i1 to i32
      %cond3A_68 = arith.constant 0 : i32
      %cond3A_69 = arith.cmpi ne, %convert_element_type3A_67, %cond3A_68 : i32
      scf.if %cond3A_69 {
        %add3A_119 = arith.constant 2 : i32
        %add3A_120 = arith.addi %add3A_55, %add3A_119 : i32
        %mul3A_121 = arith.constant 96 : i32
        %mul3A_122 = arith.muli %add3A_120, %mul3A_121 : i32
        %add3A_123 = arith.addi %mul3A_2, %mul3A_122 : i32
        "tpu.region"() ({
          %run_scoped3A = tpu.sem_alloc : memref<!tpu.dma_semaphore, #tpu.memory_space<semaphore_mem>>
          %dma_start3A_124 = tpu.memref_slice %arg2[%add3A_123] : memref<322560xi32, #tpu.memory_space<hbm>> -> memref<96xi32, #tpu.memory_space<hbm>>
          %dma_start3A_125 = tpu.memref_slice %arg2[%add3A_123] : memref<322560xi32, #tpu.memory_space<hbm>> -> memref<96xi32, #tpu.memory_space<hbm>>
          tpu.enqueue_dma source(%dma_start3A_125 : memref<96xi32, #tpu.memory_space<hbm>>) target(%arg6 : memref<96xi32, #tpu.memory_space<vmem>>) target_semaphore(%run_scoped3A : memref<!tpu.dma_semaphore, #tpu.memory_space<semaphore_mem>>)
          %dma_wait3A_126 = tpu.memref_slice %arg2[%add3A_123] : memref<322560xi32, #tpu.memory_space<hbm>> -> memref<96xi32, #tpu.memory_space<hbm>>
          %dma_wait3A_127 = tpu.memref_slice %arg2[%add3A_123] : memref<322560xi32, #tpu.memory_space<hbm>> -> memref<96xi32, #tpu.memory_space<hbm>>
          tpu.wait_dma2 semaphore(%run_scoped3A : memref<!tpu.dma_semaphore, #tpu.memory_space<semaphore_mem>>) src(%dma_wait3A_127 : memref<96xi32, #tpu.memory_space<hbm>>) dst(%arg6 : memref<96xi32, #tpu.memory_space<vmem>>)
          tpu.yield
        }) : () -> ()
      } else {
      }
      %mul3A_70 = arith.constant 3 : i32
      %mul3A_71 = arith.muli %mul3A_70, %scan3A_50 : i32
      %add3A_72 = arith.constant 1 : i32
      %add3A_73 = arith.addi %mul3A_71, %add3A_72 : i32
      %dma_start3A_74 = arith.constant 0 : i32
      %dma_start3A_75 = arith.constant 0 : i32
      %dma_start3A_76 = tpu.memref_slice %arg8[%dma_start3A_74, %dma_start3A_75] : memref<10240x128xf32, #tpu.memory_space<vmem_shared>> -> memref<10240x128xf32, #tpu.memory_space<vmem_shared>>
      tpu.enqueue_indirect_dma source(%arg7 : memref<96x128xf32, #tpu.memory_space<vmem>>) target(%dma_start3A_76 : memref<10240x128xf32, #tpu.memory_space<vmem_shared>>) offsets(%arg5 : memref<96xi32, #tpu.memory_space<vmem>>) semaphore(%arg10 : memref<!tpu.dma_semaphore, #tpu.memory_space<semaphore_mem>>) {add = true}
      %ge3A_77 = arith.constant 1 : i32
      %ge3A_78 = arith.cmpi sge, %add3A_73, %ge3A_77 : i32
      %add3A_79 = arith.constant 2 : i32
      %add3A_80 = arith.addi %add3A_73, %add3A_79 : i32
      %lt3A_81 = arith.constant 105 : i32
      %lt3A_82 = arith.cmpi slt, %add3A_80, %lt3A_81 : i32
      %and3A_83 = arith.andi %ge3A_78, %lt3A_82 : i1
      %convert_element_type3A_84 = arith.extui %and3A_83 : i1 to i32
      %cond3A_85 = arith.constant 0 : i32
      %cond3A_86 = arith.cmpi ne, %convert_element_type3A_84, %cond3A_85 : i32
      scf.if %cond3A_86 {
        %dma_wait3A_119 = arith.constant 0 : i32
        %dma_wait3A_120 = arith.constant 0 : i32
        %dma_wait3A_121 = tpu.memref_slice %arg8[%dma_wait3A_119, %dma_wait3A_120] : memref<10240x128xf32, #tpu.memory_space<vmem_shared>> -> memref<10240x128xf32, #tpu.memory_space<vmem_shared>>
        tpu.wait_indirect_dma semaphore(%arg9 : memref<!tpu.dma_semaphore, #tpu.memory_space<semaphore_mem>>) src(%arg7 : memref<96x128xf32, #tpu.memory_space<vmem>>) dst(%dma_wait3A_121 : memref<10240x128xf32, #tpu.memory_space<vmem_shared>>)
      } else {
      }
      %add3A_87 = arith.constant 2 : i32
      %add3A_88 = arith.addi %add3A_73, %add3A_87 : i32
      %lt3A_89 = arith.constant 105 : i32
      %lt3A_90 = arith.cmpi slt, %add3A_88, %lt3A_89 : i32
      %convert_element_type3A_91 = arith.extui %lt3A_90 : i1 to i32
      %cond3A_92 = arith.constant 0 : i32
      %cond3A_93 = arith.cmpi ne, %convert_element_type3A_91, %cond3A_92 : i32
      scf.if %cond3A_93 {
        %add3A_119 = arith.constant 2 : i32
        %add3A_120 = arith.addi %add3A_73, %add3A_119 : i32
        %mul3A_121 = arith.constant 96 : i32
        %mul3A_122 = arith.muli %add3A_120, %mul3A_121 : i32
        %add3A_123 = arith.addi %mul3A_2, %mul3A_122 : i32
        "tpu.region"() ({
          %run_scoped3A = tpu.sem_alloc : memref<!tpu.dma_semaphore, #tpu.memory_space<semaphore_mem>>
          %dma_start3A_124 = tpu.memref_slice %arg2[%add3A_123] : memref<322560xi32, #tpu.memory_space<hbm>> -> memref<96xi32, #tpu.memory_space<hbm>>
          %dma_start3A_125 = tpu.memref_slice %arg2[%add3A_123] : memref<322560xi32, #tpu.memory_space<hbm>> -> memref<96xi32, #tpu.memory_space<hbm>>
          tpu.enqueue_dma source(%dma_start3A_125 : memref<96xi32, #tpu.memory_space<hbm>>) target(%arg4 : memref<96xi32, #tpu.memory_space<vmem>>) target_semaphore(%run_scoped3A : memref<!tpu.dma_semaphore, #tpu.memory_space<semaphore_mem>>)
          %dma_wait3A_126 = tpu.memref_slice %arg2[%add3A_123] : memref<322560xi32, #tpu.memory_space<hbm>> -> memref<96xi32, #tpu.memory_space<hbm>>
          %dma_wait3A_127 = tpu.memref_slice %arg2[%add3A_123] : memref<322560xi32, #tpu.memory_space<hbm>> -> memref<96xi32, #tpu.memory_space<hbm>>
          tpu.wait_dma2 semaphore(%run_scoped3A : memref<!tpu.dma_semaphore, #tpu.memory_space<semaphore_mem>>) src(%dma_wait3A_127 : memref<96xi32, #tpu.memory_space<hbm>>) dst(%arg4 : memref<96xi32, #tpu.memory_space<vmem>>)
          tpu.yield
        }) : () -> ()
      } else {
      }
      %mul3A_94 = arith.constant 3 : i32
      %mul3A_95 = arith.muli %mul3A_94, %scan3A_50 : i32
      %add3A_96 = arith.constant 2 : i32
      %add3A_97 = arith.addi %mul3A_95, %add3A_96 : i32
      %dma_start3A_98 = arith.constant 0 : i32
      %dma_start3A_99 = arith.constant 0 : i32
      %dma_start3A_100 = tpu.memref_slice %arg8[%dma_start3A_98, %dma_start3A_99] : memref<10240x128xf32, #tpu.memory_space<vmem_shared>> -> memref<10240x128xf32, #tpu.memory_space<vmem_shared>>
      tpu.enqueue_indirect_dma source(%arg7 : memref<96x128xf32, #tpu.memory_space<vmem>>) target(%dma_start3A_100 : memref<10240x128xf32, #tpu.memory_space<vmem_shared>>) offsets(%arg6 : memref<96xi32, #tpu.memory_space<vmem>>) semaphore(%arg11 : memref<!tpu.dma_semaphore, #tpu.memory_space<semaphore_mem>>) {add = true}
      %ge3A_101 = arith.constant 1 : i32
      %ge3A_102 = arith.cmpi sge, %add3A_97, %ge3A_101 : i32
      %add3A_103 = arith.constant 2 : i32
      %add3A_104 = arith.addi %add3A_97, %add3A_103 : i32
      %lt3A_105 = arith.constant 105 : i32
      %lt3A_106 = arith.cmpi slt, %add3A_104, %lt3A_105 : i32
      %and3A_107 = arith.andi %ge3A_102, %lt3A_106 : i1
      %convert_element_type3A_108 = arith.extui %and3A_107 : i1 to i32
      %cond3A_109 = arith.constant 0 : i32
      %cond3A_110 = arith.cmpi ne, %convert_element_type3A_108, %cond3A_109 : i32
      scf.if %cond3A_110 {
        %dma_wait3A_119 = arith.constant 0 : i32
        %dma_wait3A_120 = arith.constant 0 : i32
        %dma_wait3A_121 = tpu.memref_slice %arg8[%dma_wait3A_119, %dma_wait3A_120] : memref<10240x128xf32, #tpu.memory_space<vmem_shared>> -> memref<10240x128xf32, #tpu.memory_space<vmem_shared>>
        tpu.wait_indirect_dma semaphore(%arg10 : memref<!tpu.dma_semaphore, #tpu.memory_space<semaphore_mem>>) src(%arg7 : memref<96x128xf32, #tpu.memory_space<vmem>>) dst(%dma_wait3A_121 : memref<10240x128xf32, #tpu.memory_space<vmem_shared>>)
      } else {
      }
      %add3A_111 = arith.constant 2 : i32
      %add3A_112 = arith.addi %add3A_97, %add3A_111 : i32
      %lt3A_113 = arith.constant 105 : i32
      %lt3A_114 = arith.cmpi slt, %add3A_112, %lt3A_113 : i32
      %convert_element_type3A_115 = arith.extui %lt3A_114 : i1 to i32
      %cond3A_116 = arith.constant 0 : i32
      %cond3A_117 = arith.cmpi ne, %convert_element_type3A_115, %cond3A_116 : i32
      scf.if %cond3A_117 {
        %add3A_119 = arith.constant 2 : i32
        %add3A_120 = arith.addi %add3A_97, %add3A_119 : i32
        %mul3A_121 = arith.constant 96 : i32
        %mul3A_122 = arith.muli %add3A_120, %mul3A_121 : i32
        %add3A_123 = arith.addi %mul3A_2, %mul3A_122 : i32
        "tpu.region"() ({
          %run_scoped3A = tpu.sem_alloc : memref<!tpu.dma_semaphore, #tpu.memory_space<semaphore_mem>>
          %dma_start3A_124 = tpu.memref_slice %arg2[%add3A_123] : memref<322560xi32, #tpu.memory_space<hbm>> -> memref<96xi32, #tpu.memory_space<hbm>>
          %dma_start3A_125 = tpu.memref_slice %arg2[%add3A_123] : memref<322560xi32, #tpu.memory_space<hbm>> -> memref<96xi32, #tpu.memory_space<hbm>>
          tpu.enqueue_dma source(%dma_start3A_125 : memref<96xi32, #tpu.memory_space<hbm>>) target(%arg5 : memref<96xi32, #tpu.memory_space<vmem>>) target_semaphore(%run_scoped3A : memref<!tpu.dma_semaphore, #tpu.memory_space<semaphore_mem>>)
          %dma_wait3A_126 = tpu.memref_slice %arg2[%add3A_123] : memref<322560xi32, #tpu.memory_space<hbm>> -> memref<96xi32, #tpu.memory_space<hbm>>
          %dma_wait3A_127 = tpu.memref_slice %arg2[%add3A_123] : memref<322560xi32, #tpu.memory_space<hbm>> -> memref<96xi32, #tpu.memory_space<hbm>>
          tpu.wait_dma2 semaphore(%run_scoped3A : memref<!tpu.dma_semaphore, #tpu.memory_space<semaphore_mem>>) src(%dma_wait3A_127 : memref<96xi32, #tpu.memory_space<hbm>>) dst(%arg5 : memref<96xi32, #tpu.memory_space<vmem>>)
          tpu.yield
        }) : () -> ()
      } else {
      }
      %scan3A_118 = arith.constant 0 : i32
      scf.yield %scan3A_118 : i32
    }
    %scan3A_33 = arith.constant 35 : i32
    %dma_wait3A = arith.constant 0 : i32
    %dma_wait3A_34 = arith.constant 0 : i32
    %dma_wait3A_35 = tpu.memref_slice %arg8[%dma_wait3A, %dma_wait3A_34] : memref<10240x128xf32, #tpu.memory_space<vmem_shared>> -> memref<10240x128xf32, #tpu.memory_space<vmem_shared>>
    tpu.wait_indirect_dma semaphore(%arg9 : memref<!tpu.dma_semaphore, #tpu.memory_space<semaphore_mem>>) src(%arg7 : memref<96x128xf32, #tpu.memory_space<vmem>>) dst(%dma_wait3A_35 : memref<10240x128xf32, #tpu.memory_space<vmem_shared>>)
    %dma_wait3A_36 = arith.constant 0 : i32
    %dma_wait3A_37 = arith.constant 0 : i32
    %dma_wait3A_38 = tpu.memref_slice %arg8[%dma_wait3A_36, %dma_wait3A_37] : memref<10240x128xf32, #tpu.memory_space<vmem_shared>> -> memref<10240x128xf32, #tpu.memory_space<vmem_shared>>
    tpu.wait_indirect_dma semaphore(%arg10 : memref<!tpu.dma_semaphore, #tpu.memory_space<semaphore_mem>>) src(%arg7 : memref<96x128xf32, #tpu.memory_space<vmem>>) dst(%dma_wait3A_38 : memref<10240x128xf32, #tpu.memory_space<vmem_shared>>)
    %dma_wait3A_39 = arith.constant 0 : i32
    %dma_wait3A_40 = arith.constant 0 : i32
    %dma_wait3A_41 = tpu.memref_slice %arg8[%dma_wait3A_39, %dma_wait3A_40] : memref<10240x128xf32, #tpu.memory_space<vmem_shared>> -> memref<10240x128xf32, #tpu.memory_space<vmem_shared>>
    tpu.wait_indirect_dma semaphore(%arg11 : memref<!tpu.dma_semaphore, #tpu.memory_space<semaphore_mem>>) src(%arg7 : memref<96x128xf32, #tpu.memory_space<vmem>>) dst(%dma_wait3A_41 : memref<10240x128xf32, #tpu.memory_space<vmem_shared>>)
    %barrier3A_42 = arith.constant 0 : index
    tpu.barrier barrier_id(%barrier3A_42)
    %scan3A_43 = arith.constant 0 : i32
    %scan3A_44 = arith.constant 0 : i32
    %scan3A_45 = arith.constant 8 : i32
    %scan3A_46 = arith.addi %scan3A_44, %scan3A_45 : i32
    %scan3A_47 = arith.constant 1 : i32
    %scan3A_48 = scf.for %scan3A_50 = %scan3A_44 to %scan3A_46 step %scan3A_47 iter_args(%scan3A_51 = %scan3A_43) -> (i32)  : i32 {
      %mul3A_52 = arith.constant 640 : i32
      %mul3A_53 = arith.muli %arg1, %mul3A_52 : i32
      %mul3A_54 = arith.constant 80 : i32
      %mul3A_55 = arith.muli %scan3A_50, %mul3A_54 : i32
      %add3A_56 = arith.addi %mul3A_53, %mul3A_55 : i32
      "tpu.region"() ({
        %run_scoped3A = tpu.sem_alloc : memref<!tpu.dma_semaphore, #tpu.memory_space<semaphore_mem>>
        %dma_start3A = arith.constant 0 : i32
        %dma_start3A_63 = arith.constant 0 : i32
        %dma_start3A_64 = tpu.memref_slice %arg7[%dma_start3A, %dma_start3A_63] : memref<96x128xf32, #tpu.memory_space<vmem>> -> memref<80x128xf32, #tpu.memory_space<vmem>>
        %dma_start3A_65 = arith.constant 0 : i32
        %dma_start3A_66 = tpu.memref_slice %arg8[%add3A_56, %dma_start3A_65] : memref<10240x128xf32, #tpu.memory_space<vmem_shared>> -> memref<80x128xf32, #tpu.memory_space<vmem_shared>>
        %dma_start3A_67 = arith.constant 0 : i32
        %dma_start3A_68 = arith.constant 0 : i32
        %dma_start3A_69 = tpu.memref_slice %arg7[%dma_start3A_67, %dma_start3A_68] : memref<96x128xf32, #tpu.memory_space<vmem>> -> memref<80x128xf32, #tpu.memory_space<vmem>>
        %dma_start3A_70 = arith.constant 0 : i32
        %dma_start3A_71 = tpu.memref_slice %arg8[%add3A_56, %dma_start3A_70] : memref<10240x128xf32, #tpu.memory_space<vmem_shared>> -> memref<80x128xf32, #tpu.memory_space<vmem_shared>>
        tpu.enqueue_dma source(%dma_start3A_71 : memref<80x128xf32, #tpu.memory_space<vmem_shared>>) target(%dma_start3A_69 : memref<80x128xf32, #tpu.memory_space<vmem>>) target_semaphore(%run_scoped3A : memref<!tpu.dma_semaphore, #tpu.memory_space<semaphore_mem>>)
        %dma_wait3A_72 = arith.constant 0 : i32
        %dma_wait3A_73 = arith.constant 0 : i32
        %dma_wait3A_74 = tpu.memref_slice %arg7[%dma_wait3A_72, %dma_wait3A_73] : memref<96x128xf32, #tpu.memory_space<vmem>> -> memref<80x128xf32, #tpu.memory_space<vmem>>
        %dma_wait3A_75 = arith.constant 0 : i32
        %dma_wait3A_76 = tpu.memref_slice %arg8[%add3A_56, %dma_wait3A_75] : memref<10240x128xf32, #tpu.memory_space<vmem_shared>> -> memref<80x128xf32, #tpu.memory_space<vmem_shared>>
        %dma_wait3A_77 = arith.constant 0 : i32
        %dma_wait3A_78 = arith.constant 0 : i32
        %dma_wait3A_79 = tpu.memref_slice %arg7[%dma_wait3A_77, %dma_wait3A_78] : memref<96x128xf32, #tpu.memory_space<vmem>> -> memref<80x128xf32, #tpu.memory_space<vmem>>
        %dma_wait3A_80 = arith.constant 0 : i32
        %dma_wait3A_81 = tpu.memref_slice %arg8[%add3A_56, %dma_wait3A_80] : memref<10240x128xf32, #tpu.memory_space<vmem_shared>> -> memref<80x128xf32, #tpu.memory_space<vmem_shared>>
        tpu.wait_dma2 semaphore(%run_scoped3A : memref<!tpu.dma_semaphore, #tpu.memory_space<semaphore_mem>>) src(%dma_wait3A_81 : memref<80x128xf32, #tpu.memory_space<vmem_shared>>) dst(%dma_wait3A_79 : memref<80x128xf32, #tpu.memory_space<vmem>>)
        tpu.yield
      }) : () -> ()
      %mul3A_57 = arith.constant 640 : i32
      %mul3A_58 = arith.muli %arg1, %mul3A_57 : i32
      %mul3A_59 = arith.constant 80 : i32
      %mul3A_60 = arith.muli %scan3A_50, %mul3A_59 : i32
      %add3A_61 = arith.addi %mul3A_58, %mul3A_60 : i32
      "tpu.region"() ({
        %run_scoped3A = tpu.sem_alloc : memref<!tpu.dma_semaphore, #tpu.memory_space<semaphore_mem>>
        %dma_start3A = arith.constant 0 : i32
        %dma_start3A_63 = arith.constant 0 : i32
        %dma_start3A_64 = tpu.memref_slice %arg7[%dma_start3A, %dma_start3A_63] : memref<96x128xf32, #tpu.memory_space<vmem>> -> memref<80x128xf32, #tpu.memory_space<vmem>>
        %dma_start3A_65 = arith.constant 0 : i32
        %dma_start3A_66 = tpu.memref_slice %arg3[%arg0, %add3A_61, %dma_start3A_65] : memref<2x10240x128xf32, #tpu.memory_space<hbm>> -> memref<1x80x128xf32, #tpu.memory_space<hbm>>
        %dma_start3A_67 = tpu.memref_squeeze %dma_start3A_66 : memref<1x80x128xf32, #tpu.memory_space<hbm>> -> memref<80x128xf32, #tpu.memory_space<hbm>>
        %dma_start3A_68 = arith.constant 0 : i32
        %dma_start3A_69 = tpu.memref_slice %arg3[%arg0, %add3A_61, %dma_start3A_68] : memref<2x10240x128xf32, #tpu.memory_space<hbm>> -> memref<1x80x128xf32, #tpu.memory_space<hbm>>
        %dma_start3A_70 = tpu.memref_squeeze %dma_start3A_69 : memref<1x80x128xf32, #tpu.memory_space<hbm>> -> memref<80x128xf32, #tpu.memory_space<hbm>>
        %dma_start3A_71 = arith.constant 0 : i32
        %dma_start3A_72 = arith.constant 0 : i32
        %dma_start3A_73 = tpu.memref_slice %arg7[%dma_start3A_71, %dma_start3A_72] : memref<96x128xf32, #tpu.memory_space<vmem>> -> memref<80x128xf32, #tpu.memory_space<vmem>>
        tpu.enqueue_dma source(%dma_start3A_73 : memref<80x128xf32, #tpu.memory_space<vmem>>) target(%dma_start3A_70 : memref<80x128xf32, #tpu.memory_space<hbm>>) target_semaphore(%run_scoped3A : memref<!tpu.dma_semaphore, #tpu.memory_space<semaphore_mem>>)
        %dma_wait3A_74 = arith.constant 0 : i32
        %dma_wait3A_75 = arith.constant 0 : i32
        %dma_wait3A_76 = tpu.memref_slice %arg7[%dma_wait3A_74, %dma_wait3A_75] : memref<96x128xf32, #tpu.memory_space<vmem>> -> memref<80x128xf32, #tpu.memory_space<vmem>>
        %dma_wait3A_77 = arith.constant 0 : i32
        %dma_wait3A_78 = tpu.memref_slice %arg3[%arg0, %add3A_61, %dma_wait3A_77] : memref<2x10240x128xf32, #tpu.memory_space<hbm>> -> memref<1x80x128xf32, #tpu.memory_space<hbm>>
        %dma_wait3A_79 = tpu.memref_squeeze %dma_wait3A_78 : memref<1x80x128xf32, #tpu.memory_space<hbm>> -> memref<80x128xf32, #tpu.memory_space<hbm>>
        %dma_wait3A_80 = arith.constant 0 : i32
        %dma_wait3A_81 = tpu.memref_slice %arg3[%arg0, %add3A_61, %dma_wait3A_80] : memref<2x10240x128xf32, #tpu.memory_space<hbm>> -> memref<1x80x128xf32, #tpu.memory_space<hbm>>
        %dma_wait3A_82 = tpu.memref_squeeze %dma_wait3A_81 : memref<1x80x128xf32, #tpu.memory_space<hbm>> -> memref<80x128xf32, #tpu.memory_space<hbm>>
        %dma_wait3A_83 = arith.constant 0 : i32
        %dma_wait3A_84 = arith.constant 0 : i32
        %dma_wait3A_85 = tpu.memref_slice %arg7[%dma_wait3A_83, %dma_wait3A_84] : memref<96x128xf32, #tpu.memory_space<vmem>> -> memref<80x128xf32, #tpu.memory_space<vmem>>
        tpu.wait_dma2 semaphore(%run_scoped3A : memref<!tpu.dma_semaphore, #tpu.memory_space<semaphore_mem>>) src(%dma_wait3A_85 : memref<80x128xf32, #tpu.memory_space<vmem>>) dst(%dma_wait3A_82 : memref<80x128xf32, #tpu.memory_space<hbm>>)
        tpu.yield
      }) : () -> ()
      %scan3A_62 = arith.constant 0 : i32
      scf.yield %scan3A_62 : i32
    }
    %scan3A_49 = arith.constant 8 : i32
    return
  }
}

#map = affine_map<(d0, d1) -> (0, 0)>
#map1 = affine_map<(d0, d1) -> (0)>
#map2 = affine_map<(d0, d1) -> (0, 0, 0)>
module attributes {stable_mosaic.version = 14 : i64} {
  func.func @body(%arg0: i32, %arg1: i32, %arg2: memref<10000x128xf32, #tpu.memory_space<hbm>>, %arg3: memref<322560xi32, #tpu.memory_space<hbm>>, %arg4: memref<322560xi32, #tpu.memory_space<hbm>>, %arg5: memref<2x10240x128xf32, #tpu.memory_space<hbm>>, %arg6: memref<96xi32, #tpu.memory_space<vmem>>, %arg7: memref<96xi32, #tpu.memory_space<vmem>>, %arg8: memref<96xi32, #tpu.memory_space<vmem>>, %arg9: memref<96xi32, #tpu.memory_space<vmem>>, %arg10: memref<96xi32, #tpu.memory_space<vmem>>, %arg11: memref<96xi32, #tpu.memory_space<vmem>>, %arg12: memref<96x128xf32, #tpu.memory_space<vmem>>, %arg13: memref<96x128xf32, #tpu.memory_space<vmem>>, %arg14: memref<96x128xf32, #tpu.memory_space<vmem>>, %arg15: memref<10240x128xf32, #tpu.memory_space<vmem_shared>>, %arg16: memref<!tpu.dma_semaphore, #tpu.memory_space<semaphore_mem>>, %arg17: memref<!tpu.dma_semaphore, #tpu.memory_space<semaphore_mem>>, %arg18: memref<!tpu.dma_semaphore, #tpu.memory_space<semaphore_mem>>, %arg19: memref<!tpu.dma_semaphore, #tpu.memory_space<semaphore_mem>>, %arg20: memref<!tpu.dma_semaphore, #tpu.memory_space<semaphore_mem>>, %arg21: memref<!tpu.dma_semaphore, #tpu.memory_space<semaphore_mem>>) attributes {dimension_semantics = [#tpu.dimension_semantics<core_parallel>, #tpu.dimension_semantics<subcore_parallel>], iteration_bounds = array<i64: 2, 16>, scalar_prefetch = 0 : i64, scratch_operands = 16 : i64, tpu.core_type = #tpu.core_type<sc_vector_subcore>, window_params = [{transform_indices = #map}, {transform_indices = #map1}, {transform_indices = #map1}, {transform_indices = #map2}]} {
    %mul3A = arith.constant 16 : i32
    %mul3A_0 = arith.muli %arg0, %mul3A : i32
    %add3A = arith.addi %mul3A_0, %arg1 : i32
    %mul3A_1 = arith.constant 10080 : i32
    %mul3A_2 = arith.muli %add3A, %mul3A_1 : i32
    %scan3A = arith.constant 0 : i32
    %scan3A_3 = arith.constant 0 : i32
    %scan3A_4 = arith.constant 96 : i32
    %scan3A_5 = arith.addi %scan3A_3, %scan3A_4 : i32
    %scan3A_6 = arith.constant 1 : i32
    %scan3A_7 = scf.for %scan3A_52 = %scan3A_3 to %scan3A_5 step %scan3A_6 iter_args(%scan3A_53 = %scan3A) -> (i32)  : i32 {
      %scan3A_54 = arith.constant 0 : i32
      %scan3A_55 = arith.constant 0 : i32
      %scan3A_56 = arith.constant 8 : i32
      %scan3A_57 = arith.addi %scan3A_55, %scan3A_56 : i32
      %scan3A_58 = arith.constant 1 : i32
      %scan3A_59 = scf.for %scan3A_62 = %scan3A_55 to %scan3A_57 step %scan3A_58 iter_args(%scan3A_63 = %scan3A_54) -> (i32)  : i32 {
        %broadcast_in_dim3A = arith.constant 0.000000e+00 : f32
        %broadcast_in_dim3A_64 = vector.broadcast %broadcast_in_dim3A : f32 to vector<16xf32>
        %mul3A_65 = arith.constant 16 : i32
        %mul3A_66 = arith.muli %scan3A_62, %mul3A_65 : i32
        %swap3A = arith.index_cast %scan3A_52 : i32 to index
        %swap3A_67 = arith.index_cast %mul3A_66 : i32 to index
        %swap3A_68 = tpu.vector_load %arg12[%swap3A, %swap3A_67] {strides = array<i32>} : memref<96x128xf32, #tpu.memory_space<vmem>>, vector<1x16xf32>,
        %swap3A_69 = vector.shape_cast %swap3A_68 : vector<1x16xf32> to vector<16xf32>
        %swap3A_70 = vector.shape_cast %broadcast_in_dim3A_64 : vector<16xf32> to vector<1x16xf32>
        tpu.vector_store %arg12[%swap3A, %swap3A_67], %swap3A_70 {strides = array<i32>} : memref<96x128xf32, #tpu.memory_space<vmem>>, vector<1x16xf32>,
        %scan3A_71 = arith.constant 0 : i32
        scf.yield %scan3A_71 : i32
      }
      %scan3A_60 = arith.constant 8 : i32
      %scan3A_61 = arith.constant 0 : i32
      scf.yield %scan3A_61 : i32
    }
    %scan3A_8 = arith.constant 96 : i32
    %scan3A_9 = arith.constant 0 : i32
    %scan3A_10 = arith.constant 0 : i32
    %scan3A_11 = arith.constant 8 : i32
    %scan3A_12 = arith.addi %scan3A_10, %scan3A_11 : i32
    %scan3A_13 = arith.constant 1 : i32
    %scan3A_14 = scf.for %scan3A_52 = %scan3A_10 to %scan3A_12 step %scan3A_13 iter_args(%scan3A_53 = %scan3A_9) -> (i32)  : i32 {
      %mul3A_54 = arith.constant 640 : i32
      %mul3A_55 = arith.muli %arg1, %mul3A_54 : i32
      %mul3A_56 = arith.constant 80 : i32
      %mul3A_57 = arith.muli %scan3A_52, %mul3A_56 : i32
      %add3A_58 = arith.addi %mul3A_55, %mul3A_57 : i32
      "tpu.region"() ({
        %run_scoped3A = tpu.sem_alloc : memref<!tpu.dma_semaphore, #tpu.memory_space<semaphore_mem>>
        %dma_start3A_60 = arith.constant 0 : i32
        %dma_start3A_61 = arith.constant 0 : i32
        %dma_start3A_62 = tpu.memref_slice %arg12[%dma_start3A_60, %dma_start3A_61] : memref<96x128xf32, #tpu.memory_space<vmem>> -> memref<80x128xf32, #tpu.memory_space<vmem>>
        %dma_start3A_63 = arith.constant 0 : i32
        %dma_start3A_64 = tpu.memref_slice %arg15[%add3A_58, %dma_start3A_63] : memref<10240x128xf32, #tpu.memory_space<vmem_shared>> -> memref<80x128xf32, #tpu.memory_space<vmem_shared>>
        %dma_start3A_65 = arith.constant 0 : i32
        %dma_start3A_66 = tpu.memref_slice %arg15[%add3A_58, %dma_start3A_65] : memref<10240x128xf32, #tpu.memory_space<vmem_shared>> -> memref<80x128xf32, #tpu.memory_space<vmem_shared>>
        %dma_start3A_67 = arith.constant 0 : i32
        %dma_start3A_68 = arith.constant 0 : i32
        %dma_start3A_69 = tpu.memref_slice %arg12[%dma_start3A_67, %dma_start3A_68] : memref<96x128xf32, #tpu.memory_space<vmem>> -> memref<80x128xf32, #tpu.memory_space<vmem>>
        tpu.enqueue_dma source(%dma_start3A_69 : memref<80x128xf32, #tpu.memory_space<vmem>>) target(%dma_start3A_66 : memref<80x128xf32, #tpu.memory_space<vmem_shared>>) target_semaphore(%run_scoped3A : memref<!tpu.dma_semaphore, #tpu.memory_space<semaphore_mem>>)
        %dma_wait3A_70 = arith.constant 0 : i32
        %dma_wait3A_71 = arith.constant 0 : i32
        %dma_wait3A_72 = tpu.memref_slice %arg12[%dma_wait3A_70, %dma_wait3A_71] : memref<96x128xf32, #tpu.memory_space<vmem>> -> memref<80x128xf32, #tpu.memory_space<vmem>>
        %dma_wait3A_73 = arith.constant 0 : i32
        %dma_wait3A_74 = tpu.memref_slice %arg15[%add3A_58, %dma_wait3A_73] : memref<10240x128xf32, #tpu.memory_space<vmem_shared>> -> memref<80x128xf32, #tpu.memory_space<vmem_shared>>
        %dma_wait3A_75 = arith.constant 0 : i32
        %dma_wait3A_76 = tpu.memref_slice %arg15[%add3A_58, %dma_wait3A_75] : memref<10240x128xf32, #tpu.memory_space<vmem_shared>> -> memref<80x128xf32, #tpu.memory_space<vmem_shared>>
        %dma_wait3A_77 = arith.constant 0 : i32
        %dma_wait3A_78 = arith.constant 0 : i32
        %dma_wait3A_79 = tpu.memref_slice %arg12[%dma_wait3A_77, %dma_wait3A_78] : memref<96x128xf32, #tpu.memory_space<vmem>> -> memref<80x128xf32, #tpu.memory_space<vmem>>
        tpu.wait_dma2 semaphore(%run_scoped3A : memref<!tpu.dma_semaphore, #tpu.memory_space<semaphore_mem>>) src(%dma_wait3A_79 : memref<80x128xf32, #tpu.memory_space<vmem>>) dst(%dma_wait3A_76 : memref<80x128xf32, #tpu.memory_space<vmem_shared>>)
        tpu.yield
      }) : () -> ()
      %scan3A_59 = arith.constant 0 : i32
      scf.yield %scan3A_59 : i32
    }
    %scan3A_15 = arith.constant 8 : i32
    %barrier3A = arith.constant 0 : index
    tpu.barrier barrier_id(%barrier3A)
    %add3A_16 = arith.constant 0 : i32
    %add3A_17 = arith.addi %mul3A_2, %add3A_16 : i32
    "tpu.region"() ({
      %run_scoped3A = tpu.sem_alloc : memref<!tpu.dma_semaphore, #tpu.memory_space<semaphore_mem>>
      %dma_start3A_52 = tpu.memref_slice %arg4[%add3A_17] : memref<322560xi32, #tpu.memory_space<hbm>> -> memref<96xi32, #tpu.memory_space<hbm>>
      %dma_start3A_53 = tpu.memref_slice %arg4[%add3A_17] : memref<322560xi32, #tpu.memory_space<hbm>> -> memref<96xi32, #tpu.memory_space<hbm>>
      tpu.enqueue_dma source(%dma_start3A_53 : memref<96xi32, #tpu.memory_space<hbm>>) target(%arg9 : memref<96xi32, #tpu.memory_space<vmem>>) target_semaphore(%run_scoped3A : memref<!tpu.dma_semaphore, #tpu.memory_space<semaphore_mem>>)
      %dma_wait3A_54 = tpu.memref_slice %arg4[%add3A_17] : memref<322560xi32, #tpu.memory_space<hbm>> -> memref<96xi32, #tpu.memory_space<hbm>>
      %dma_wait3A_55 = tpu.memref_slice %arg4[%add3A_17] : memref<322560xi32, #tpu.memory_space<hbm>> -> memref<96xi32, #tpu.memory_space<hbm>>
      tpu.wait_dma2 semaphore(%run_scoped3A : memref<!tpu.dma_semaphore, #tpu.memory_space<semaphore_mem>>) src(%dma_wait3A_55 : memref<96xi32, #tpu.memory_space<hbm>>) dst(%arg9 : memref<96xi32, #tpu.memory_space<vmem>>)
      tpu.yield
    }) : () -> ()
    %add3A_18 = arith.constant 0 : i32
    %add3A_19 = arith.addi %mul3A_2, %add3A_18 : i32
    "tpu.region"() ({
      %run_scoped3A = tpu.sem_alloc : memref<!tpu.dma_semaphore, #tpu.memory_space<semaphore_mem>>
      %dma_start3A_52 = tpu.memref_slice %arg3[%add3A_19] : memref<322560xi32, #tpu.memory_space<hbm>> -> memref<96xi32, #tpu.memory_space<hbm>>
      %dma_start3A_53 = tpu.memref_slice %arg3[%add3A_19] : memref<322560xi32, #tpu.memory_space<hbm>> -> memref<96xi32, #tpu.memory_space<hbm>>
      tpu.enqueue_dma source(%dma_start3A_53 : memref<96xi32, #tpu.memory_space<hbm>>) target(%arg6 : memref<96xi32, #tpu.memory_space<vmem>>) target_semaphore(%run_scoped3A : memref<!tpu.dma_semaphore, #tpu.memory_space<semaphore_mem>>)
      %dma_wait3A_54 = tpu.memref_slice %arg3[%add3A_19] : memref<322560xi32, #tpu.memory_space<hbm>> -> memref<96xi32, #tpu.memory_space<hbm>>
      %dma_wait3A_55 = tpu.memref_slice %arg3[%add3A_19] : memref<322560xi32, #tpu.memory_space<hbm>> -> memref<96xi32, #tpu.memory_space<hbm>>
      tpu.wait_dma2 semaphore(%run_scoped3A : memref<!tpu.dma_semaphore, #tpu.memory_space<semaphore_mem>>) src(%dma_wait3A_55 : memref<96xi32, #tpu.memory_space<hbm>>) dst(%arg6 : memref<96xi32, #tpu.memory_space<vmem>>)
      tpu.yield
    }) : () -> ()
    %dma_start3A = arith.constant 0 : i32
    %dma_start3A_20 = arith.constant 0 : i32
    %dma_start3A_21 = tpu.memref_slice %arg2[%dma_start3A, %dma_start3A_20] : memref<10000x128xf32, #tpu.memory_space<hbm>> -> memref<10000x128xf32, #tpu.memory_space<hbm>>
    tpu.enqueue_indirect_dma source(%dma_start3A_21 : memref<10000x128xf32, #tpu.memory_space<hbm>>) target(%arg12 : memref<96x128xf32, #tpu.memory_space<vmem>>) offsets(%arg6 : memref<96xi32, #tpu.memory_space<vmem>>) semaphore(%arg16 : memref<!tpu.dma_semaphore, #tpu.memory_space<semaphore_mem>>)
    %add3A_22 = arith.constant 96 : i32
    %add3A_23 = arith.addi %mul3A_2, %add3A_22 : i32
    "tpu.region"() ({
      %run_scoped3A = tpu.sem_alloc : memref<!tpu.dma_semaphore, #tpu.memory_space<semaphore_mem>>
      %dma_start3A_52 = tpu.memref_slice %arg4[%add3A_23] : memref<322560xi32, #tpu.memory_space<hbm>> -> memref<96xi32, #tpu.memory_space<hbm>>
      %dma_start3A_53 = tpu.memref_slice %arg4[%add3A_23] : memref<322560xi32, #tpu.memory_space<hbm>> -> memref<96xi32, #tpu.memory_space<hbm>>
      tpu.enqueue_dma source(%dma_start3A_53 : memref<96xi32, #tpu.memory_space<hbm>>) target(%arg10 : memref<96xi32, #tpu.memory_space<vmem>>) target_semaphore(%run_scoped3A : memref<!tpu.dma_semaphore, #tpu.memory_space<semaphore_mem>>)
      %dma_wait3A_54 = tpu.memref_slice %arg4[%add3A_23] : memref<322560xi32, #tpu.memory_space<hbm>> -> memref<96xi32, #tpu.memory_space<hbm>>
      %dma_wait3A_55 = tpu.memref_slice %arg4[%add3A_23] : memref<322560xi32, #tpu.memory_space<hbm>> -> memref<96xi32, #tpu.memory_space<hbm>>
      tpu.wait_dma2 semaphore(%run_scoped3A : memref<!tpu.dma_semaphore, #tpu.memory_space<semaphore_mem>>) src(%dma_wait3A_55 : memref<96xi32, #tpu.memory_space<hbm>>) dst(%arg10 : memref<96xi32, #tpu.memory_space<vmem>>)
      tpu.yield
    }) : () -> ()
    %add3A_24 = arith.constant 96 : i32
    %add3A_25 = arith.addi %mul3A_2, %add3A_24 : i32
    "tpu.region"() ({
      %run_scoped3A = tpu.sem_alloc : memref<!tpu.dma_semaphore, #tpu.memory_space<semaphore_mem>>
      %dma_start3A_52 = tpu.memref_slice %arg3[%add3A_25] : memref<322560xi32, #tpu.memory_space<hbm>> -> memref<96xi32, #tpu.memory_space<hbm>>
      %dma_start3A_53 = tpu.memref_slice %arg3[%add3A_25] : memref<322560xi32, #tpu.memory_space<hbm>> -> memref<96xi32, #tpu.memory_space<hbm>>
      tpu.enqueue_dma source(%dma_start3A_53 : memref<96xi32, #tpu.memory_space<hbm>>) target(%arg7 : memref<96xi32, #tpu.memory_space<vmem>>) target_semaphore(%run_scoped3A : memref<!tpu.dma_semaphore, #tpu.memory_space<semaphore_mem>>)
      %dma_wait3A_54 = tpu.memref_slice %arg3[%add3A_25] : memref<322560xi32, #tpu.memory_space<hbm>> -> memref<96xi32, #tpu.memory_space<hbm>>
      %dma_wait3A_55 = tpu.memref_slice %arg3[%add3A_25] : memref<322560xi32, #tpu.memory_space<hbm>> -> memref<96xi32, #tpu.memory_space<hbm>>
      tpu.wait_dma2 semaphore(%run_scoped3A : memref<!tpu.dma_semaphore, #tpu.memory_space<semaphore_mem>>) src(%dma_wait3A_55 : memref<96xi32, #tpu.memory_space<hbm>>) dst(%arg7 : memref<96xi32, #tpu.memory_space<vmem>>)
      tpu.yield
    }) : () -> ()
    %dma_start3A_26 = arith.constant 0 : i32
    %dma_start3A_27 = arith.constant 0 : i32
    %dma_start3A_28 = tpu.memref_slice %arg2[%dma_start3A_26, %dma_start3A_27] : memref<10000x128xf32, #tpu.memory_space<hbm>> -> memref<10000x128xf32, #tpu.memory_space<hbm>>
    tpu.enqueue_indirect_dma source(%dma_start3A_28 : memref<10000x128xf32, #tpu.memory_space<hbm>>) target(%arg13 : memref<96x128xf32, #tpu.memory_space<vmem>>) offsets(%arg7 : memref<96xi32, #tpu.memory_space<vmem>>) semaphore(%arg17 : memref<!tpu.dma_semaphore, #tpu.memory_space<semaphore_mem>>)
    %scan3A_29 = arith.constant 0 : i32
    %scan3A_30 = arith.constant 0 : i32
    %scan3A_31 = arith.constant 35 : i32
    %scan3A_32 = arith.addi %scan3A_30, %scan3A_31 : i32
    %scan3A_33 = arith.constant 1 : i32
    %scan3A_34 = scf.for %scan3A_52 = %scan3A_30 to %scan3A_32 step %scan3A_33 iter_args(%scan3A_53 = %scan3A_29) -> (i32)  : i32 {
      %mul3A_54 = arith.constant 3 : i32
      %mul3A_55 = arith.muli %mul3A_54, %scan3A_52 : i32
      %add3A_56 = arith.constant 0 : i32
      %add3A_57 = arith.addi %mul3A_55, %add3A_56 : i32
      %dma_wait3A_58 = arith.constant 0 : i32
      %dma_wait3A_59 = arith.constant 0 : i32
      %dma_wait3A_60 = tpu.memref_slice %arg2[%dma_wait3A_58, %dma_wait3A_59] : memref<10000x128xf32, #tpu.memory_space<hbm>> -> memref<10000x128xf32, #tpu.memory_space<hbm>>
      tpu.wait_indirect_dma semaphore(%arg16 : memref<!tpu.dma_semaphore, #tpu.memory_space<semaphore_mem>>) src(%dma_wait3A_60 : memref<10000x128xf32, #tpu.memory_space<hbm>>) dst(%arg12 : memref<96x128xf32, #tpu.memory_space<vmem>>)
      %dma_start3A_61 = arith.constant 0 : i32
      %dma_start3A_62 = arith.constant 0 : i32
      %dma_start3A_63 = tpu.memref_slice %arg15[%dma_start3A_61, %dma_start3A_62] : memref<10240x128xf32, #tpu.memory_space<vmem_shared>> -> memref<10240x128xf32, #tpu.memory_space<vmem_shared>>
      tpu.enqueue_indirect_dma source(%arg12 : memref<96x128xf32, #tpu.memory_space<vmem>>) target(%dma_start3A_63 : memref<10240x128xf32, #tpu.memory_space<vmem_shared>>) offsets(%arg9 : memref<96xi32, #tpu.memory_space<vmem>>) semaphore(%arg19 : memref<!tpu.dma_semaphore, #tpu.memory_space<semaphore_mem>>) {add = true}
      %ge3A = arith.constant 1 : i32
      %ge3A_64 = arith.cmpi sge, %add3A_57, %ge3A : i32
      %add3A_65 = arith.constant 2 : i32
      %add3A_66 = arith.addi %add3A_57, %add3A_65 : i32
      %lt3A = arith.constant 105 : i32
      %lt3A_67 = arith.cmpi slt, %add3A_66, %lt3A : i32
      %and3A = arith.andi %ge3A_64, %lt3A_67 : i1
      %convert_element_type3A = arith.extui %and3A : i1 to i32
      %cond3A = arith.constant 0 : i32
      %cond3A_68 = arith.cmpi ne, %convert_element_type3A, %cond3A : i32
      scf.if %cond3A_68 {
        %dma_wait3A_131 = arith.constant 0 : i32
        %dma_wait3A_132 = arith.constant 0 : i32
        %dma_wait3A_133 = tpu.memref_slice %arg15[%dma_wait3A_131, %dma_wait3A_132] : memref<10240x128xf32, #tpu.memory_space<vmem_shared>> -> memref<10240x128xf32, #tpu.memory_space<vmem_shared>>
        tpu.wait_indirect_dma semaphore(%arg21 : memref<!tpu.dma_semaphore, #tpu.memory_space<semaphore_mem>>) src(%arg14 : memref<96x128xf32, #tpu.memory_space<vmem>>) dst(%dma_wait3A_133 : memref<10240x128xf32, #tpu.memory_space<vmem_shared>>)
      } else {
      }
      %add3A_69 = arith.constant 2 : i32
      %add3A_70 = arith.addi %add3A_57, %add3A_69 : i32
      %lt3A_71 = arith.constant 105 : i32
      %lt3A_72 = arith.cmpi slt, %add3A_70, %lt3A_71 : i32
      %convert_element_type3A_73 = arith.extui %lt3A_72 : i1 to i32
      %cond3A_74 = arith.constant 0 : i32
      %cond3A_75 = arith.cmpi ne, %convert_element_type3A_73, %cond3A_74 : i32
      scf.if %cond3A_75 {
        %add3A_131 = arith.constant 2 : i32
        %add3A_132 = arith.addi %add3A_57, %add3A_131 : i32
        %mul3A_133 = arith.constant 96 : i32
        %mul3A_134 = arith.muli %add3A_132, %mul3A_133 : i32
        %add3A_135 = arith.addi %mul3A_2, %mul3A_134 : i32
        "tpu.region"() ({
          %run_scoped3A = tpu.sem_alloc : memref<!tpu.dma_semaphore, #tpu.memory_space<semaphore_mem>>
          %dma_start3A_142 = tpu.memref_slice %arg4[%add3A_135] : memref<322560xi32, #tpu.memory_space<hbm>> -> memref<96xi32, #tpu.memory_space<hbm>>
          %dma_start3A_143 = tpu.memref_slice %arg4[%add3A_135] : memref<322560xi32, #tpu.memory_space<hbm>> -> memref<96xi32, #tpu.memory_space<hbm>>
          tpu.enqueue_dma source(%dma_start3A_143 : memref<96xi32, #tpu.memory_space<hbm>>) target(%arg11 : memref<96xi32, #tpu.memory_space<vmem>>) target_semaphore(%run_scoped3A : memref<!tpu.dma_semaphore, #tpu.memory_space<semaphore_mem>>)
          %dma_wait3A_144 = tpu.memref_slice %arg4[%add3A_135] : memref<322560xi32, #tpu.memory_space<hbm>> -> memref<96xi32, #tpu.memory_space<hbm>>
          %dma_wait3A_145 = tpu.memref_slice %arg4[%add3A_135] : memref<322560xi32, #tpu.memory_space<hbm>> -> memref<96xi32, #tpu.memory_space<hbm>>
          tpu.wait_dma2 semaphore(%run_scoped3A : memref<!tpu.dma_semaphore, #tpu.memory_space<semaphore_mem>>) src(%dma_wait3A_145 : memref<96xi32, #tpu.memory_space<hbm>>) dst(%arg11 : memref<96xi32, #tpu.memory_space<vmem>>)
          tpu.yield
        }) : () -> ()
        %mul3A_136 = arith.constant 96 : i32
        %mul3A_137 = arith.muli %add3A_132, %mul3A_136 : i32
        %add3A_138 = arith.addi %mul3A_2, %mul3A_137 : i32
        "tpu.region"() ({
          %run_scoped3A = tpu.sem_alloc : memref<!tpu.dma_semaphore, #tpu.memory_space<semaphore_mem>>
          %dma_start3A_142 = tpu.memref_slice %arg3[%add3A_138] : memref<322560xi32, #tpu.memory_space<hbm>> -> memref<96xi32, #tpu.memory_space<hbm>>
          %dma_start3A_143 = tpu.memref_slice %arg3[%add3A_138] : memref<322560xi32, #tpu.memory_space<hbm>> -> memref<96xi32, #tpu.memory_space<hbm>>
          tpu.enqueue_dma source(%dma_start3A_143 : memref<96xi32, #tpu.memory_space<hbm>>) target(%arg8 : memref<96xi32, #tpu.memory_space<vmem>>) target_semaphore(%run_scoped3A : memref<!tpu.dma_semaphore, #tpu.memory_space<semaphore_mem>>)
          %dma_wait3A_144 = tpu.memref_slice %arg3[%add3A_138] : memref<322560xi32, #tpu.memory_space<hbm>> -> memref<96xi32, #tpu.memory_space<hbm>>
          %dma_wait3A_145 = tpu.memref_slice %arg3[%add3A_138] : memref<322560xi32, #tpu.memory_space<hbm>> -> memref<96xi32, #tpu.memory_space<hbm>>
          tpu.wait_dma2 semaphore(%run_scoped3A : memref<!tpu.dma_semaphore, #tpu.memory_space<semaphore_mem>>) src(%dma_wait3A_145 : memref<96xi32, #tpu.memory_space<hbm>>) dst(%arg8 : memref<96xi32, #tpu.memory_space<vmem>>)
          tpu.yield
        }) : () -> ()
        %dma_start3A_139 = arith.constant 0 : i32
        %dma_start3A_140 = arith.constant 0 : i32
        %dma_start3A_141 = tpu.memref_slice %arg2[%dma_start3A_139, %dma_start3A_140] : memref<10000x128xf32, #tpu.memory_space<hbm>> -> memref<10000x128xf32, #tpu.memory_space<hbm>>
        tpu.enqueue_indirect_dma source(%dma_start3A_141 : memref<10000x128xf32, #tpu.memory_space<hbm>>) target(%arg14 : memref<96x128xf32, #tpu.memory_space<vmem>>) offsets(%arg8 : memref<96xi32, #tpu.memory_space<vmem>>) semaphore(%arg18 : memref<!tpu.dma_semaphore, #tpu.memory_space<semaphore_mem>>)
      } else {
      }
      %mul3A_76 = arith.constant 3 : i32
      %mul3A_77 = arith.muli %mul3A_76, %scan3A_52 : i32
      %add3A_78 = arith.constant 1 : i32
      %add3A_79 = arith.addi %mul3A_77, %add3A_78 : i32
      %dma_wait3A_80 = arith.constant 0 : i32
      %dma_wait3A_81 = arith.constant 0 : i32
      %dma_wait3A_82 = tpu.memref_slice %arg2[%dma_wait3A_80, %dma_wait3A_81] : memref<10000x128xf32, #tpu.memory_space<hbm>> -> memref<10000x128xf32, #tpu.memory_space<hbm>>
      tpu.wait_indirect_dma semaphore(%arg17 : memref<!tpu.dma_semaphore, #tpu.memory_space<semaphore_mem>>) src(%dma_wait3A_82 : memref<10000x128xf32, #tpu.memory_space<hbm>>) dst(%arg13 : memref<96x128xf32, #tpu.memory_space<vmem>>)
      %dma_start3A_83 = arith.constant 0 : i32
      %dma_start3A_84 = arith.constant 0 : i32
      %dma_start3A_85 = tpu.memref_slice %arg15[%dma_start3A_83, %dma_start3A_84] : memref<10240x128xf32, #tpu.memory_space<vmem_shared>> -> memref<10240x128xf32, #tpu.memory_space<vmem_shared>>
      tpu.enqueue_indirect_dma source(%arg13 : memref<96x128xf32, #tpu.memory_space<vmem>>) target(%dma_start3A_85 : memref<10240x128xf32, #tpu.memory_space<vmem_shared>>) offsets(%arg10 : memref<96xi32, #tpu.memory_space<vmem>>) semaphore(%arg20 : memref<!tpu.dma_semaphore, #tpu.memory_space<semaphore_mem>>) {add = true}
      %ge3A_86 = arith.constant 1 : i32
      %ge3A_87 = arith.cmpi sge, %add3A_79, %ge3A_86 : i32
      %add3A_88 = arith.constant 2 : i32
      %add3A_89 = arith.addi %add3A_79, %add3A_88 : i32
      %lt3A_90 = arith.constant 105 : i32
      %lt3A_91 = arith.cmpi slt, %add3A_89, %lt3A_90 : i32
      %and3A_92 = arith.andi %ge3A_87, %lt3A_91 : i1
      %convert_element_type3A_93 = arith.extui %and3A_92 : i1 to i32
      %cond3A_94 = arith.constant 0 : i32
      %cond3A_95 = arith.cmpi ne, %convert_element_type3A_93, %cond3A_94 : i32
      scf.if %cond3A_95 {
        %dma_wait3A_131 = arith.constant 0 : i32
        %dma_wait3A_132 = arith.constant 0 : i32
        %dma_wait3A_133 = tpu.memref_slice %arg15[%dma_wait3A_131, %dma_wait3A_132] : memref<10240x128xf32, #tpu.memory_space<vmem_shared>> -> memref<10240x128xf32, #tpu.memory_space<vmem_shared>>
        tpu.wait_indirect_dma semaphore(%arg19 : memref<!tpu.dma_semaphore, #tpu.memory_space<semaphore_mem>>) src(%arg12 : memref<96x128xf32, #tpu.memory_space<vmem>>) dst(%dma_wait3A_133 : memref<10240x128xf32, #tpu.memory_space<vmem_shared>>)
      } else {
      }
      %add3A_96 = arith.constant 2 : i32
      %add3A_97 = arith.addi %add3A_79, %add3A_96 : i32
      %lt3A_98 = arith.constant 105 : i32
      %lt3A_99 = arith.cmpi slt, %add3A_97, %lt3A_98 : i32
      %convert_element_type3A_100 = arith.extui %lt3A_99 : i1 to i32
      %cond3A_101 = arith.constant 0 : i32
      %cond3A_102 = arith.cmpi ne, %convert_element_type3A_100, %cond3A_101 : i32
      scf.if %cond3A_102 {
        %add3A_131 = arith.constant 2 : i32
        %add3A_132 = arith.addi %add3A_79, %add3A_131 : i32
        %mul3A_133 = arith.constant 96 : i32
        %mul3A_134 = arith.muli %add3A_132, %mul3A_133 : i32
        %add3A_135 = arith.addi %mul3A_2, %mul3A_134 : i32
        "tpu.region"() ({
          %run_scoped3A = tpu.sem_alloc : memref<!tpu.dma_semaphore, #tpu.memory_space<semaphore_mem>>
          %dma_start3A_142 = tpu.memref_slice %arg4[%add3A_135] : memref<322560xi32, #tpu.memory_space<hbm>> -> memref<96xi32, #tpu.memory_space<hbm>>
          %dma_start3A_143 = tpu.memref_slice %arg4[%add3A_135] : memref<322560xi32, #tpu.memory_space<hbm>> -> memref<96xi32, #tpu.memory_space<hbm>>
          tpu.enqueue_dma source(%dma_start3A_143 : memref<96xi32, #tpu.memory_space<hbm>>) target(%arg9 : memref<96xi32, #tpu.memory_space<vmem>>) target_semaphore(%run_scoped3A : memref<!tpu.dma_semaphore, #tpu.memory_space<semaphore_mem>>)
          %dma_wait3A_144 = tpu.memref_slice %arg4[%add3A_135] : memref<322560xi32, #tpu.memory_space<hbm>> -> memref<96xi32, #tpu.memory_space<hbm>>
          %dma_wait3A_145 = tpu.memref_slice %arg4[%add3A_135] : memref<322560xi32, #tpu.memory_space<hbm>> -> memref<96xi32, #tpu.memory_space<hbm>>
          tpu.wait_dma2 semaphore(%run_scoped3A : memref<!tpu.dma_semaphore, #tpu.memory_space<semaphore_mem>>) src(%dma_wait3A_145 : memref<96xi32, #tpu.memory_space<hbm>>) dst(%arg9 : memref<96xi32, #tpu.memory_space<vmem>>)
          tpu.yield
        }) : () -> ()
        %mul3A_136 = arith.constant 96 : i32
        %mul3A_137 = arith.muli %add3A_132, %mul3A_136 : i32
        %add3A_138 = arith.addi %mul3A_2, %mul3A_137 : i32
        "tpu.region"() ({
          %run_scoped3A = tpu.sem_alloc : memref<!tpu.dma_semaphore, #tpu.memory_space<semaphore_mem>>
          %dma_start3A_142 = tpu.memref_slice %arg3[%add3A_138] : memref<322560xi32, #tpu.memory_space<hbm>> -> memref<96xi32, #tpu.memory_space<hbm>>
          %dma_start3A_143 = tpu.memref_slice %arg3[%add3A_138] : memref<322560xi32, #tpu.memory_space<hbm>> -> memref<96xi32, #tpu.memory_space<hbm>>
          tpu.enqueue_dma source(%dma_start3A_143 : memref<96xi32, #tpu.memory_space<hbm>>) target(%arg6 : memref<96xi32, #tpu.memory_space<vmem>>) target_semaphore(%run_scoped3A : memref<!tpu.dma_semaphore, #tpu.memory_space<semaphore_mem>>)
          %dma_wait3A_144 = tpu.memref_slice %arg3[%add3A_138] : memref<322560xi32, #tpu.memory_space<hbm>> -> memref<96xi32, #tpu.memory_space<hbm>>
          %dma_wait3A_145 = tpu.memref_slice %arg3[%add3A_138] : memref<322560xi32, #tpu.memory_space<hbm>> -> memref<96xi32, #tpu.memory_space<hbm>>
          tpu.wait_dma2 semaphore(%run_scoped3A : memref<!tpu.dma_semaphore, #tpu.memory_space<semaphore_mem>>) src(%dma_wait3A_145 : memref<96xi32, #tpu.memory_space<hbm>>) dst(%arg6 : memref<96xi32, #tpu.memory_space<vmem>>)
          tpu.yield
        }) : () -> ()
        %dma_start3A_139 = arith.constant 0 : i32
        %dma_start3A_140 = arith.constant 0 : i32
        %dma_start3A_141 = tpu.memref_slice %arg2[%dma_start3A_139, %dma_start3A_140] : memref<10000x128xf32, #tpu.memory_space<hbm>> -> memref<10000x128xf32, #tpu.memory_space<hbm>>
        tpu.enqueue_indirect_dma source(%dma_start3A_141 : memref<10000x128xf32, #tpu.memory_space<hbm>>) target(%arg12 : memref<96x128xf32, #tpu.memory_space<vmem>>) offsets(%arg6 : memref<96xi32, #tpu.memory_space<vmem>>) semaphore(%arg16 : memref<!tpu.dma_semaphore, #tpu.memory_space<semaphore_mem>>)
      } else {
      }
      %mul3A_103 = arith.constant 3 : i32
      %mul3A_104 = arith.muli %mul3A_103, %scan3A_52 : i32
      %add3A_105 = arith.constant 2 : i32
      %add3A_106 = arith.addi %mul3A_104, %add3A_105 : i32
      %dma_wait3A_107 = arith.constant 0 : i32
      %dma_wait3A_108 = arith.constant 0 : i32
      %dma_wait3A_109 = tpu.memref_slice %arg2[%dma_wait3A_107, %dma_wait3A_108] : memref<10000x128xf32, #tpu.memory_space<hbm>> -> memref<10000x128xf32, #tpu.memory_space<hbm>>
      tpu.wait_indirect_dma semaphore(%arg18 : memref<!tpu.dma_semaphore, #tpu.memory_space<semaphore_mem>>) src(%dma_wait3A_109 : memref<10000x128xf32, #tpu.memory_space<hbm>>) dst(%arg14 : memref<96x128xf32, #tpu.memory_space<vmem>>)
      %dma_start3A_110 = arith.constant 0 : i32
      %dma_start3A_111 = arith.constant 0 : i32
      %dma_start3A_112 = tpu.memref_slice %arg15[%dma_start3A_110, %dma_start3A_111] : memref<10240x128xf32, #tpu.memory_space<vmem_shared>> -> memref<10240x128xf32, #tpu.memory_space<vmem_shared>>
      tpu.enqueue_indirect_dma source(%arg14 : memref<96x128xf32, #tpu.memory_space<vmem>>) target(%dma_start3A_112 : memref<10240x128xf32, #tpu.memory_space<vmem_shared>>) offsets(%arg11 : memref<96xi32, #tpu.memory_space<vmem>>) semaphore(%arg21 : memref<!tpu.dma_semaphore, #tpu.memory_space<semaphore_mem>>) {add = true}
      %ge3A_113 = arith.constant 1 : i32
      %ge3A_114 = arith.cmpi sge, %add3A_106, %ge3A_113 : i32
      %add3A_115 = arith.constant 2 : i32
      %add3A_116 = arith.addi %add3A_106, %add3A_115 : i32
      %lt3A_117 = arith.constant 105 : i32
      %lt3A_118 = arith.cmpi slt, %add3A_116, %lt3A_117 : i32
      %and3A_119 = arith.andi %ge3A_114, %lt3A_118 : i1
      %convert_element_type3A_120 = arith.extui %and3A_119 : i1 to i32
      %cond3A_121 = arith.constant 0 : i32
      %cond3A_122 = arith.cmpi ne, %convert_element_type3A_120, %cond3A_121 : i32
      scf.if %cond3A_122 {
        %dma_wait3A_131 = arith.constant 0 : i32
        %dma_wait3A_132 = arith.constant 0 : i32
        %dma_wait3A_133 = tpu.memref_slice %arg15[%dma_wait3A_131, %dma_wait3A_132] : memref<10240x128xf32, #tpu.memory_space<vmem_shared>> -> memref<10240x128xf32, #tpu.memory_space<vmem_shared>>
        tpu.wait_indirect_dma semaphore(%arg20 : memref<!tpu.dma_semaphore, #tpu.memory_space<semaphore_mem>>) src(%arg13 : memref<96x128xf32, #tpu.memory_space<vmem>>) dst(%dma_wait3A_133 : memref<10240x128xf32, #tpu.memory_space<vmem_shared>>)
      } else {
      }
      %add3A_123 = arith.constant 2 : i32
      %add3A_124 = arith.addi %add3A_106, %add3A_123 : i32
      %lt3A_125 = arith.constant 105 : i32
      %lt3A_126 = arith.cmpi slt, %add3A_124, %lt3A_125 : i32
      %convert_element_type3A_127 = arith.extui %lt3A_126 : i1 to i32
      %cond3A_128 = arith.constant 0 : i32
      %cond3A_129 = arith.cmpi ne, %convert_element_type3A_127, %cond3A_128 : i32
      scf.if %cond3A_129 {
        %add3A_131 = arith.constant 2 : i32
        %add3A_132 = arith.addi %add3A_106, %add3A_131 : i32
        %mul3A_133 = arith.constant 96 : i32
        %mul3A_134 = arith.muli %add3A_132, %mul3A_133 : i32
        %add3A_135 = arith.addi %mul3A_2, %mul3A_134 : i32
        "tpu.region"() ({
          %run_scoped3A = tpu.sem_alloc : memref<!tpu.dma_semaphore, #tpu.memory_space<semaphore_mem>>
          %dma_start3A_142 = tpu.memref_slice %arg4[%add3A_135] : memref<322560xi32, #tpu.memory_space<hbm>> -> memref<96xi32, #tpu.memory_space<hbm>>
          %dma_start3A_143 = tpu.memref_slice %arg4[%add3A_135] : memref<322560xi32, #tpu.memory_space<hbm>> -> memref<96xi32, #tpu.memory_space<hbm>>
          tpu.enqueue_dma source(%dma_start3A_143 : memref<96xi32, #tpu.memory_space<hbm>>) target(%arg10 : memref<96xi32, #tpu.memory_space<vmem>>) target_semaphore(%run_scoped3A : memref<!tpu.dma_semaphore, #tpu.memory_space<semaphore_mem>>)
          %dma_wait3A_144 = tpu.memref_slice %arg4[%add3A_135] : memref<322560xi32, #tpu.memory_space<hbm>> -> memref<96xi32, #tpu.memory_space<hbm>>
          %dma_wait3A_145 = tpu.memref_slice %arg4[%add3A_135] : memref<322560xi32, #tpu.memory_space<hbm>> -> memref<96xi32, #tpu.memory_space<hbm>>
          tpu.wait_dma2 semaphore(%run_scoped3A : memref<!tpu.dma_semaphore, #tpu.memory_space<semaphore_mem>>) src(%dma_wait3A_145 : memref<96xi32, #tpu.memory_space<hbm>>) dst(%arg10 : memref<96xi32, #tpu.memory_space<vmem>>)
          tpu.yield
        }) : () -> ()
        %mul3A_136 = arith.constant 96 : i32
        %mul3A_137 = arith.muli %add3A_132, %mul3A_136 : i32
        %add3A_138 = arith.addi %mul3A_2, %mul3A_137 : i32
        "tpu.region"() ({
          %run_scoped3A = tpu.sem_alloc : memref<!tpu.dma_semaphore, #tpu.memory_space<semaphore_mem>>
          %dma_start3A_142 = tpu.memref_slice %arg3[%add3A_138] : memref<322560xi32, #tpu.memory_space<hbm>> -> memref<96xi32, #tpu.memory_space<hbm>>
          %dma_start3A_143 = tpu.memref_slice %arg3[%add3A_138] : memref<322560xi32, #tpu.memory_space<hbm>> -> memref<96xi32, #tpu.memory_space<hbm>>
          tpu.enqueue_dma source(%dma_start3A_143 : memref<96xi32, #tpu.memory_space<hbm>>) target(%arg7 : memref<96xi32, #tpu.memory_space<vmem>>) target_semaphore(%run_scoped3A : memref<!tpu.dma_semaphore, #tpu.memory_space<semaphore_mem>>)
          %dma_wait3A_144 = tpu.memref_slice %arg3[%add3A_138] : memref<322560xi32, #tpu.memory_space<hbm>> -> memref<96xi32, #tpu.memory_space<hbm>>
          %dma_wait3A_145 = tpu.memref_slice %arg3[%add3A_138] : memref<322560xi32, #tpu.memory_space<hbm>> -> memref<96xi32, #tpu.memory_space<hbm>>
          tpu.wait_dma2 semaphore(%run_scoped3A : memref<!tpu.dma_semaphore, #tpu.memory_space<semaphore_mem>>) src(%dma_wait3A_145 : memref<96xi32, #tpu.memory_space<hbm>>) dst(%arg7 : memref<96xi32, #tpu.memory_space<vmem>>)
          tpu.yield
        }) : () -> ()
        %dma_start3A_139 = arith.constant 0 : i32
        %dma_start3A_140 = arith.constant 0 : i32
        %dma_start3A_141 = tpu.memref_slice %arg2[%dma_start3A_139, %dma_start3A_140] : memref<10000x128xf32, #tpu.memory_space<hbm>> -> memref<10000x128xf32, #tpu.memory_space<hbm>>
        tpu.enqueue_indirect_dma source(%dma_start3A_141 : memref<10000x128xf32, #tpu.memory_space<hbm>>) target(%arg13 : memref<96x128xf32, #tpu.memory_space<vmem>>) offsets(%arg7 : memref<96xi32, #tpu.memory_space<vmem>>) semaphore(%arg17 : memref<!tpu.dma_semaphore, #tpu.memory_space<semaphore_mem>>)
      } else {
      }
      %scan3A_130 = arith.constant 0 : i32
      scf.yield %scan3A_130 : i32
    }
    %scan3A_35 = arith.constant 35 : i32
    %dma_wait3A = arith.constant 0 : i32
    %dma_wait3A_36 = arith.constant 0 : i32
    %dma_wait3A_37 = tpu.memref_slice %arg15[%dma_wait3A, %dma_wait3A_36] : memref<10240x128xf32, #tpu.memory_space<vmem_shared>> -> memref<10240x128xf32, #tpu.memory_space<vmem_shared>>
    tpu.wait_indirect_dma semaphore(%arg19 : memref<!tpu.dma_semaphore, #tpu.memory_space<semaphore_mem>>) src(%arg12 : memref<96x128xf32, #tpu.memory_space<vmem>>) dst(%dma_wait3A_37 : memref<10240x128xf32, #tpu.memory_space<vmem_shared>>)
    %dma_wait3A_38 = arith.constant 0 : i32
    %dma_wait3A_39 = arith.constant 0 : i32
    %dma_wait3A_40 = tpu.memref_slice %arg15[%dma_wait3A_38, %dma_wait3A_39] : memref<10240x128xf32, #tpu.memory_space<vmem_shared>> -> memref<10240x128xf32, #tpu.memory_space<vmem_shared>>
    tpu.wait_indirect_dma semaphore(%arg20 : memref<!tpu.dma_semaphore, #tpu.memory_space<semaphore_mem>>) src(%arg13 : memref<96x128xf32, #tpu.memory_space<vmem>>) dst(%dma_wait3A_40 : memref<10240x128xf32, #tpu.memory_space<vmem_shared>>)
    %dma_wait3A_41 = arith.constant 0 : i32
    %dma_wait3A_42 = arith.constant 0 : i32
    %dma_wait3A_43 = tpu.memref_slice %arg15[%dma_wait3A_41, %dma_wait3A_42] : memref<10240x128xf32, #tpu.memory_space<vmem_shared>> -> memref<10240x128xf32, #tpu.memory_space<vmem_shared>>
    tpu.wait_indirect_dma semaphore(%arg21 : memref<!tpu.dma_semaphore, #tpu.memory_space<semaphore_mem>>) src(%arg14 : memref<96x128xf32, #tpu.memory_space<vmem>>) dst(%dma_wait3A_43 : memref<10240x128xf32, #tpu.memory_space<vmem_shared>>)
    %barrier3A_44 = arith.constant 0 : index
    tpu.barrier barrier_id(%barrier3A_44)
    %scan3A_45 = arith.constant 0 : i32
    %scan3A_46 = arith.constant 0 : i32
    %scan3A_47 = arith.constant 8 : i32
    %scan3A_48 = arith.addi %scan3A_46, %scan3A_47 : i32
    %scan3A_49 = arith.constant 1 : i32
    %scan3A_50 = scf.for %scan3A_52 = %scan3A_46 to %scan3A_48 step %scan3A_49 iter_args(%scan3A_53 = %scan3A_45) -> (i32)  : i32 {
      %mul3A_54 = arith.constant 640 : i32
      %mul3A_55 = arith.muli %arg1, %mul3A_54 : i32
      %mul3A_56 = arith.constant 80 : i32
      %mul3A_57 = arith.muli %scan3A_52, %mul3A_56 : i32
      %add3A_58 = arith.addi %mul3A_55, %mul3A_57 : i32
      "tpu.region"() ({
        %run_scoped3A = tpu.sem_alloc : memref<!tpu.dma_semaphore, #tpu.memory_space<semaphore_mem>>
        %dma_start3A_65 = arith.constant 0 : i32
        %dma_start3A_66 = arith.constant 0 : i32
        %dma_start3A_67 = tpu.memref_slice %arg12[%dma_start3A_65, %dma_start3A_66] : memref<96x128xf32, #tpu.memory_space<vmem>> -> memref<80x128xf32, #tpu.memory_space<vmem>>
        %dma_start3A_68 = arith.constant 0 : i32
        %dma_start3A_69 = tpu.memref_slice %arg15[%add3A_58, %dma_start3A_68] : memref<10240x128xf32, #tpu.memory_space<vmem_shared>> -> memref<80x128xf32, #tpu.memory_space<vmem_shared>>
        %dma_start3A_70 = arith.constant 0 : i32
        %dma_start3A_71 = arith.constant 0 : i32
        %dma_start3A_72 = tpu.memref_slice %arg12[%dma_start3A_70, %dma_start3A_71] : memref<96x128xf32, #tpu.memory_space<vmem>> -> memref<80x128xf32, #tpu.memory_space<vmem>>
        %dma_start3A_73 = arith.constant 0 : i32
        %dma_start3A_74 = tpu.memref_slice %arg15[%add3A_58, %dma_start3A_73] : memref<10240x128xf32, #tpu.memory_space<vmem_shared>> -> memref<80x128xf32, #tpu.memory_space<vmem_shared>>
        tpu.enqueue_dma source(%dma_start3A_74 : memref<80x128xf32, #tpu.memory_space<vmem_shared>>) target(%dma_start3A_72 : memref<80x128xf32, #tpu.memory_space<vmem>>) target_semaphore(%run_scoped3A : memref<!tpu.dma_semaphore, #tpu.memory_space<semaphore_mem>>)
        %dma_wait3A_75 = arith.constant 0 : i32
        %dma_wait3A_76 = arith.constant 0 : i32
        %dma_wait3A_77 = tpu.memref_slice %arg12[%dma_wait3A_75, %dma_wait3A_76] : memref<96x128xf32, #tpu.memory_space<vmem>> -> memref<80x128xf32, #tpu.memory_space<vmem>>
        %dma_wait3A_78 = arith.constant 0 : i32
        %dma_wait3A_79 = tpu.memref_slice %arg15[%add3A_58, %dma_wait3A_78] : memref<10240x128xf32, #tpu.memory_space<vmem_shared>> -> memref<80x128xf32, #tpu.memory_space<vmem_shared>>
        %dma_wait3A_80 = arith.constant 0 : i32
        %dma_wait3A_81 = arith.constant 0 : i32
        %dma_wait3A_82 = tpu.memref_slice %arg12[%dma_wait3A_80, %dma_wait3A_81] : memref<96x128xf32, #tpu.memory_space<vmem>> -> memref<80x128xf32, #tpu.memory_space<vmem>>
        %dma_wait3A_83 = arith.constant 0 : i32
        %dma_wait3A_84 = tpu.memref_slice %arg15[%add3A_58, %dma_wait3A_83] : memref<10240x128xf32, #tpu.memory_space<vmem_shared>> -> memref<80x128xf32, #tpu.memory_space<vmem_shared>>
        tpu.wait_dma2 semaphore(%run_scoped3A : memref<!tpu.dma_semaphore, #tpu.memory_space<semaphore_mem>>) src(%dma_wait3A_84 : memref<80x128xf32, #tpu.memory_space<vmem_shared>>) dst(%dma_wait3A_82 : memref<80x128xf32, #tpu.memory_space<vmem>>)
        tpu.yield
      }) : () -> ()
      %mul3A_59 = arith.constant 640 : i32
      %mul3A_60 = arith.muli %arg1, %mul3A_59 : i32
      %mul3A_61 = arith.constant 80 : i32
      %mul3A_62 = arith.muli %scan3A_52, %mul3A_61 : i32
      %add3A_63 = arith.addi %mul3A_60, %mul3A_62 : i32
      "tpu.region"() ({
        %run_scoped3A = tpu.sem_alloc : memref<!tpu.dma_semaphore, #tpu.memory_space<semaphore_mem>>
        %dma_start3A_65 = arith.constant 0 : i32
        %dma_start3A_66 = arith.constant 0 : i32
        %dma_start3A_67 = tpu.memref_slice %arg12[%dma_start3A_65, %dma_start3A_66] : memref<96x128xf32, #tpu.memory_space<vmem>> -> memref<80x128xf32, #tpu.memory_space<vmem>>
        %dma_start3A_68 = arith.constant 0 : i32
        %dma_start3A_69 = tpu.memref_slice %arg5[%arg0, %add3A_63, %dma_start3A_68] : memref<2x10240x128xf32, #tpu.memory_space<hbm>> -> memref<1x80x128xf32, #tpu.memory_space<hbm>>
        %dma_start3A_70 = tpu.memref_squeeze %dma_start3A_69 : memref<1x80x128xf32, #tpu.memory_space<hbm>> -> memref<80x128xf32, #tpu.memory_space<hbm>>
        %dma_start3A_71 = arith.constant 0 : i32
        %dma_start3A_72 = tpu.memref_slice %arg5[%arg0, %add3A_63, %dma_start3A_71] : memref<2x10240x128xf32, #tpu.memory_space<hbm>> -> memref<1x80x128xf32, #tpu.memory_space<hbm>>
        %dma_start3A_73 = tpu.memref_squeeze %dma_start3A_72 : memref<1x80x128xf32, #tpu.memory_space<hbm>> -> memref<80x128xf32, #tpu.memory_space<hbm>>
        %dma_start3A_74 = arith.constant 0 : i32
        %dma_start3A_75 = arith.constant 0 : i32
        %dma_start3A_76 = tpu.memref_slice %arg12[%dma_start3A_74, %dma_start3A_75] : memref<96x128xf32, #tpu.memory_space<vmem>> -> memref<80x128xf32, #tpu.memory_space<vmem>>
        tpu.enqueue_dma source(%dma_start3A_76 : memref<80x128xf32, #tpu.memory_space<vmem>>) target(%dma_start3A_73 : memref<80x128xf32, #tpu.memory_space<hbm>>) target_semaphore(%run_scoped3A : memref<!tpu.dma_semaphore, #tpu.memory_space<semaphore_mem>>)
        %dma_wait3A_77 = arith.constant 0 : i32
        %dma_wait3A_78 = arith.constant 0 : i32
        %dma_wait3A_79 = tpu.memref_slice %arg12[%dma_wait3A_77, %dma_wait3A_78] : memref<96x128xf32, #tpu.memory_space<vmem>> -> memref<80x128xf32, #tpu.memory_space<vmem>>
        %dma_wait3A_80 = arith.constant 0 : i32
        %dma_wait3A_81 = tpu.memref_slice %arg5[%arg0, %add3A_63, %dma_wait3A_80] : memref<2x10240x128xf32, #tpu.memory_space<hbm>> -> memref<1x80x128xf32, #tpu.memory_space<hbm>>
        %dma_wait3A_82 = tpu.memref_squeeze %dma_wait3A_81 : memref<1x80x128xf32, #tpu.memory_space<hbm>> -> memref<80x128xf32, #tpu.memory_space<hbm>>
        %dma_wait3A_83 = arith.constant 0 : i32
        %dma_wait3A_84 = tpu.memref_slice %arg5[%arg0, %add3A_63, %dma_wait3A_83] : memref<2x10240x128xf32, #tpu.memory_space<hbm>> -> memref<1x80x128xf32, #tpu.memory_space<hbm>>
        %dma_wait3A_85 = tpu.memref_squeeze %dma_wait3A_84 : memref<1x80x128xf32, #tpu.memory_space<hbm>> -> memref<80x128xf32, #tpu.memory_space<hbm>>
        %dma_wait3A_86 = arith.constant 0 : i32
        %dma_wait3A_87 = arith.constant 0 : i32
        %dma_wait3A_88 = tpu.memref_slice %arg12[%dma_wait3A_86, %dma_wait3A_87] : memref<96x128xf32, #tpu.memory_space<vmem>> -> memref<80x128xf32, #tpu.memory_space<vmem>>
        tpu.wait_dma2 semaphore(%run_scoped3A : memref<!tpu.dma_semaphore, #tpu.memory_space<semaphore_mem>>) src(%dma_wait3A_88 : memref<80x128xf32, #tpu.memory_space<vmem>>) dst(%dma_wait3A_85 : memref<80x128xf32, #tpu.memory_space<hbm>>)
        tpu.yield
      }) : () -> ()
      %scan3A_64 = arith.constant 0 : i32
      scf.yield %scan3A_64 : i32
    }
    %scan3A_51 = arith.constant 8 : i32
    return
  }
}

#map = affine_map<(d0, d1) -> (0, 0)>
#map1 = affine_map<(d0, d1) -> (0)>
#map2 = affine_map<(d0, d1) -> (0, 0, 0)>
module attributes {stable_mosaic.version = 14 : i64} {
  func.func @body(%arg0: i32, %arg1: i32, %arg2: memref<10000x128xf32, #tpu.memory_space<hbm>>, %arg3: memref<322560xi32, #tpu.memory_space<hbm>>, %arg4: memref<322560xi32, #tpu.memory_space<hbm>>, %arg5: memref<2x10240x128xf32, #tpu.memory_space<hbm>>, %arg6: memref<96xi32, #tpu.memory_space<vmem>>, %arg7: memref<96xi32, #tpu.memory_space<vmem>>, %arg8: memref<96xi32, #tpu.memory_space<vmem>>, %arg9: memref<96xi32, #tpu.memory_space<vmem>>, %arg10: memref<96xi32, #tpu.memory_space<vmem>>, %arg11: memref<96xi32, #tpu.memory_space<vmem>>, %arg12: memref<96x128xf32, #tpu.memory_space<vmem>>, %arg13: memref<96x128xf32, #tpu.memory_space<vmem>>, %arg14: memref<96x128xf32, #tpu.memory_space<vmem>>, %arg15: memref<10240x128xf32, #tpu.memory_space<vmem_shared>>, %arg16: memref<!tpu.dma_semaphore, #tpu.memory_space<semaphore_mem>>, %arg17: memref<!tpu.dma_semaphore, #tpu.memory_space<semaphore_mem>>, %arg18: memref<!tpu.dma_semaphore, #tpu.memory_space<semaphore_mem>>, %arg19: memref<!tpu.dma_semaphore, #tpu.memory_space<semaphore_mem>>, %arg20: memref<!tpu.dma_semaphore, #tpu.memory_space<semaphore_mem>>, %arg21: memref<!tpu.dma_semaphore, #tpu.memory_space<semaphore_mem>>) attributes {dimension_semantics = [#tpu.dimension_semantics<core_parallel>, #tpu.dimension_semantics<subcore_parallel>], iteration_bounds = array<i64: 2, 16>, scalar_prefetch = 0 : i64, scratch_operands = 16 : i64, tpu.core_type = #tpu.core_type<sc_vector_subcore>, window_params = [{transform_indices = #map}, {transform_indices = #map1}, {transform_indices = #map1}, {transform_indices = #map2}]} {
    %mul3A = arith.constant 16 : i32
    %mul3A_0 = arith.muli %arg0, %mul3A : i32
    %add3A = arith.addi %mul3A_0, %arg1 : i32
    %mul3A_1 = arith.constant 10080 : i32
    %mul3A_2 = arith.muli %add3A, %mul3A_1 : i32
    %scan3A = arith.constant 0 : i32
    %scan3A_3 = arith.constant 0 : i32
    %scan3A_4 = arith.constant 96 : i32
    %scan3A_5 = arith.addi %scan3A_3, %scan3A_4 : i32
    %scan3A_6 = arith.constant 1 : i32
    %scan3A_7 = scf.for %scan3A_52 = %scan3A_3 to %scan3A_5 step %scan3A_6 iter_args(%scan3A_53 = %scan3A) -> (i32)  : i32 {
      %scan3A_54 = arith.constant 0 : i32
      %scan3A_55 = arith.constant 0 : i32
      %scan3A_56 = arith.constant 8 : i32
      %scan3A_57 = arith.addi %scan3A_55, %scan3A_56 : i32
      %scan3A_58 = arith.constant 1 : i32
      %scan3A_59 = scf.for %scan3A_62 = %scan3A_55 to %scan3A_57 step %scan3A_58 iter_args(%scan3A_63 = %scan3A_54) -> (i32)  : i32 {
        %broadcast_in_dim3A = arith.constant 0.000000e+00 : f32
        %broadcast_in_dim3A_64 = vector.broadcast %broadcast_in_dim3A : f32 to vector<16xf32>
        %mul3A_65 = arith.constant 16 : i32
        %mul3A_66 = arith.muli %scan3A_62, %mul3A_65 : i32
        %swap3A = arith.index_cast %scan3A_52 : i32 to index
        %swap3A_67 = arith.index_cast %mul3A_66 : i32 to index
        %swap3A_68 = tpu.vector_load %arg12[%swap3A, %swap3A_67] {strides = array<i32>} : memref<96x128xf32, #tpu.memory_space<vmem>>, vector<1x16xf32>,
        %swap3A_69 = vector.shape_cast %swap3A_68 : vector<1x16xf32> to vector<16xf32>
        %swap3A_70 = vector.shape_cast %broadcast_in_dim3A_64 : vector<16xf32> to vector<1x16xf32>
        tpu.vector_store %arg12[%swap3A, %swap3A_67], %swap3A_70 {strides = array<i32>} : memref<96x128xf32, #tpu.memory_space<vmem>>, vector<1x16xf32>,
        %scan3A_71 = arith.constant 0 : i32
        scf.yield %scan3A_71 : i32
      }
      %scan3A_60 = arith.constant 8 : i32
      %scan3A_61 = arith.constant 0 : i32
      scf.yield %scan3A_61 : i32
    }
    %scan3A_8 = arith.constant 96 : i32
    %scan3A_9 = arith.constant 0 : i32
    %scan3A_10 = arith.constant 0 : i32
    %scan3A_11 = arith.constant 8 : i32
    %scan3A_12 = arith.addi %scan3A_10, %scan3A_11 : i32
    %scan3A_13 = arith.constant 1 : i32
    %scan3A_14 = scf.for %scan3A_52 = %scan3A_10 to %scan3A_12 step %scan3A_13 iter_args(%scan3A_53 = %scan3A_9) -> (i32)  : i32 {
      %mul3A_54 = arith.constant 640 : i32
      %mul3A_55 = arith.muli %arg1, %mul3A_54 : i32
      %mul3A_56 = arith.constant 80 : i32
      %mul3A_57 = arith.muli %scan3A_52, %mul3A_56 : i32
      %add3A_58 = arith.addi %mul3A_55, %mul3A_57 : i32
      "tpu.region"() ({
        %run_scoped3A = tpu.sem_alloc : memref<!tpu.dma_semaphore, #tpu.memory_space<semaphore_mem>>
        %dma_start3A_60 = arith.constant 0 : i32
        %dma_start3A_61 = arith.constant 0 : i32
        %dma_start3A_62 = tpu.memref_slice %arg12[%dma_start3A_60, %dma_start3A_61] : memref<96x128xf32, #tpu.memory_space<vmem>> -> memref<80x128xf32, #tpu.memory_space<vmem>>
        %dma_start3A_63 = arith.constant 0 : i32
        %dma_start3A_64 = tpu.memref_slice %arg15[%add3A_58, %dma_start3A_63] : memref<10240x128xf32, #tpu.memory_space<vmem_shared>> -> memref<80x128xf32, #tpu.memory_space<vmem_shared>>
        %dma_start3A_65 = arith.constant 0 : i32
        %dma_start3A_66 = tpu.memref_slice %arg15[%add3A_58, %dma_start3A_65] : memref<10240x128xf32, #tpu.memory_space<vmem_shared>> -> memref<80x128xf32, #tpu.memory_space<vmem_shared>>
        %dma_start3A_67 = arith.constant 0 : i32
        %dma_start3A_68 = arith.constant 0 : i32
        %dma_start3A_69 = tpu.memref_slice %arg12[%dma_start3A_67, %dma_start3A_68] : memref<96x128xf32, #tpu.memory_space<vmem>> -> memref<80x128xf32, #tpu.memory_space<vmem>>
        tpu.enqueue_dma source(%dma_start3A_69 : memref<80x128xf32, #tpu.memory_space<vmem>>) target(%dma_start3A_66 : memref<80x128xf32, #tpu.memory_space<vmem_shared>>) target_semaphore(%run_scoped3A : memref<!tpu.dma_semaphore, #tpu.memory_space<semaphore_mem>>)
        %dma_wait3A_70 = arith.constant 0 : i32
        %dma_wait3A_71 = arith.constant 0 : i32
        %dma_wait3A_72 = tpu.memref_slice %arg12[%dma_wait3A_70, %dma_wait3A_71] : memref<96x128xf32, #tpu.memory_space<vmem>> -> memref<80x128xf32, #tpu.memory_space<vmem>>
        %dma_wait3A_73 = arith.constant 0 : i32
        %dma_wait3A_74 = tpu.memref_slice %arg15[%add3A_58, %dma_wait3A_73] : memref<10240x128xf32, #tpu.memory_space<vmem_shared>> -> memref<80x128xf32, #tpu.memory_space<vmem_shared>>
        %dma_wait3A_75 = arith.constant 0 : i32
        %dma_wait3A_76 = tpu.memref_slice %arg15[%add3A_58, %dma_wait3A_75] : memref<10240x128xf32, #tpu.memory_space<vmem_shared>> -> memref<80x128xf32, #tpu.memory_space<vmem_shared>>
        %dma_wait3A_77 = arith.constant 0 : i32
        %dma_wait3A_78 = arith.constant 0 : i32
        %dma_wait3A_79 = tpu.memref_slice %arg12[%dma_wait3A_77, %dma_wait3A_78] : memref<96x128xf32, #tpu.memory_space<vmem>> -> memref<80x128xf32, #tpu.memory_space<vmem>>
        tpu.wait_dma2 semaphore(%run_scoped3A : memref<!tpu.dma_semaphore, #tpu.memory_space<semaphore_mem>>) src(%dma_wait3A_79 : memref<80x128xf32, #tpu.memory_space<vmem>>) dst(%dma_wait3A_76 : memref<80x128xf32, #tpu.memory_space<vmem_shared>>)
        tpu.yield
      }) : () -> ()
      %scan3A_59 = arith.constant 0 : i32
      scf.yield %scan3A_59 : i32
    }
    %scan3A_15 = arith.constant 8 : i32
    %barrier3A = arith.constant 0 : index
    tpu.barrier barrier_id(%barrier3A)
    %add3A_16 = arith.constant 0 : i32
    %add3A_17 = arith.addi %mul3A_2, %add3A_16 : i32
    "tpu.region"() ({
      %run_scoped3A = tpu.sem_alloc : memref<!tpu.dma_semaphore, #tpu.memory_space<semaphore_mem>>
      %dma_start3A_52 = tpu.memref_slice %arg4[%add3A_17] : memref<322560xi32, #tpu.memory_space<hbm>> -> memref<96xi32, #tpu.memory_space<hbm>>
      %dma_start3A_53 = tpu.memref_slice %arg4[%add3A_17] : memref<322560xi32, #tpu.memory_space<hbm>> -> memref<96xi32, #tpu.memory_space<hbm>>
      tpu.enqueue_dma source(%dma_start3A_53 : memref<96xi32, #tpu.memory_space<hbm>>) target(%arg9 : memref<96xi32, #tpu.memory_space<vmem>>) target_semaphore(%run_scoped3A : memref<!tpu.dma_semaphore, #tpu.memory_space<semaphore_mem>>)
      %dma_wait3A_54 = tpu.memref_slice %arg4[%add3A_17] : memref<322560xi32, #tpu.memory_space<hbm>> -> memref<96xi32, #tpu.memory_space<hbm>>
      %dma_wait3A_55 = tpu.memref_slice %arg4[%add3A_17] : memref<322560xi32, #tpu.memory_space<hbm>> -> memref<96xi32, #tpu.memory_space<hbm>>
      tpu.wait_dma2 semaphore(%run_scoped3A : memref<!tpu.dma_semaphore, #tpu.memory_space<semaphore_mem>>) src(%dma_wait3A_55 : memref<96xi32, #tpu.memory_space<hbm>>) dst(%arg9 : memref<96xi32, #tpu.memory_space<vmem>>)
      tpu.yield
    }) : () -> ()
    %add3A_18 = arith.constant 0 : i32
    %add3A_19 = arith.addi %mul3A_2, %add3A_18 : i32
    "tpu.region"() ({
      %run_scoped3A = tpu.sem_alloc : memref<!tpu.dma_semaphore, #tpu.memory_space<semaphore_mem>>
      %dma_start3A_52 = tpu.memref_slice %arg3[%add3A_19] : memref<322560xi32, #tpu.memory_space<hbm>> -> memref<96xi32, #tpu.memory_space<hbm>>
      %dma_start3A_53 = tpu.memref_slice %arg3[%add3A_19] : memref<322560xi32, #tpu.memory_space<hbm>> -> memref<96xi32, #tpu.memory_space<hbm>>
      tpu.enqueue_dma source(%dma_start3A_53 : memref<96xi32, #tpu.memory_space<hbm>>) target(%arg6 : memref<96xi32, #tpu.memory_space<vmem>>) target_semaphore(%run_scoped3A : memref<!tpu.dma_semaphore, #tpu.memory_space<semaphore_mem>>)
      %dma_wait3A_54 = tpu.memref_slice %arg3[%add3A_19] : memref<322560xi32, #tpu.memory_space<hbm>> -> memref<96xi32, #tpu.memory_space<hbm>>
      %dma_wait3A_55 = tpu.memref_slice %arg3[%add3A_19] : memref<322560xi32, #tpu.memory_space<hbm>> -> memref<96xi32, #tpu.memory_space<hbm>>
      tpu.wait_dma2 semaphore(%run_scoped3A : memref<!tpu.dma_semaphore, #tpu.memory_space<semaphore_mem>>) src(%dma_wait3A_55 : memref<96xi32, #tpu.memory_space<hbm>>) dst(%arg6 : memref<96xi32, #tpu.memory_space<vmem>>)
      tpu.yield
    }) : () -> ()
    %dma_start3A = arith.constant 0 : i32
    %dma_start3A_20 = arith.constant 0 : i32
    %dma_start3A_21 = tpu.memref_slice %arg2[%dma_start3A, %dma_start3A_20] : memref<10000x128xf32, #tpu.memory_space<hbm>> -> memref<10000x128xf32, #tpu.memory_space<hbm>>
    tpu.enqueue_indirect_dma source(%dma_start3A_21 : memref<10000x128xf32, #tpu.memory_space<hbm>>) target(%arg12 : memref<96x128xf32, #tpu.memory_space<vmem>>) offsets(%arg6 : memref<96xi32, #tpu.memory_space<vmem>>) semaphore(%arg16 : memref<!tpu.dma_semaphore, #tpu.memory_space<semaphore_mem>>)
    %add3A_22 = arith.constant 96 : i32
    %add3A_23 = arith.addi %mul3A_2, %add3A_22 : i32
    "tpu.region"() ({
      %run_scoped3A = tpu.sem_alloc : memref<!tpu.dma_semaphore, #tpu.memory_space<semaphore_mem>>
      %dma_start3A_52 = tpu.memref_slice %arg4[%add3A_23] : memref<322560xi32, #tpu.memory_space<hbm>> -> memref<96xi32, #tpu.memory_space<hbm>>
      %dma_start3A_53 = tpu.memref_slice %arg4[%add3A_23] : memref<322560xi32, #tpu.memory_space<hbm>> -> memref<96xi32, #tpu.memory_space<hbm>>
      tpu.enqueue_dma source(%dma_start3A_53 : memref<96xi32, #tpu.memory_space<hbm>>) target(%arg10 : memref<96xi32, #tpu.memory_space<vmem>>) target_semaphore(%run_scoped3A : memref<!tpu.dma_semaphore, #tpu.memory_space<semaphore_mem>>)
      %dma_wait3A_54 = tpu.memref_slice %arg4[%add3A_23] : memref<322560xi32, #tpu.memory_space<hbm>> -> memref<96xi32, #tpu.memory_space<hbm>>
      %dma_wait3A_55 = tpu.memref_slice %arg4[%add3A_23] : memref<322560xi32, #tpu.memory_space<hbm>> -> memref<96xi32, #tpu.memory_space<hbm>>
      tpu.wait_dma2 semaphore(%run_scoped3A : memref<!tpu.dma_semaphore, #tpu.memory_space<semaphore_mem>>) src(%dma_wait3A_55 : memref<96xi32, #tpu.memory_space<hbm>>) dst(%arg10 : memref<96xi32, #tpu.memory_space<vmem>>)
      tpu.yield
    }) : () -> ()
    %add3A_24 = arith.constant 96 : i32
    %add3A_25 = arith.addi %mul3A_2, %add3A_24 : i32
    "tpu.region"() ({
      %run_scoped3A = tpu.sem_alloc : memref<!tpu.dma_semaphore, #tpu.memory_space<semaphore_mem>>
      %dma_start3A_52 = tpu.memref_slice %arg3[%add3A_25] : memref<322560xi32, #tpu.memory_space<hbm>> -> memref<96xi32, #tpu.memory_space<hbm>>
      %dma_start3A_53 = tpu.memref_slice %arg3[%add3A_25] : memref<322560xi32, #tpu.memory_space<hbm>> -> memref<96xi32, #tpu.memory_space<hbm>>
      tpu.enqueue_dma source(%dma_start3A_53 : memref<96xi32, #tpu.memory_space<hbm>>) target(%arg7 : memref<96xi32, #tpu.memory_space<vmem>>) target_semaphore(%run_scoped3A : memref<!tpu.dma_semaphore, #tpu.memory_space<semaphore_mem>>)
      %dma_wait3A_54 = tpu.memref_slice %arg3[%add3A_25] : memref<322560xi32, #tpu.memory_space<hbm>> -> memref<96xi32, #tpu.memory_space<hbm>>
      %dma_wait3A_55 = tpu.memref_slice %arg3[%add3A_25] : memref<322560xi32, #tpu.memory_space<hbm>> -> memref<96xi32, #tpu.memory_space<hbm>>
      tpu.wait_dma2 semaphore(%run_scoped3A : memref<!tpu.dma_semaphore, #tpu.memory_space<semaphore_mem>>) src(%dma_wait3A_55 : memref<96xi32, #tpu.memory_space<hbm>>) dst(%arg7 : memref<96xi32, #tpu.memory_space<vmem>>)
      tpu.yield
    }) : () -> ()
    %dma_start3A_26 = arith.constant 0 : i32
    %dma_start3A_27 = arith.constant 0 : i32
    %dma_start3A_28 = tpu.memref_slice %arg2[%dma_start3A_26, %dma_start3A_27] : memref<10000x128xf32, #tpu.memory_space<hbm>> -> memref<10000x128xf32, #tpu.memory_space<hbm>>
    tpu.enqueue_indirect_dma source(%dma_start3A_28 : memref<10000x128xf32, #tpu.memory_space<hbm>>) target(%arg13 : memref<96x128xf32, #tpu.memory_space<vmem>>) offsets(%arg7 : memref<96xi32, #tpu.memory_space<vmem>>) semaphore(%arg17 : memref<!tpu.dma_semaphore, #tpu.memory_space<semaphore_mem>>)
    %scan3A_29 = arith.constant 0 : i32
    %scan3A_30 = arith.constant 0 : i32
    %scan3A_31 = arith.constant 35 : i32
    %scan3A_32 = arith.addi %scan3A_30, %scan3A_31 : i32
    %scan3A_33 = arith.constant 1 : i32
    %scan3A_34 = scf.for %scan3A_52 = %scan3A_30 to %scan3A_32 step %scan3A_33 iter_args(%scan3A_53 = %scan3A_29) -> (i32)  : i32 {
      %mul3A_54 = arith.constant 3 : i32
      %mul3A_55 = arith.muli %mul3A_54, %scan3A_52 : i32
      %add3A_56 = arith.constant 0 : i32
      %add3A_57 = arith.addi %mul3A_55, %add3A_56 : i32
      %dma_wait3A_58 = arith.constant 0 : i32
      %dma_wait3A_59 = arith.constant 0 : i32
      %dma_wait3A_60 = tpu.memref_slice %arg2[%dma_wait3A_58, %dma_wait3A_59] : memref<10000x128xf32, #tpu.memory_space<hbm>> -> memref<10000x128xf32, #tpu.memory_space<hbm>>
      tpu.wait_indirect_dma semaphore(%arg16 : memref<!tpu.dma_semaphore, #tpu.memory_space<semaphore_mem>>) src(%dma_wait3A_60 : memref<10000x128xf32, #tpu.memory_space<hbm>>) dst(%arg12 : memref<96x128xf32, #tpu.memory_space<vmem>>)
      %dma_start3A_61 = arith.constant 0 : i32
      %dma_start3A_62 = arith.constant 0 : i32
      %dma_start3A_63 = tpu.memref_slice %arg15[%dma_start3A_61, %dma_start3A_62] : memref<10240x128xf32, #tpu.memory_space<vmem_shared>> -> memref<10240x128xf32, #tpu.memory_space<vmem_shared>>
      tpu.enqueue_indirect_dma source(%arg12 : memref<96x128xf32, #tpu.memory_space<vmem>>) target(%dma_start3A_63 : memref<10240x128xf32, #tpu.memory_space<vmem_shared>>) offsets(%arg9 : memref<96xi32, #tpu.memory_space<vmem>>) semaphore(%arg19 : memref<!tpu.dma_semaphore, #tpu.memory_space<semaphore_mem>>) {add = true}
      %ge3A = arith.constant 1 : i32
      %ge3A_64 = arith.cmpi sge, %add3A_57, %ge3A : i32
      %add3A_65 = arith.constant 2 : i32
      %add3A_66 = arith.addi %add3A_57, %add3A_65 : i32
      %lt3A = arith.constant 105 : i32
      %lt3A_67 = arith.cmpi slt, %add3A_66, %lt3A : i32
      %and3A = arith.andi %ge3A_64, %lt3A_67 : i1
      %convert_element_type3A = arith.extui %and3A : i1 to i32
      %cond3A = arith.constant 0 : i32
      %cond3A_68 = arith.cmpi ne, %convert_element_type3A, %cond3A : i32
      scf.if %cond3A_68 {
        %dma_wait3A_131 = arith.constant 0 : i32
        %dma_wait3A_132 = arith.constant 0 : i32
        %dma_wait3A_133 = tpu.memref_slice %arg15[%dma_wait3A_131, %dma_wait3A_132] : memref<10240x128xf32, #tpu.memory_space<vmem_shared>> -> memref<10240x128xf32, #tpu.memory_space<vmem_shared>>
        tpu.wait_indirect_dma semaphore(%arg21 : memref<!tpu.dma_semaphore, #tpu.memory_space<semaphore_mem>>) src(%arg14 : memref<96x128xf32, #tpu.memory_space<vmem>>) dst(%dma_wait3A_133 : memref<10240x128xf32, #tpu.memory_space<vmem_shared>>)
      } else {
      }
      %add3A_69 = arith.constant 2 : i32
      %add3A_70 = arith.addi %add3A_57, %add3A_69 : i32
      %lt3A_71 = arith.constant 105 : i32
      %lt3A_72 = arith.cmpi slt, %add3A_70, %lt3A_71 : i32
      %convert_element_type3A_73 = arith.extui %lt3A_72 : i1 to i32
      %cond3A_74 = arith.constant 0 : i32
      %cond3A_75 = arith.cmpi ne, %convert_element_type3A_73, %cond3A_74 : i32
      scf.if %cond3A_75 {
        %add3A_131 = arith.constant 2 : i32
        %add3A_132 = arith.addi %add3A_57, %add3A_131 : i32
        %mul3A_133 = arith.constant 96 : i32
        %mul3A_134 = arith.muli %add3A_132, %mul3A_133 : i32
        %add3A_135 = arith.addi %mul3A_2, %mul3A_134 : i32
        "tpu.region"() ({
          %run_scoped3A = tpu.sem_alloc : memref<!tpu.dma_semaphore, #tpu.memory_space<semaphore_mem>>
          %dma_start3A_142 = tpu.memref_slice %arg4[%add3A_135] : memref<322560xi32, #tpu.memory_space<hbm>> -> memref<96xi32, #tpu.memory_space<hbm>>
          %dma_start3A_143 = tpu.memref_slice %arg4[%add3A_135] : memref<322560xi32, #tpu.memory_space<hbm>> -> memref<96xi32, #tpu.memory_space<hbm>>
          tpu.enqueue_dma source(%dma_start3A_143 : memref<96xi32, #tpu.memory_space<hbm>>) target(%arg11 : memref<96xi32, #tpu.memory_space<vmem>>) target_semaphore(%run_scoped3A : memref<!tpu.dma_semaphore, #tpu.memory_space<semaphore_mem>>)
          %dma_wait3A_144 = tpu.memref_slice %arg4[%add3A_135] : memref<322560xi32, #tpu.memory_space<hbm>> -> memref<96xi32, #tpu.memory_space<hbm>>
          %dma_wait3A_145 = tpu.memref_slice %arg4[%add3A_135] : memref<322560xi32, #tpu.memory_space<hbm>> -> memref<96xi32, #tpu.memory_space<hbm>>
          tpu.wait_dma2 semaphore(%run_scoped3A : memref<!tpu.dma_semaphore, #tpu.memory_space<semaphore_mem>>) src(%dma_wait3A_145 : memref<96xi32, #tpu.memory_space<hbm>>) dst(%arg11 : memref<96xi32, #tpu.memory_space<vmem>>)
          tpu.yield
        }) : () -> ()
        %mul3A_136 = arith.constant 96 : i32
        %mul3A_137 = arith.muli %add3A_132, %mul3A_136 : i32
        %add3A_138 = arith.addi %mul3A_2, %mul3A_137 : i32
        "tpu.region"() ({
          %run_scoped3A = tpu.sem_alloc : memref<!tpu.dma_semaphore, #tpu.memory_space<semaphore_mem>>
          %dma_start3A_142 = tpu.memref_slice %arg3[%add3A_138] : memref<322560xi32, #tpu.memory_space<hbm>> -> memref<96xi32, #tpu.memory_space<hbm>>
          %dma_start3A_143 = tpu.memref_slice %arg3[%add3A_138] : memref<322560xi32, #tpu.memory_space<hbm>> -> memref<96xi32, #tpu.memory_space<hbm>>
          tpu.enqueue_dma source(%dma_start3A_143 : memref<96xi32, #tpu.memory_space<hbm>>) target(%arg8 : memref<96xi32, #tpu.memory_space<vmem>>) target_semaphore(%run_scoped3A : memref<!tpu.dma_semaphore, #tpu.memory_space<semaphore_mem>>)
          %dma_wait3A_144 = tpu.memref_slice %arg3[%add3A_138] : memref<322560xi32, #tpu.memory_space<hbm>> -> memref<96xi32, #tpu.memory_space<hbm>>
          %dma_wait3A_145 = tpu.memref_slice %arg3[%add3A_138] : memref<322560xi32, #tpu.memory_space<hbm>> -> memref<96xi32, #tpu.memory_space<hbm>>
          tpu.wait_dma2 semaphore(%run_scoped3A : memref<!tpu.dma_semaphore, #tpu.memory_space<semaphore_mem>>) src(%dma_wait3A_145 : memref<96xi32, #tpu.memory_space<hbm>>) dst(%arg8 : memref<96xi32, #tpu.memory_space<vmem>>)
          tpu.yield
        }) : () -> ()
        %dma_start3A_139 = arith.constant 0 : i32
        %dma_start3A_140 = arith.constant 0 : i32
        %dma_start3A_141 = tpu.memref_slice %arg2[%dma_start3A_139, %dma_start3A_140] : memref<10000x128xf32, #tpu.memory_space<hbm>> -> memref<10000x128xf32, #tpu.memory_space<hbm>>
        tpu.enqueue_indirect_dma source(%dma_start3A_141 : memref<10000x128xf32, #tpu.memory_space<hbm>>) target(%arg14 : memref<96x128xf32, #tpu.memory_space<vmem>>) offsets(%arg8 : memref<96xi32, #tpu.memory_space<vmem>>) semaphore(%arg18 : memref<!tpu.dma_semaphore, #tpu.memory_space<semaphore_mem>>)
      } else {
      }
      %mul3A_76 = arith.constant 3 : i32
      %mul3A_77 = arith.muli %mul3A_76, %scan3A_52 : i32
      %add3A_78 = arith.constant 1 : i32
      %add3A_79 = arith.addi %mul3A_77, %add3A_78 : i32
      %dma_wait3A_80 = arith.constant 0 : i32
      %dma_wait3A_81 = arith.constant 0 : i32
      %dma_wait3A_82 = tpu.memref_slice %arg2[%dma_wait3A_80, %dma_wait3A_81] : memref<10000x128xf32, #tpu.memory_space<hbm>> -> memref<10000x128xf32, #tpu.memory_space<hbm>>
      tpu.wait_indirect_dma semaphore(%arg17 : memref<!tpu.dma_semaphore, #tpu.memory_space<semaphore_mem>>) src(%dma_wait3A_82 : memref<10000x128xf32, #tpu.memory_space<hbm>>) dst(%arg13 : memref<96x128xf32, #tpu.memory_space<vmem>>)
      %dma_start3A_83 = arith.constant 0 : i32
      %dma_start3A_84 = arith.constant 0 : i32
      %dma_start3A_85 = tpu.memref_slice %arg15[%dma_start3A_83, %dma_start3A_84] : memref<10240x128xf32, #tpu.memory_space<vmem_shared>> -> memref<10240x128xf32, #tpu.memory_space<vmem_shared>>
      tpu.enqueue_indirect_dma source(%arg13 : memref<96x128xf32, #tpu.memory_space<vmem>>) target(%dma_start3A_85 : memref<10240x128xf32, #tpu.memory_space<vmem_shared>>) offsets(%arg10 : memref<96xi32, #tpu.memory_space<vmem>>) semaphore(%arg20 : memref<!tpu.dma_semaphore, #tpu.memory_space<semaphore_mem>>) {add = true}
      %ge3A_86 = arith.constant 1 : i32
      %ge3A_87 = arith.cmpi sge, %add3A_79, %ge3A_86 : i32
      %add3A_88 = arith.constant 2 : i32
      %add3A_89 = arith.addi %add3A_79, %add3A_88 : i32
      %lt3A_90 = arith.constant 105 : i32
      %lt3A_91 = arith.cmpi slt, %add3A_89, %lt3A_90 : i32
      %and3A_92 = arith.andi %ge3A_87, %lt3A_91 : i1
      %convert_element_type3A_93 = arith.extui %and3A_92 : i1 to i32
      %cond3A_94 = arith.constant 0 : i32
      %cond3A_95 = arith.cmpi ne, %convert_element_type3A_93, %cond3A_94 : i32
      scf.if %cond3A_95 {
        %dma_wait3A_131 = arith.constant 0 : i32
        %dma_wait3A_132 = arith.constant 0 : i32
        %dma_wait3A_133 = tpu.memref_slice %arg15[%dma_wait3A_131, %dma_wait3A_132] : memref<10240x128xf32, #tpu.memory_space<vmem_shared>> -> memref<10240x128xf32, #tpu.memory_space<vmem_shared>>
        tpu.wait_indirect_dma semaphore(%arg19 : memref<!tpu.dma_semaphore, #tpu.memory_space<semaphore_mem>>) src(%arg12 : memref<96x128xf32, #tpu.memory_space<vmem>>) dst(%dma_wait3A_133 : memref<10240x128xf32, #tpu.memory_space<vmem_shared>>)
      } else {
      }
      %add3A_96 = arith.constant 2 : i32
      %add3A_97 = arith.addi %add3A_79, %add3A_96 : i32
      %lt3A_98 = arith.constant 105 : i32
      %lt3A_99 = arith.cmpi slt, %add3A_97, %lt3A_98 : i32
      %convert_element_type3A_100 = arith.extui %lt3A_99 : i1 to i32
      %cond3A_101 = arith.constant 0 : i32
      %cond3A_102 = arith.cmpi ne, %convert_element_type3A_100, %cond3A_101 : i32
      scf.if %cond3A_102 {
        %add3A_131 = arith.constant 2 : i32
        %add3A_132 = arith.addi %add3A_79, %add3A_131 : i32
        %mul3A_133 = arith.constant 96 : i32
        %mul3A_134 = arith.muli %add3A_132, %mul3A_133 : i32
        %add3A_135 = arith.addi %mul3A_2, %mul3A_134 : i32
        "tpu.region"() ({
          %run_scoped3A = tpu.sem_alloc : memref<!tpu.dma_semaphore, #tpu.memory_space<semaphore_mem>>
          %dma_start3A_142 = tpu.memref_slice %arg4[%add3A_135] : memref<322560xi32, #tpu.memory_space<hbm>> -> memref<96xi32, #tpu.memory_space<hbm>>
          %dma_start3A_143 = tpu.memref_slice %arg4[%add3A_135] : memref<322560xi32, #tpu.memory_space<hbm>> -> memref<96xi32, #tpu.memory_space<hbm>>
          tpu.enqueue_dma source(%dma_start3A_143 : memref<96xi32, #tpu.memory_space<hbm>>) target(%arg9 : memref<96xi32, #tpu.memory_space<vmem>>) target_semaphore(%run_scoped3A : memref<!tpu.dma_semaphore, #tpu.memory_space<semaphore_mem>>)
          %dma_wait3A_144 = tpu.memref_slice %arg4[%add3A_135] : memref<322560xi32, #tpu.memory_space<hbm>> -> memref<96xi32, #tpu.memory_space<hbm>>
          %dma_wait3A_145 = tpu.memref_slice %arg4[%add3A_135] : memref<322560xi32, #tpu.memory_space<hbm>> -> memref<96xi32, #tpu.memory_space<hbm>>
          tpu.wait_dma2 semaphore(%run_scoped3A : memref<!tpu.dma_semaphore, #tpu.memory_space<semaphore_mem>>) src(%dma_wait3A_145 : memref<96xi32, #tpu.memory_space<hbm>>) dst(%arg9 : memref<96xi32, #tpu.memory_space<vmem>>)
          tpu.yield
        }) : () -> ()
        %mul3A_136 = arith.constant 96 : i32
        %mul3A_137 = arith.muli %add3A_132, %mul3A_136 : i32
        %add3A_138 = arith.addi %mul3A_2, %mul3A_137 : i32
        "tpu.region"() ({
          %run_scoped3A = tpu.sem_alloc : memref<!tpu.dma_semaphore, #tpu.memory_space<semaphore_mem>>
          %dma_start3A_142 = tpu.memref_slice %arg3[%add3A_138] : memref<322560xi32, #tpu.memory_space<hbm>> -> memref<96xi32, #tpu.memory_space<hbm>>
          %dma_start3A_143 = tpu.memref_slice %arg3[%add3A_138] : memref<322560xi32, #tpu.memory_space<hbm>> -> memref<96xi32, #tpu.memory_space<hbm>>
          tpu.enqueue_dma source(%dma_start3A_143 : memref<96xi32, #tpu.memory_space<hbm>>) target(%arg6 : memref<96xi32, #tpu.memory_space<vmem>>) target_semaphore(%run_scoped3A : memref<!tpu.dma_semaphore, #tpu.memory_space<semaphore_mem>>)
          %dma_wait3A_144 = tpu.memref_slice %arg3[%add3A_138] : memref<322560xi32, #tpu.memory_space<hbm>> -> memref<96xi32, #tpu.memory_space<hbm>>
          %dma_wait3A_145 = tpu.memref_slice %arg3[%add3A_138] : memref<322560xi32, #tpu.memory_space<hbm>> -> memref<96xi32, #tpu.memory_space<hbm>>
          tpu.wait_dma2 semaphore(%run_scoped3A : memref<!tpu.dma_semaphore, #tpu.memory_space<semaphore_mem>>) src(%dma_wait3A_145 : memref<96xi32, #tpu.memory_space<hbm>>) dst(%arg6 : memref<96xi32, #tpu.memory_space<vmem>>)
          tpu.yield
        }) : () -> ()
        %dma_start3A_139 = arith.constant 0 : i32
        %dma_start3A_140 = arith.constant 0 : i32
        %dma_start3A_141 = tpu.memref_slice %arg2[%dma_start3A_139, %dma_start3A_140] : memref<10000x128xf32, #tpu.memory_space<hbm>> -> memref<10000x128xf32, #tpu.memory_space<hbm>>
        tpu.enqueue_indirect_dma source(%dma_start3A_141 : memref<10000x128xf32, #tpu.memory_space<hbm>>) target(%arg12 : memref<96x128xf32, #tpu.memory_space<vmem>>) offsets(%arg6 : memref<96xi32, #tpu.memory_space<vmem>>) semaphore(%arg16 : memref<!tpu.dma_semaphore, #tpu.memory_space<semaphore_mem>>)
      } else {
      }
      %mul3A_103 = arith.constant 3 : i32
      %mul3A_104 = arith.muli %mul3A_103, %scan3A_52 : i32
      %add3A_105 = arith.constant 2 : i32
      %add3A_106 = arith.addi %mul3A_104, %add3A_105 : i32
      %dma_wait3A_107 = arith.constant 0 : i32
      %dma_wait3A_108 = arith.constant 0 : i32
      %dma_wait3A_109 = tpu.memref_slice %arg2[%dma_wait3A_107, %dma_wait3A_108] : memref<10000x128xf32, #tpu.memory_space<hbm>> -> memref<10000x128xf32, #tpu.memory_space<hbm>>
      tpu.wait_indirect_dma semaphore(%arg18 : memref<!tpu.dma_semaphore, #tpu.memory_space<semaphore_mem>>) src(%dma_wait3A_109 : memref<10000x128xf32, #tpu.memory_space<hbm>>) dst(%arg14 : memref<96x128xf32, #tpu.memory_space<vmem>>)
      %dma_start3A_110 = arith.constant 0 : i32
      %dma_start3A_111 = arith.constant 0 : i32
      %dma_start3A_112 = tpu.memref_slice %arg15[%dma_start3A_110, %dma_start3A_111] : memref<10240x128xf32, #tpu.memory_space<vmem_shared>> -> memref<10240x128xf32, #tpu.memory_space<vmem_shared>>
      tpu.enqueue_indirect_dma source(%arg14 : memref<96x128xf32, #tpu.memory_space<vmem>>) target(%dma_start3A_112 : memref<10240x128xf32, #tpu.memory_space<vmem_shared>>) offsets(%arg11 : memref<96xi32, #tpu.memory_space<vmem>>) semaphore(%arg21 : memref<!tpu.dma_semaphore, #tpu.memory_space<semaphore_mem>>) {add = true}
      %ge3A_113 = arith.constant 1 : i32
      %ge3A_114 = arith.cmpi sge, %add3A_106, %ge3A_113 : i32
      %add3A_115 = arith.constant 2 : i32
      %add3A_116 = arith.addi %add3A_106, %add3A_115 : i32
      %lt3A_117 = arith.constant 105 : i32
      %lt3A_118 = arith.cmpi slt, %add3A_116, %lt3A_117 : i32
      %and3A_119 = arith.andi %ge3A_114, %lt3A_118 : i1
      %convert_element_type3A_120 = arith.extui %and3A_119 : i1 to i32
      %cond3A_121 = arith.constant 0 : i32
      %cond3A_122 = arith.cmpi ne, %convert_element_type3A_120, %cond3A_121 : i32
      scf.if %cond3A_122 {
        %dma_wait3A_131 = arith.constant 0 : i32
        %dma_wait3A_132 = arith.constant 0 : i32
        %dma_wait3A_133 = tpu.memref_slice %arg15[%dma_wait3A_131, %dma_wait3A_132] : memref<10240x128xf32, #tpu.memory_space<vmem_shared>> -> memref<10240x128xf32, #tpu.memory_space<vmem_shared>>
        tpu.wait_indirect_dma semaphore(%arg20 : memref<!tpu.dma_semaphore, #tpu.memory_space<semaphore_mem>>) src(%arg13 : memref<96x128xf32, #tpu.memory_space<vmem>>) dst(%dma_wait3A_133 : memref<10240x128xf32, #tpu.memory_space<vmem_shared>>)
      } else {
      }
      %add3A_123 = arith.constant 2 : i32
      %add3A_124 = arith.addi %add3A_106, %add3A_123 : i32
      %lt3A_125 = arith.constant 105 : i32
      %lt3A_126 = arith.cmpi slt, %add3A_124, %lt3A_125 : i32
      %convert_element_type3A_127 = arith.extui %lt3A_126 : i1 to i32
      %cond3A_128 = arith.constant 0 : i32
      %cond3A_129 = arith.cmpi ne, %convert_element_type3A_127, %cond3A_128 : i32
      scf.if %cond3A_129 {
        %add3A_131 = arith.constant 2 : i32
        %add3A_132 = arith.addi %add3A_106, %add3A_131 : i32
        %mul3A_133 = arith.constant 96 : i32
        %mul3A_134 = arith.muli %add3A_132, %mul3A_133 : i32
        %add3A_135 = arith.addi %mul3A_2, %mul3A_134 : i32
        "tpu.region"() ({
          %run_scoped3A = tpu.sem_alloc : memref<!tpu.dma_semaphore, #tpu.memory_space<semaphore_mem>>
          %dma_start3A_142 = tpu.memref_slice %arg4[%add3A_135] : memref<322560xi32, #tpu.memory_space<hbm>> -> memref<96xi32, #tpu.memory_space<hbm>>
          %dma_start3A_143 = tpu.memref_slice %arg4[%add3A_135] : memref<322560xi32, #tpu.memory_space<hbm>> -> memref<96xi32, #tpu.memory_space<hbm>>
          tpu.enqueue_dma source(%dma_start3A_143 : memref<96xi32, #tpu.memory_space<hbm>>) target(%arg10 : memref<96xi32, #tpu.memory_space<vmem>>) target_semaphore(%run_scoped3A : memref<!tpu.dma_semaphore, #tpu.memory_space<semaphore_mem>>)
          %dma_wait3A_144 = tpu.memref_slice %arg4[%add3A_135] : memref<322560xi32, #tpu.memory_space<hbm>> -> memref<96xi32, #tpu.memory_space<hbm>>
          %dma_wait3A_145 = tpu.memref_slice %arg4[%add3A_135] : memref<322560xi32, #tpu.memory_space<hbm>> -> memref<96xi32, #tpu.memory_space<hbm>>
          tpu.wait_dma2 semaphore(%run_scoped3A : memref<!tpu.dma_semaphore, #tpu.memory_space<semaphore_mem>>) src(%dma_wait3A_145 : memref<96xi32, #tpu.memory_space<hbm>>) dst(%arg10 : memref<96xi32, #tpu.memory_space<vmem>>)
          tpu.yield
        }) : () -> ()
        %mul3A_136 = arith.constant 96 : i32
        %mul3A_137 = arith.muli %add3A_132, %mul3A_136 : i32
        %add3A_138 = arith.addi %mul3A_2, %mul3A_137 : i32
        "tpu.region"() ({
          %run_scoped3A = tpu.sem_alloc : memref<!tpu.dma_semaphore, #tpu.memory_space<semaphore_mem>>
          %dma_start3A_142 = tpu.memref_slice %arg3[%add3A_138] : memref<322560xi32, #tpu.memory_space<hbm>> -> memref<96xi32, #tpu.memory_space<hbm>>
          %dma_start3A_143 = tpu.memref_slice %arg3[%add3A_138] : memref<322560xi32, #tpu.memory_space<hbm>> -> memref<96xi32, #tpu.memory_space<hbm>>
          tpu.enqueue_dma source(%dma_start3A_143 : memref<96xi32, #tpu.memory_space<hbm>>) target(%arg7 : memref<96xi32, #tpu.memory_space<vmem>>) target_semaphore(%run_scoped3A : memref<!tpu.dma_semaphore, #tpu.memory_space<semaphore_mem>>)
          %dma_wait3A_144 = tpu.memref_slice %arg3[%add3A_138] : memref<322560xi32, #tpu.memory_space<hbm>> -> memref<96xi32, #tpu.memory_space<hbm>>
          %dma_wait3A_145 = tpu.memref_slice %arg3[%add3A_138] : memref<322560xi32, #tpu.memory_space<hbm>> -> memref<96xi32, #tpu.memory_space<hbm>>
          tpu.wait_dma2 semaphore(%run_scoped3A : memref<!tpu.dma_semaphore, #tpu.memory_space<semaphore_mem>>) src(%dma_wait3A_145 : memref<96xi32, #tpu.memory_space<hbm>>) dst(%arg7 : memref<96xi32, #tpu.memory_space<vmem>>)
          tpu.yield
        }) : () -> ()
        %dma_start3A_139 = arith.constant 0 : i32
        %dma_start3A_140 = arith.constant 0 : i32
        %dma_start3A_141 = tpu.memref_slice %arg2[%dma_start3A_139, %dma_start3A_140] : memref<10000x128xf32, #tpu.memory_space<hbm>> -> memref<10000x128xf32, #tpu.memory_space<hbm>>
        tpu.enqueue_indirect_dma source(%dma_start3A_141 : memref<10000x128xf32, #tpu.memory_space<hbm>>) target(%arg13 : memref<96x128xf32, #tpu.memory_space<vmem>>) offsets(%arg7 : memref<96xi32, #tpu.memory_space<vmem>>) semaphore(%arg17 : memref<!tpu.dma_semaphore, #tpu.memory_space<semaphore_mem>>)
      } else {
      }
      %scan3A_130 = arith.constant 0 : i32
      scf.yield %scan3A_130 : i32
    }
    %scan3A_35 = arith.constant 35 : i32
    %dma_wait3A = arith.constant 0 : i32
    %dma_wait3A_36 = arith.constant 0 : i32
    %dma_wait3A_37 = tpu.memref_slice %arg15[%dma_wait3A, %dma_wait3A_36] : memref<10240x128xf32, #tpu.memory_space<vmem_shared>> -> memref<10240x128xf32, #tpu.memory_space<vmem_shared>>
    tpu.wait_indirect_dma semaphore(%arg19 : memref<!tpu.dma_semaphore, #tpu.memory_space<semaphore_mem>>) src(%arg12 : memref<96x128xf32, #tpu.memory_space<vmem>>) dst(%dma_wait3A_37 : memref<10240x128xf32, #tpu.memory_space<vmem_shared>>)
    %dma_wait3A_38 = arith.constant 0 : i32
    %dma_wait3A_39 = arith.constant 0 : i32
    %dma_wait3A_40 = tpu.memref_slice %arg15[%dma_wait3A_38, %dma_wait3A_39] : memref<10240x128xf32, #tpu.memory_space<vmem_shared>> -> memref<10240x128xf32, #tpu.memory_space<vmem_shared>>
    tpu.wait_indirect_dma semaphore(%arg20 : memref<!tpu.dma_semaphore, #tpu.memory_space<semaphore_mem>>) src(%arg13 : memref<96x128xf32, #tpu.memory_space<vmem>>) dst(%dma_wait3A_40 : memref<10240x128xf32, #tpu.memory_space<vmem_shared>>)
    %dma_wait3A_41 = arith.constant 0 : i32
    %dma_wait3A_42 = arith.constant 0 : i32
    %dma_wait3A_43 = tpu.memref_slice %arg15[%dma_wait3A_41, %dma_wait3A_42] : memref<10240x128xf32, #tpu.memory_space<vmem_shared>> -> memref<10240x128xf32, #tpu.memory_space<vmem_shared>>
    tpu.wait_indirect_dma semaphore(%arg21 : memref<!tpu.dma_semaphore, #tpu.memory_space<semaphore_mem>>) src(%arg14 : memref<96x128xf32, #tpu.memory_space<vmem>>) dst(%dma_wait3A_43 : memref<10240x128xf32, #tpu.memory_space<vmem_shared>>)
    %barrier3A_44 = arith.constant 0 : index
    tpu.barrier barrier_id(%barrier3A_44)
    %scan3A_45 = arith.constant 0 : i32
    %scan3A_46 = arith.constant 0 : i32
    %scan3A_47 = arith.constant 8 : i32
    %scan3A_48 = arith.addi %scan3A_46, %scan3A_47 : i32
    %scan3A_49 = arith.constant 1 : i32
    %scan3A_50 = scf.for %scan3A_52 = %scan3A_46 to %scan3A_48 step %scan3A_49 iter_args(%scan3A_53 = %scan3A_45) -> (i32)  : i32 {
      %mul3A_54 = arith.constant 640 : i32
      %mul3A_55 = arith.muli %arg1, %mul3A_54 : i32
      %mul3A_56 = arith.constant 80 : i32
      %mul3A_57 = arith.muli %scan3A_52, %mul3A_56 : i32
      %add3A_58 = arith.addi %mul3A_55, %mul3A_57 : i32
      "tpu.region"() ({
        %run_scoped3A = tpu.sem_alloc : memref<!tpu.dma_semaphore, #tpu.memory_space<semaphore_mem>>
        %dma_start3A_65 = arith.constant 0 : i32
        %dma_start3A_66 = arith.constant 0 : i32
        %dma_start3A_67 = tpu.memref_slice %arg12[%dma_start3A_65, %dma_start3A_66] : memref<96x128xf32, #tpu.memory_space<vmem>> -> memref<80x128xf32, #tpu.memory_space<vmem>>
        %dma_start3A_68 = arith.constant 0 : i32
        %dma_start3A_69 = tpu.memref_slice %arg15[%add3A_58, %dma_start3A_68] : memref<10240x128xf32, #tpu.memory_space<vmem_shared>> -> memref<80x128xf32, #tpu.memory_space<vmem_shared>>
        %dma_start3A_70 = arith.constant 0 : i32
        %dma_start3A_71 = arith.constant 0 : i32
        %dma_start3A_72 = tpu.memref_slice %arg12[%dma_start3A_70, %dma_start3A_71] : memref<96x128xf32, #tpu.memory_space<vmem>> -> memref<80x128xf32, #tpu.memory_space<vmem>>
        %dma_start3A_73 = arith.constant 0 : i32
        %dma_start3A_74 = tpu.memref_slice %arg15[%add3A_58, %dma_start3A_73] : memref<10240x128xf32, #tpu.memory_space<vmem_shared>> -> memref<80x128xf32, #tpu.memory_space<vmem_shared>>
        tpu.enqueue_dma source(%dma_start3A_74 : memref<80x128xf32, #tpu.memory_space<vmem_shared>>) target(%dma_start3A_72 : memref<80x128xf32, #tpu.memory_space<vmem>>) target_semaphore(%run_scoped3A : memref<!tpu.dma_semaphore, #tpu.memory_space<semaphore_mem>>)
        %dma_wait3A_75 = arith.constant 0 : i32
        %dma_wait3A_76 = arith.constant 0 : i32
        %dma_wait3A_77 = tpu.memref_slice %arg12[%dma_wait3A_75, %dma_wait3A_76] : memref<96x128xf32, #tpu.memory_space<vmem>> -> memref<80x128xf32, #tpu.memory_space<vmem>>
        %dma_wait3A_78 = arith.constant 0 : i32
        %dma_wait3A_79 = tpu.memref_slice %arg15[%add3A_58, %dma_wait3A_78] : memref<10240x128xf32, #tpu.memory_space<vmem_shared>> -> memref<80x128xf32, #tpu.memory_space<vmem_shared>>
        %dma_wait3A_80 = arith.constant 0 : i32
        %dma_wait3A_81 = arith.constant 0 : i32
        %dma_wait3A_82 = tpu.memref_slice %arg12[%dma_wait3A_80, %dma_wait3A_81] : memref<96x128xf32, #tpu.memory_space<vmem>> -> memref<80x128xf32, #tpu.memory_space<vmem>>
        %dma_wait3A_83 = arith.constant 0 : i32
        %dma_wait3A_84 = tpu.memref_slice %arg15[%add3A_58, %dma_wait3A_83] : memref<10240x128xf32, #tpu.memory_space<vmem_shared>> -> memref<80x128xf32, #tpu.memory_space<vmem_shared>>
        tpu.wait_dma2 semaphore(%run_scoped3A : memref<!tpu.dma_semaphore, #tpu.memory_space<semaphore_mem>>) src(%dma_wait3A_84 : memref<80x128xf32, #tpu.memory_space<vmem_shared>>) dst(%dma_wait3A_82 : memref<80x128xf32, #tpu.memory_space<vmem>>)
        tpu.yield
      }) : () -> ()
      %mul3A_59 = arith.constant 640 : i32
      %mul3A_60 = arith.muli %arg1, %mul3A_59 : i32
      %mul3A_61 = arith.constant 80 : i32
      %mul3A_62 = arith.muli %scan3A_52, %mul3A_61 : i32
      %add3A_63 = arith.addi %mul3A_60, %mul3A_62 : i32
      "tpu.region"() ({
        %run_scoped3A = tpu.sem_alloc : memref<!tpu.dma_semaphore, #tpu.memory_space<semaphore_mem>>
        %dma_start3A_65 = arith.constant 0 : i32
        %dma_start3A_66 = arith.constant 0 : i32
        %dma_start3A_67 = tpu.memref_slice %arg12[%dma_start3A_65, %dma_start3A_66] : memref<96x128xf32, #tpu.memory_space<vmem>> -> memref<80x128xf32, #tpu.memory_space<vmem>>
        %dma_start3A_68 = arith.constant 0 : i32
        %dma_start3A_69 = tpu.memref_slice %arg5[%arg0, %add3A_63, %dma_start3A_68] : memref<2x10240x128xf32, #tpu.memory_space<hbm>> -> memref<1x80x128xf32, #tpu.memory_space<hbm>>
        %dma_start3A_70 = tpu.memref_squeeze %dma_start3A_69 : memref<1x80x128xf32, #tpu.memory_space<hbm>> -> memref<80x128xf32, #tpu.memory_space<hbm>>
        %dma_start3A_71 = arith.constant 0 : i32
        %dma_start3A_72 = tpu.memref_slice %arg5[%arg0, %add3A_63, %dma_start3A_71] : memref<2x10240x128xf32, #tpu.memory_space<hbm>> -> memref<1x80x128xf32, #tpu.memory_space<hbm>>
        %dma_start3A_73 = tpu.memref_squeeze %dma_start3A_72 : memref<1x80x128xf32, #tpu.memory_space<hbm>> -> memref<80x128xf32, #tpu.memory_space<hbm>>
        %dma_start3A_74 = arith.constant 0 : i32
        %dma_start3A_75 = arith.constant 0 : i32
        %dma_start3A_76 = tpu.memref_slice %arg12[%dma_start3A_74, %dma_start3A_75] : memref<96x128xf32, #tpu.memory_space<vmem>> -> memref<80x128xf32, #tpu.memory_space<vmem>>
        tpu.enqueue_dma source(%dma_start3A_76 : memref<80x128xf32, #tpu.memory_space<vmem>>) target(%dma_start3A_73 : memref<80x128xf32, #tpu.memory_space<hbm>>) target_semaphore(%run_scoped3A : memref<!tpu.dma_semaphore, #tpu.memory_space<semaphore_mem>>)
        %dma_wait3A_77 = arith.constant 0 : i32
        %dma_wait3A_78 = arith.constant 0 : i32
        %dma_wait3A_79 = tpu.memref_slice %arg12[%dma_wait3A_77, %dma_wait3A_78] : memref<96x128xf32, #tpu.memory_space<vmem>> -> memref<80x128xf32, #tpu.memory_space<vmem>>
        %dma_wait3A_80 = arith.constant 0 : i32
        %dma_wait3A_81 = tpu.memref_slice %arg5[%arg0, %add3A_63, %dma_wait3A_80] : memref<2x10240x128xf32, #tpu.memory_space<hbm>> -> memref<1x80x128xf32, #tpu.memory_space<hbm>>
        %dma_wait3A_82 = tpu.memref_squeeze %dma_wait3A_81 : memref<1x80x128xf32, #tpu.memory_space<hbm>> -> memref<80x128xf32, #tpu.memory_space<hbm>>
        %dma_wait3A_83 = arith.constant 0 : i32
        %dma_wait3A_84 = tpu.memref_slice %arg5[%arg0, %add3A_63, %dma_wait3A_83] : memref<2x10240x128xf32, #tpu.memory_space<hbm>> -> memref<1x80x128xf32, #tpu.memory_space<hbm>>
        %dma_wait3A_85 = tpu.memref_squeeze %dma_wait3A_84 : memref<1x80x128xf32, #tpu.memory_space<hbm>> -> memref<80x128xf32, #tpu.memory_space<hbm>>
        %dma_wait3A_86 = arith.constant 0 : i32
        %dma_wait3A_87 = arith.constant 0 : i32
        %dma_wait3A_88 = tpu.memref_slice %arg12[%dma_wait3A_86, %dma_wait3A_87] : memref<96x128xf32, #tpu.memory_space<vmem>> -> memref<80x128xf32, #tpu.memory_space<vmem>>
        tpu.wait_dma2 semaphore(%run_scoped3A : memref<!tpu.dma_semaphore, #tpu.memory_space<semaphore_mem>>) src(%dma_wait3A_88 : memref<80x128xf32, #tpu.memory_space<vmem>>) dst(%dma_wait3A_85 : memref<80x128xf32, #tpu.memory_space<hbm>>)
        tpu.yield
      }) : () -> ()
      %scan3A_64 = arith.constant 0 : i32
      scf.yield %scan3A_64 : i32
    }
    %scan3A_51 = arith.constant 8 : i32
    return
  }
}

#map = affine_map<(d0, d1) -> (0, 0)>
#map1 = affine_map<(d0, d1) -> (0)>
#map2 = affine_map<(d0, d1) -> (0, 0, 0)>
module attributes {stable_mosaic.version = 14 : i64} {
  func.func @body(%arg0: i32, %arg1: i32, %arg2: memref<10000x128xf32, #tpu.memory_space<hbm>>, %arg3: memref<322560xi32, #tpu.memory_space<hbm>>, %arg4: memref<322560xi32, #tpu.memory_space<hbm>>, %arg5: memref<2x10240x128xf32, #tpu.memory_space<hbm>>, %arg6: memref<96xi32, #tpu.memory_space<vmem>>, %arg7: memref<96xi32, #tpu.memory_space<vmem>>, %arg8: memref<96xi32, #tpu.memory_space<vmem>>, %arg9: memref<96xi32, #tpu.memory_space<vmem>>, %arg10: memref<96xi32, #tpu.memory_space<vmem>>, %arg11: memref<96xi32, #tpu.memory_space<vmem>>, %arg12: memref<96x128xf32, #tpu.memory_space<vmem>>, %arg13: memref<96x128xf32, #tpu.memory_space<vmem>>, %arg14: memref<96x128xf32, #tpu.memory_space<vmem>>, %arg15: memref<10240x128xf32, #tpu.memory_space<vmem_shared>>, %arg16: memref<!tpu.dma_semaphore, #tpu.memory_space<semaphore_mem>>, %arg17: memref<!tpu.dma_semaphore, #tpu.memory_space<semaphore_mem>>, %arg18: memref<!tpu.dma_semaphore, #tpu.memory_space<semaphore_mem>>, %arg19: memref<!tpu.dma_semaphore, #tpu.memory_space<semaphore_mem>>, %arg20: memref<!tpu.dma_semaphore, #tpu.memory_space<semaphore_mem>>, %arg21: memref<!tpu.dma_semaphore, #tpu.memory_space<semaphore_mem>>) attributes {dimension_semantics = [#tpu.dimension_semantics<core_parallel>, #tpu.dimension_semantics<subcore_parallel>], iteration_bounds = array<i64: 2, 16>, scalar_prefetch = 0 : i64, scratch_operands = 16 : i64, tpu.core_type = #tpu.core_type<sc_vector_subcore>, window_params = [{transform_indices = #map}, {transform_indices = #map1}, {transform_indices = #map1}, {transform_indices = #map2}]} {
    %mul3A = arith.constant 16 : i32
    %mul3A_0 = arith.muli %arg0, %mul3A : i32
    %add3A = arith.addi %mul3A_0, %arg1 : i32
    %mul3A_1 = arith.constant 10080 : i32
    %mul3A_2 = arith.muli %add3A, %mul3A_1 : i32
    %scan3A = arith.constant 0 : i32
    %scan3A_3 = arith.constant 0 : i32
    %scan3A_4 = arith.constant 96 : i32
    %scan3A_5 = arith.addi %scan3A_3, %scan3A_4 : i32
    %scan3A_6 = arith.constant 1 : i32
    %scan3A_7 = scf.for %scan3A_52 = %scan3A_3 to %scan3A_5 step %scan3A_6 iter_args(%scan3A_53 = %scan3A) -> (i32)  : i32 {
      %scan3A_54 = arith.constant 0 : i32
      %scan3A_55 = arith.constant 0 : i32
      %scan3A_56 = arith.constant 8 : i32
      %scan3A_57 = arith.addi %scan3A_55, %scan3A_56 : i32
      %scan3A_58 = arith.constant 1 : i32
      %scan3A_59 = scf.for %scan3A_62 = %scan3A_55 to %scan3A_57 step %scan3A_58 iter_args(%scan3A_63 = %scan3A_54) -> (i32)  : i32 {
        %broadcast_in_dim3A = arith.constant 0.000000e+00 : f32
        %broadcast_in_dim3A_64 = vector.broadcast %broadcast_in_dim3A : f32 to vector<16xf32>
        %mul3A_65 = arith.constant 16 : i32
        %mul3A_66 = arith.muli %scan3A_62, %mul3A_65 : i32
        %swap3A = arith.index_cast %scan3A_52 : i32 to index
        %swap3A_67 = arith.index_cast %mul3A_66 : i32 to index
        %swap3A_68 = tpu.vector_load %arg12[%swap3A, %swap3A_67] {strides = array<i32>} : memref<96x128xf32, #tpu.memory_space<vmem>>, vector<1x16xf32>,
        %swap3A_69 = vector.shape_cast %swap3A_68 : vector<1x16xf32> to vector<16xf32>
        %swap3A_70 = vector.shape_cast %broadcast_in_dim3A_64 : vector<16xf32> to vector<1x16xf32>
        tpu.vector_store %arg12[%swap3A, %swap3A_67], %swap3A_70 {strides = array<i32>} : memref<96x128xf32, #tpu.memory_space<vmem>>, vector<1x16xf32>,
        %scan3A_71 = arith.constant 0 : i32
        scf.yield %scan3A_71 : i32
      }
      %scan3A_60 = arith.constant 8 : i32
      %scan3A_61 = arith.constant 0 : i32
      scf.yield %scan3A_61 : i32
    }
    %scan3A_8 = arith.constant 96 : i32
    %scan3A_9 = arith.constant 0 : i32
    %scan3A_10 = arith.constant 0 : i32
    %scan3A_11 = arith.constant 8 : i32
    %scan3A_12 = arith.addi %scan3A_10, %scan3A_11 : i32
    %scan3A_13 = arith.constant 1 : i32
    %scan3A_14 = scf.for %scan3A_52 = %scan3A_10 to %scan3A_12 step %scan3A_13 iter_args(%scan3A_53 = %scan3A_9) -> (i32)  : i32 {
      %mul3A_54 = arith.constant 640 : i32
      %mul3A_55 = arith.muli %arg1, %mul3A_54 : i32
      %mul3A_56 = arith.constant 80 : i32
      %mul3A_57 = arith.muli %scan3A_52, %mul3A_56 : i32
      %add3A_58 = arith.addi %mul3A_55, %mul3A_57 : i32
      "tpu.region"() ({
        %run_scoped3A = tpu.sem_alloc : memref<!tpu.dma_semaphore, #tpu.memory_space<semaphore_mem>>
        %dma_start3A_60 = arith.constant 0 : i32
        %dma_start3A_61 = arith.constant 0 : i32
        %dma_start3A_62 = tpu.memref_slice %arg12[%dma_start3A_60, %dma_start3A_61] : memref<96x128xf32, #tpu.memory_space<vmem>> -> memref<80x128xf32, #tpu.memory_space<vmem>>
        %dma_start3A_63 = arith.constant 0 : i32
        %dma_start3A_64 = tpu.memref_slice %arg15[%add3A_58, %dma_start3A_63] : memref<10240x128xf32, #tpu.memory_space<vmem_shared>> -> memref<80x128xf32, #tpu.memory_space<vmem_shared>>
        %dma_start3A_65 = arith.constant 0 : i32
        %dma_start3A_66 = tpu.memref_slice %arg15[%add3A_58, %dma_start3A_65] : memref<10240x128xf32, #tpu.memory_space<vmem_shared>> -> memref<80x128xf32, #tpu.memory_space<vmem_shared>>
        %dma_start3A_67 = arith.constant 0 : i32
        %dma_start3A_68 = arith.constant 0 : i32
        %dma_start3A_69 = tpu.memref_slice %arg12[%dma_start3A_67, %dma_start3A_68] : memref<96x128xf32, #tpu.memory_space<vmem>> -> memref<80x128xf32, #tpu.memory_space<vmem>>
        tpu.enqueue_dma source(%dma_start3A_69 : memref<80x128xf32, #tpu.memory_space<vmem>>) target(%dma_start3A_66 : memref<80x128xf32, #tpu.memory_space<vmem_shared>>) target_semaphore(%run_scoped3A : memref<!tpu.dma_semaphore, #tpu.memory_space<semaphore_mem>>)
        %dma_wait3A_70 = arith.constant 0 : i32
        %dma_wait3A_71 = arith.constant 0 : i32
        %dma_wait3A_72 = tpu.memref_slice %arg12[%dma_wait3A_70, %dma_wait3A_71] : memref<96x128xf32, #tpu.memory_space<vmem>> -> memref<80x128xf32, #tpu.memory_space<vmem>>
        %dma_wait3A_73 = arith.constant 0 : i32
        %dma_wait3A_74 = tpu.memref_slice %arg15[%add3A_58, %dma_wait3A_73] : memref<10240x128xf32, #tpu.memory_space<vmem_shared>> -> memref<80x128xf32, #tpu.memory_space<vmem_shared>>
        %dma_wait3A_75 = arith.constant 0 : i32
        %dma_wait3A_76 = tpu.memref_slice %arg15[%add3A_58, %dma_wait3A_75] : memref<10240x128xf32, #tpu.memory_space<vmem_shared>> -> memref<80x128xf32, #tpu.memory_space<vmem_shared>>
        %dma_wait3A_77 = arith.constant 0 : i32
        %dma_wait3A_78 = arith.constant 0 : i32
        %dma_wait3A_79 = tpu.memref_slice %arg12[%dma_wait3A_77, %dma_wait3A_78] : memref<96x128xf32, #tpu.memory_space<vmem>> -> memref<80x128xf32, #tpu.memory_space<vmem>>
        tpu.wait_dma2 semaphore(%run_scoped3A : memref<!tpu.dma_semaphore, #tpu.memory_space<semaphore_mem>>) src(%dma_wait3A_79 : memref<80x128xf32, #tpu.memory_space<vmem>>) dst(%dma_wait3A_76 : memref<80x128xf32, #tpu.memory_space<vmem_shared>>)
        tpu.yield
      }) : () -> ()
      %scan3A_59 = arith.constant 0 : i32
      scf.yield %scan3A_59 : i32
    }
    %scan3A_15 = arith.constant 8 : i32
    %barrier3A = arith.constant 0 : index
    tpu.barrier barrier_id(%barrier3A)
    %add3A_16 = arith.constant 0 : i32
    %add3A_17 = arith.addi %mul3A_2, %add3A_16 : i32
    "tpu.region"() ({
      %run_scoped3A = tpu.sem_alloc : memref<!tpu.dma_semaphore, #tpu.memory_space<semaphore_mem>>
      %dma_start3A_52 = tpu.memref_slice %arg4[%add3A_17] : memref<322560xi32, #tpu.memory_space<hbm>> -> memref<96xi32, #tpu.memory_space<hbm>>
      %dma_start3A_53 = tpu.memref_slice %arg4[%add3A_17] : memref<322560xi32, #tpu.memory_space<hbm>> -> memref<96xi32, #tpu.memory_space<hbm>>
      tpu.enqueue_dma source(%dma_start3A_53 : memref<96xi32, #tpu.memory_space<hbm>>) target(%arg9 : memref<96xi32, #tpu.memory_space<vmem>>) target_semaphore(%run_scoped3A : memref<!tpu.dma_semaphore, #tpu.memory_space<semaphore_mem>>)
      %dma_wait3A_54 = tpu.memref_slice %arg4[%add3A_17] : memref<322560xi32, #tpu.memory_space<hbm>> -> memref<96xi32, #tpu.memory_space<hbm>>
      %dma_wait3A_55 = tpu.memref_slice %arg4[%add3A_17] : memref<322560xi32, #tpu.memory_space<hbm>> -> memref<96xi32, #tpu.memory_space<hbm>>
      tpu.wait_dma2 semaphore(%run_scoped3A : memref<!tpu.dma_semaphore, #tpu.memory_space<semaphore_mem>>) src(%dma_wait3A_55 : memref<96xi32, #tpu.memory_space<hbm>>) dst(%arg9 : memref<96xi32, #tpu.memory_space<vmem>>)
      tpu.yield
    }) : () -> ()
    %add3A_18 = arith.constant 0 : i32
    %add3A_19 = arith.addi %mul3A_2, %add3A_18 : i32
    "tpu.region"() ({
      %run_scoped3A = tpu.sem_alloc : memref<!tpu.dma_semaphore, #tpu.memory_space<semaphore_mem>>
      %dma_start3A_52 = tpu.memref_slice %arg3[%add3A_19] : memref<322560xi32, #tpu.memory_space<hbm>> -> memref<96xi32, #tpu.memory_space<hbm>>
      %dma_start3A_53 = tpu.memref_slice %arg3[%add3A_19] : memref<322560xi32, #tpu.memory_space<hbm>> -> memref<96xi32, #tpu.memory_space<hbm>>
      tpu.enqueue_dma source(%dma_start3A_53 : memref<96xi32, #tpu.memory_space<hbm>>) target(%arg6 : memref<96xi32, #tpu.memory_space<vmem>>) target_semaphore(%run_scoped3A : memref<!tpu.dma_semaphore, #tpu.memory_space<semaphore_mem>>)
      %dma_wait3A_54 = tpu.memref_slice %arg3[%add3A_19] : memref<322560xi32, #tpu.memory_space<hbm>> -> memref<96xi32, #tpu.memory_space<hbm>>
      %dma_wait3A_55 = tpu.memref_slice %arg3[%add3A_19] : memref<322560xi32, #tpu.memory_space<hbm>> -> memref<96xi32, #tpu.memory_space<hbm>>
      tpu.wait_dma2 semaphore(%run_scoped3A : memref<!tpu.dma_semaphore, #tpu.memory_space<semaphore_mem>>) src(%dma_wait3A_55 : memref<96xi32, #tpu.memory_space<hbm>>) dst(%arg6 : memref<96xi32, #tpu.memory_space<vmem>>)
      tpu.yield
    }) : () -> ()
    %dma_start3A = arith.constant 0 : i32
    %dma_start3A_20 = arith.constant 0 : i32
    %dma_start3A_21 = tpu.memref_slice %arg2[%dma_start3A, %dma_start3A_20] : memref<10000x128xf32, #tpu.memory_space<hbm>> -> memref<10000x128xf32, #tpu.memory_space<hbm>>
    tpu.enqueue_indirect_dma source(%dma_start3A_21 : memref<10000x128xf32, #tpu.memory_space<hbm>>) target(%arg12 : memref<96x128xf32, #tpu.memory_space<vmem>>) offsets(%arg6 : memref<96xi32, #tpu.memory_space<vmem>>) semaphore(%arg16 : memref<!tpu.dma_semaphore, #tpu.memory_space<semaphore_mem>>)
    %add3A_22 = arith.constant 96 : i32
    %add3A_23 = arith.addi %mul3A_2, %add3A_22 : i32
    "tpu.region"() ({
      %run_scoped3A = tpu.sem_alloc : memref<!tpu.dma_semaphore, #tpu.memory_space<semaphore_mem>>
      %dma_start3A_52 = tpu.memref_slice %arg4[%add3A_23] : memref<322560xi32, #tpu.memory_space<hbm>> -> memref<96xi32, #tpu.memory_space<hbm>>
      %dma_start3A_53 = tpu.memref_slice %arg4[%add3A_23] : memref<322560xi32, #tpu.memory_space<hbm>> -> memref<96xi32, #tpu.memory_space<hbm>>
      tpu.enqueue_dma source(%dma_start3A_53 : memref<96xi32, #tpu.memory_space<hbm>>) target(%arg10 : memref<96xi32, #tpu.memory_space<vmem>>) target_semaphore(%run_scoped3A : memref<!tpu.dma_semaphore, #tpu.memory_space<semaphore_mem>>)
      %dma_wait3A_54 = tpu.memref_slice %arg4[%add3A_23] : memref<322560xi32, #tpu.memory_space<hbm>> -> memref<96xi32, #tpu.memory_space<hbm>>
      %dma_wait3A_55 = tpu.memref_slice %arg4[%add3A_23] : memref<322560xi32, #tpu.memory_space<hbm>> -> memref<96xi32, #tpu.memory_space<hbm>>
      tpu.wait_dma2 semaphore(%run_scoped3A : memref<!tpu.dma_semaphore, #tpu.memory_space<semaphore_mem>>) src(%dma_wait3A_55 : memref<96xi32, #tpu.memory_space<hbm>>) dst(%arg10 : memref<96xi32, #tpu.memory_space<vmem>>)
      tpu.yield
    }) : () -> ()
    %add3A_24 = arith.constant 96 : i32
    %add3A_25 = arith.addi %mul3A_2, %add3A_24 : i32
    "tpu.region"() ({
      %run_scoped3A = tpu.sem_alloc : memref<!tpu.dma_semaphore, #tpu.memory_space<semaphore_mem>>
      %dma_start3A_52 = tpu.memref_slice %arg3[%add3A_25] : memref<322560xi32, #tpu.memory_space<hbm>> -> memref<96xi32, #tpu.memory_space<hbm>>
      %dma_start3A_53 = tpu.memref_slice %arg3[%add3A_25] : memref<322560xi32, #tpu.memory_space<hbm>> -> memref<96xi32, #tpu.memory_space<hbm>>
      tpu.enqueue_dma source(%dma_start3A_53 : memref<96xi32, #tpu.memory_space<hbm>>) target(%arg7 : memref<96xi32, #tpu.memory_space<vmem>>) target_semaphore(%run_scoped3A : memref<!tpu.dma_semaphore, #tpu.memory_space<semaphore_mem>>)
      %dma_wait3A_54 = tpu.memref_slice %arg3[%add3A_25] : memref<322560xi32, #tpu.memory_space<hbm>> -> memref<96xi32, #tpu.memory_space<hbm>>
      %dma_wait3A_55 = tpu.memref_slice %arg3[%add3A_25] : memref<322560xi32, #tpu.memory_space<hbm>> -> memref<96xi32, #tpu.memory_space<hbm>>
      tpu.wait_dma2 semaphore(%run_scoped3A : memref<!tpu.dma_semaphore, #tpu.memory_space<semaphore_mem>>) src(%dma_wait3A_55 : memref<96xi32, #tpu.memory_space<hbm>>) dst(%arg7 : memref<96xi32, #tpu.memory_space<vmem>>)
      tpu.yield
    }) : () -> ()
    %dma_start3A_26 = arith.constant 0 : i32
    %dma_start3A_27 = arith.constant 0 : i32
    %dma_start3A_28 = tpu.memref_slice %arg2[%dma_start3A_26, %dma_start3A_27] : memref<10000x128xf32, #tpu.memory_space<hbm>> -> memref<10000x128xf32, #tpu.memory_space<hbm>>
    tpu.enqueue_indirect_dma source(%dma_start3A_28 : memref<10000x128xf32, #tpu.memory_space<hbm>>) target(%arg13 : memref<96x128xf32, #tpu.memory_space<vmem>>) offsets(%arg7 : memref<96xi32, #tpu.memory_space<vmem>>) semaphore(%arg17 : memref<!tpu.dma_semaphore, #tpu.memory_space<semaphore_mem>>)
    %scan3A_29 = arith.constant 0 : i32
    %scan3A_30 = arith.constant 0 : i32
    %scan3A_31 = arith.constant 35 : i32
    %scan3A_32 = arith.addi %scan3A_30, %scan3A_31 : i32
    %scan3A_33 = arith.constant 1 : i32
    %scan3A_34 = scf.for %scan3A_52 = %scan3A_30 to %scan3A_32 step %scan3A_33 iter_args(%scan3A_53 = %scan3A_29) -> (i32)  : i32 {
      %mul3A_54 = arith.constant 3 : i32
      %mul3A_55 = arith.muli %mul3A_54, %scan3A_52 : i32
      %add3A_56 = arith.constant 0 : i32
      %add3A_57 = arith.addi %mul3A_55, %add3A_56 : i32
      %dma_wait3A_58 = arith.constant 0 : i32
      %dma_wait3A_59 = arith.constant 0 : i32
      %dma_wait3A_60 = tpu.memref_slice %arg2[%dma_wait3A_58, %dma_wait3A_59] : memref<10000x128xf32, #tpu.memory_space<hbm>> -> memref<10000x128xf32, #tpu.memory_space<hbm>>
      tpu.wait_indirect_dma semaphore(%arg16 : memref<!tpu.dma_semaphore, #tpu.memory_space<semaphore_mem>>) src(%dma_wait3A_60 : memref<10000x128xf32, #tpu.memory_space<hbm>>) dst(%arg12 : memref<96x128xf32, #tpu.memory_space<vmem>>)
      %dma_start3A_61 = arith.constant 0 : i32
      %dma_start3A_62 = arith.constant 0 : i32
      %dma_start3A_63 = tpu.memref_slice %arg15[%dma_start3A_61, %dma_start3A_62] : memref<10240x128xf32, #tpu.memory_space<vmem_shared>> -> memref<10240x128xf32, #tpu.memory_space<vmem_shared>>
      tpu.enqueue_indirect_dma source(%arg12 : memref<96x128xf32, #tpu.memory_space<vmem>>) target(%dma_start3A_63 : memref<10240x128xf32, #tpu.memory_space<vmem_shared>>) offsets(%arg9 : memref<96xi32, #tpu.memory_space<vmem>>) semaphore(%arg19 : memref<!tpu.dma_semaphore, #tpu.memory_space<semaphore_mem>>) {add = true}
      %ge3A = arith.constant 1 : i32
      %ge3A_64 = arith.cmpi sge, %add3A_57, %ge3A : i32
      %add3A_65 = arith.constant 2 : i32
      %add3A_66 = arith.addi %add3A_57, %add3A_65 : i32
      %lt3A = arith.constant 105 : i32
      %lt3A_67 = arith.cmpi slt, %add3A_66, %lt3A : i32
      %and3A = arith.andi %ge3A_64, %lt3A_67 : i1
      %convert_element_type3A = arith.extui %and3A : i1 to i32
      %cond3A = arith.constant 0 : i32
      %cond3A_68 = arith.cmpi ne, %convert_element_type3A, %cond3A : i32
      scf.if %cond3A_68 {
        %dma_wait3A_131 = arith.constant 0 : i32
        %dma_wait3A_132 = arith.constant 0 : i32
        %dma_wait3A_133 = tpu.memref_slice %arg15[%dma_wait3A_131, %dma_wait3A_132] : memref<10240x128xf32, #tpu.memory_space<vmem_shared>> -> memref<10240x128xf32, #tpu.memory_space<vmem_shared>>
        tpu.wait_indirect_dma semaphore(%arg21 : memref<!tpu.dma_semaphore, #tpu.memory_space<semaphore_mem>>) src(%arg14 : memref<96x128xf32, #tpu.memory_space<vmem>>) dst(%dma_wait3A_133 : memref<10240x128xf32, #tpu.memory_space<vmem_shared>>)
      } else {
      }
      %add3A_69 = arith.constant 2 : i32
      %add3A_70 = arith.addi %add3A_57, %add3A_69 : i32
      %lt3A_71 = arith.constant 105 : i32
      %lt3A_72 = arith.cmpi slt, %add3A_70, %lt3A_71 : i32
      %convert_element_type3A_73 = arith.extui %lt3A_72 : i1 to i32
      %cond3A_74 = arith.constant 0 : i32
      %cond3A_75 = arith.cmpi ne, %convert_element_type3A_73, %cond3A_74 : i32
      scf.if %cond3A_75 {
        %add3A_131 = arith.constant 2 : i32
        %add3A_132 = arith.addi %add3A_57, %add3A_131 : i32
        %mul3A_133 = arith.constant 96 : i32
        %mul3A_134 = arith.muli %add3A_132, %mul3A_133 : i32
        %add3A_135 = arith.addi %mul3A_2, %mul3A_134 : i32
        "tpu.region"() ({
          %run_scoped3A = tpu.sem_alloc : memref<!tpu.dma_semaphore, #tpu.memory_space<semaphore_mem>>
          %dma_start3A_142 = tpu.memref_slice %arg4[%add3A_135] : memref<322560xi32, #tpu.memory_space<hbm>> -> memref<96xi32, #tpu.memory_space<hbm>>
          %dma_start3A_143 = tpu.memref_slice %arg4[%add3A_135] : memref<322560xi32, #tpu.memory_space<hbm>> -> memref<96xi32, #tpu.memory_space<hbm>>
          tpu.enqueue_dma source(%dma_start3A_143 : memref<96xi32, #tpu.memory_space<hbm>>) target(%arg11 : memref<96xi32, #tpu.memory_space<vmem>>) target_semaphore(%run_scoped3A : memref<!tpu.dma_semaphore, #tpu.memory_space<semaphore_mem>>)
          %dma_wait3A_144 = tpu.memref_slice %arg4[%add3A_135] : memref<322560xi32, #tpu.memory_space<hbm>> -> memref<96xi32, #tpu.memory_space<hbm>>
          %dma_wait3A_145 = tpu.memref_slice %arg4[%add3A_135] : memref<322560xi32, #tpu.memory_space<hbm>> -> memref<96xi32, #tpu.memory_space<hbm>>
          tpu.wait_dma2 semaphore(%run_scoped3A : memref<!tpu.dma_semaphore, #tpu.memory_space<semaphore_mem>>) src(%dma_wait3A_145 : memref<96xi32, #tpu.memory_space<hbm>>) dst(%arg11 : memref<96xi32, #tpu.memory_space<vmem>>)
          tpu.yield
        }) : () -> ()
        %mul3A_136 = arith.constant 96 : i32
        %mul3A_137 = arith.muli %add3A_132, %mul3A_136 : i32
        %add3A_138 = arith.addi %mul3A_2, %mul3A_137 : i32
        "tpu.region"() ({
          %run_scoped3A = tpu.sem_alloc : memref<!tpu.dma_semaphore, #tpu.memory_space<semaphore_mem>>
          %dma_start3A_142 = tpu.memref_slice %arg3[%add3A_138] : memref<322560xi32, #tpu.memory_space<hbm>> -> memref<96xi32, #tpu.memory_space<hbm>>
          %dma_start3A_143 = tpu.memref_slice %arg3[%add3A_138] : memref<322560xi32, #tpu.memory_space<hbm>> -> memref<96xi32, #tpu.memory_space<hbm>>
          tpu.enqueue_dma source(%dma_start3A_143 : memref<96xi32, #tpu.memory_space<hbm>>) target(%arg8 : memref<96xi32, #tpu.memory_space<vmem>>) target_semaphore(%run_scoped3A : memref<!tpu.dma_semaphore, #tpu.memory_space<semaphore_mem>>)
          %dma_wait3A_144 = tpu.memref_slice %arg3[%add3A_138] : memref<322560xi32, #tpu.memory_space<hbm>> -> memref<96xi32, #tpu.memory_space<hbm>>
          %dma_wait3A_145 = tpu.memref_slice %arg3[%add3A_138] : memref<322560xi32, #tpu.memory_space<hbm>> -> memref<96xi32, #tpu.memory_space<hbm>>
          tpu.wait_dma2 semaphore(%run_scoped3A : memref<!tpu.dma_semaphore, #tpu.memory_space<semaphore_mem>>) src(%dma_wait3A_145 : memref<96xi32, #tpu.memory_space<hbm>>) dst(%arg8 : memref<96xi32, #tpu.memory_space<vmem>>)
          tpu.yield
        }) : () -> ()
        %dma_start3A_139 = arith.constant 0 : i32
        %dma_start3A_140 = arith.constant 0 : i32
        %dma_start3A_141 = tpu.memref_slice %arg2[%dma_start3A_139, %dma_start3A_140] : memref<10000x128xf32, #tpu.memory_space<hbm>> -> memref<10000x128xf32, #tpu.memory_space<hbm>>
        tpu.enqueue_indirect_dma source(%dma_start3A_141 : memref<10000x128xf32, #tpu.memory_space<hbm>>) target(%arg14 : memref<96x128xf32, #tpu.memory_space<vmem>>) offsets(%arg8 : memref<96xi32, #tpu.memory_space<vmem>>) semaphore(%arg18 : memref<!tpu.dma_semaphore, #tpu.memory_space<semaphore_mem>>)
      } else {
      }
      %mul3A_76 = arith.constant 3 : i32
      %mul3A_77 = arith.muli %mul3A_76, %scan3A_52 : i32
      %add3A_78 = arith.constant 1 : i32
      %add3A_79 = arith.addi %mul3A_77, %add3A_78 : i32
      %dma_wait3A_80 = arith.constant 0 : i32
      %dma_wait3A_81 = arith.constant 0 : i32
      %dma_wait3A_82 = tpu.memref_slice %arg2[%dma_wait3A_80, %dma_wait3A_81] : memref<10000x128xf32, #tpu.memory_space<hbm>> -> memref<10000x128xf32, #tpu.memory_space<hbm>>
      tpu.wait_indirect_dma semaphore(%arg17 : memref<!tpu.dma_semaphore, #tpu.memory_space<semaphore_mem>>) src(%dma_wait3A_82 : memref<10000x128xf32, #tpu.memory_space<hbm>>) dst(%arg13 : memref<96x128xf32, #tpu.memory_space<vmem>>)
      %dma_start3A_83 = arith.constant 0 : i32
      %dma_start3A_84 = arith.constant 0 : i32
      %dma_start3A_85 = tpu.memref_slice %arg15[%dma_start3A_83, %dma_start3A_84] : memref<10240x128xf32, #tpu.memory_space<vmem_shared>> -> memref<10240x128xf32, #tpu.memory_space<vmem_shared>>
      tpu.enqueue_indirect_dma source(%arg13 : memref<96x128xf32, #tpu.memory_space<vmem>>) target(%dma_start3A_85 : memref<10240x128xf32, #tpu.memory_space<vmem_shared>>) offsets(%arg10 : memref<96xi32, #tpu.memory_space<vmem>>) semaphore(%arg20 : memref<!tpu.dma_semaphore, #tpu.memory_space<semaphore_mem>>) {add = true}
      %ge3A_86 = arith.constant 1 : i32
      %ge3A_87 = arith.cmpi sge, %add3A_79, %ge3A_86 : i32
      %add3A_88 = arith.constant 2 : i32
      %add3A_89 = arith.addi %add3A_79, %add3A_88 : i32
      %lt3A_90 = arith.constant 105 : i32
      %lt3A_91 = arith.cmpi slt, %add3A_89, %lt3A_90 : i32
      %and3A_92 = arith.andi %ge3A_87, %lt3A_91 : i1
      %convert_element_type3A_93 = arith.extui %and3A_92 : i1 to i32
      %cond3A_94 = arith.constant 0 : i32
      %cond3A_95 = arith.cmpi ne, %convert_element_type3A_93, %cond3A_94 : i32
      scf.if %cond3A_95 {
        %dma_wait3A_131 = arith.constant 0 : i32
        %dma_wait3A_132 = arith.constant 0 : i32
        %dma_wait3A_133 = tpu.memref_slice %arg15[%dma_wait3A_131, %dma_wait3A_132] : memref<10240x128xf32, #tpu.memory_space<vmem_shared>> -> memref<10240x128xf32, #tpu.memory_space<vmem_shared>>
        tpu.wait_indirect_dma semaphore(%arg19 : memref<!tpu.dma_semaphore, #tpu.memory_space<semaphore_mem>>) src(%arg12 : memref<96x128xf32, #tpu.memory_space<vmem>>) dst(%dma_wait3A_133 : memref<10240x128xf32, #tpu.memory_space<vmem_shared>>)
      } else {
      }
      %add3A_96 = arith.constant 2 : i32
      %add3A_97 = arith.addi %add3A_79, %add3A_96 : i32
      %lt3A_98 = arith.constant 105 : i32
      %lt3A_99 = arith.cmpi slt, %add3A_97, %lt3A_98 : i32
      %convert_element_type3A_100 = arith.extui %lt3A_99 : i1 to i32
      %cond3A_101 = arith.constant 0 : i32
      %cond3A_102 = arith.cmpi ne, %convert_element_type3A_100, %cond3A_101 : i32
      scf.if %cond3A_102 {
        %add3A_131 = arith.constant 2 : i32
        %add3A_132 = arith.addi %add3A_79, %add3A_131 : i32
        %mul3A_133 = arith.constant 96 : i32
        %mul3A_134 = arith.muli %add3A_132, %mul3A_133 : i32
        %add3A_135 = arith.addi %mul3A_2, %mul3A_134 : i32
        "tpu.region"() ({
          %run_scoped3A = tpu.sem_alloc : memref<!tpu.dma_semaphore, #tpu.memory_space<semaphore_mem>>
          %dma_start3A_142 = tpu.memref_slice %arg4[%add3A_135] : memref<322560xi32, #tpu.memory_space<hbm>> -> memref<96xi32, #tpu.memory_space<hbm>>
          %dma_start3A_143 = tpu.memref_slice %arg4[%add3A_135] : memref<322560xi32, #tpu.memory_space<hbm>> -> memref<96xi32, #tpu.memory_space<hbm>>
          tpu.enqueue_dma source(%dma_start3A_143 : memref<96xi32, #tpu.memory_space<hbm>>) target(%arg9 : memref<96xi32, #tpu.memory_space<vmem>>) target_semaphore(%run_scoped3A : memref<!tpu.dma_semaphore, #tpu.memory_space<semaphore_mem>>)
          %dma_wait3A_144 = tpu.memref_slice %arg4[%add3A_135] : memref<322560xi32, #tpu.memory_space<hbm>> -> memref<96xi32, #tpu.memory_space<hbm>>
          %dma_wait3A_145 = tpu.memref_slice %arg4[%add3A_135] : memref<322560xi32, #tpu.memory_space<hbm>> -> memref<96xi32, #tpu.memory_space<hbm>>
          tpu.wait_dma2 semaphore(%run_scoped3A : memref<!tpu.dma_semaphore, #tpu.memory_space<semaphore_mem>>) src(%dma_wait3A_145 : memref<96xi32, #tpu.memory_space<hbm>>) dst(%arg9 : memref<96xi32, #tpu.memory_space<vmem>>)
          tpu.yield
        }) : () -> ()
        %mul3A_136 = arith.constant 96 : i32
        %mul3A_137 = arith.muli %add3A_132, %mul3A_136 : i32
        %add3A_138 = arith.addi %mul3A_2, %mul3A_137 : i32
        "tpu.region"() ({
          %run_scoped3A = tpu.sem_alloc : memref<!tpu.dma_semaphore, #tpu.memory_space<semaphore_mem>>
          %dma_start3A_142 = tpu.memref_slice %arg3[%add3A_138] : memref<322560xi32, #tpu.memory_space<hbm>> -> memref<96xi32, #tpu.memory_space<hbm>>
          %dma_start3A_143 = tpu.memref_slice %arg3[%add3A_138] : memref<322560xi32, #tpu.memory_space<hbm>> -> memref<96xi32, #tpu.memory_space<hbm>>
          tpu.enqueue_dma source(%dma_start3A_143 : memref<96xi32, #tpu.memory_space<hbm>>) target(%arg6 : memref<96xi32, #tpu.memory_space<vmem>>) target_semaphore(%run_scoped3A : memref<!tpu.dma_semaphore, #tpu.memory_space<semaphore_mem>>)
          %dma_wait3A_144 = tpu.memref_slice %arg3[%add3A_138] : memref<322560xi32, #tpu.memory_space<hbm>> -> memref<96xi32, #tpu.memory_space<hbm>>
          %dma_wait3A_145 = tpu.memref_slice %arg3[%add3A_138] : memref<322560xi32, #tpu.memory_space<hbm>> -> memref<96xi32, #tpu.memory_space<hbm>>
          tpu.wait_dma2 semaphore(%run_scoped3A : memref<!tpu.dma_semaphore, #tpu.memory_space<semaphore_mem>>) src(%dma_wait3A_145 : memref<96xi32, #tpu.memory_space<hbm>>) dst(%arg6 : memref<96xi32, #tpu.memory_space<vmem>>)
          tpu.yield
        }) : () -> ()
        %dma_start3A_139 = arith.constant 0 : i32
        %dma_start3A_140 = arith.constant 0 : i32
        %dma_start3A_141 = tpu.memref_slice %arg2[%dma_start3A_139, %dma_start3A_140] : memref<10000x128xf32, #tpu.memory_space<hbm>> -> memref<10000x128xf32, #tpu.memory_space<hbm>>
        tpu.enqueue_indirect_dma source(%dma_start3A_141 : memref<10000x128xf32, #tpu.memory_space<hbm>>) target(%arg12 : memref<96x128xf32, #tpu.memory_space<vmem>>) offsets(%arg6 : memref<96xi32, #tpu.memory_space<vmem>>) semaphore(%arg16 : memref<!tpu.dma_semaphore, #tpu.memory_space<semaphore_mem>>)
      } else {
      }
      %mul3A_103 = arith.constant 3 : i32
      %mul3A_104 = arith.muli %mul3A_103, %scan3A_52 : i32
      %add3A_105 = arith.constant 2 : i32
      %add3A_106 = arith.addi %mul3A_104, %add3A_105 : i32
      %dma_wait3A_107 = arith.constant 0 : i32
      %dma_wait3A_108 = arith.constant 0 : i32
      %dma_wait3A_109 = tpu.memref_slice %arg2[%dma_wait3A_107, %dma_wait3A_108] : memref<10000x128xf32, #tpu.memory_space<hbm>> -> memref<10000x128xf32, #tpu.memory_space<hbm>>
      tpu.wait_indirect_dma semaphore(%arg18 : memref<!tpu.dma_semaphore, #tpu.memory_space<semaphore_mem>>) src(%dma_wait3A_109 : memref<10000x128xf32, #tpu.memory_space<hbm>>) dst(%arg14 : memref<96x128xf32, #tpu.memory_space<vmem>>)
      %dma_start3A_110 = arith.constant 0 : i32
      %dma_start3A_111 = arith.constant 0 : i32
      %dma_start3A_112 = tpu.memref_slice %arg15[%dma_start3A_110, %dma_start3A_111] : memref<10240x128xf32, #tpu.memory_space<vmem_shared>> -> memref<10240x128xf32, #tpu.memory_space<vmem_shared>>
      tpu.enqueue_indirect_dma source(%arg14 : memref<96x128xf32, #tpu.memory_space<vmem>>) target(%dma_start3A_112 : memref<10240x128xf32, #tpu.memory_space<vmem_shared>>) offsets(%arg11 : memref<96xi32, #tpu.memory_space<vmem>>) semaphore(%arg21 : memref<!tpu.dma_semaphore, #tpu.memory_space<semaphore_mem>>) {add = true}
      %ge3A_113 = arith.constant 1 : i32
      %ge3A_114 = arith.cmpi sge, %add3A_106, %ge3A_113 : i32
      %add3A_115 = arith.constant 2 : i32
      %add3A_116 = arith.addi %add3A_106, %add3A_115 : i32
      %lt3A_117 = arith.constant 105 : i32
      %lt3A_118 = arith.cmpi slt, %add3A_116, %lt3A_117 : i32
      %and3A_119 = arith.andi %ge3A_114, %lt3A_118 : i1
      %convert_element_type3A_120 = arith.extui %and3A_119 : i1 to i32
      %cond3A_121 = arith.constant 0 : i32
      %cond3A_122 = arith.cmpi ne, %convert_element_type3A_120, %cond3A_121 : i32
      scf.if %cond3A_122 {
        %dma_wait3A_131 = arith.constant 0 : i32
        %dma_wait3A_132 = arith.constant 0 : i32
        %dma_wait3A_133 = tpu.memref_slice %arg15[%dma_wait3A_131, %dma_wait3A_132] : memref<10240x128xf32, #tpu.memory_space<vmem_shared>> -> memref<10240x128xf32, #tpu.memory_space<vmem_shared>>
        tpu.wait_indirect_dma semaphore(%arg20 : memref<!tpu.dma_semaphore, #tpu.memory_space<semaphore_mem>>) src(%arg13 : memref<96x128xf32, #tpu.memory_space<vmem>>) dst(%dma_wait3A_133 : memref<10240x128xf32, #tpu.memory_space<vmem_shared>>)
      } else {
      }
      %add3A_123 = arith.constant 2 : i32
      %add3A_124 = arith.addi %add3A_106, %add3A_123 : i32
      %lt3A_125 = arith.constant 105 : i32
      %lt3A_126 = arith.cmpi slt, %add3A_124, %lt3A_125 : i32
      %convert_element_type3A_127 = arith.extui %lt3A_126 : i1 to i32
      %cond3A_128 = arith.constant 0 : i32
      %cond3A_129 = arith.cmpi ne, %convert_element_type3A_127, %cond3A_128 : i32
      scf.if %cond3A_129 {
        %add3A_131 = arith.constant 2 : i32
        %add3A_132 = arith.addi %add3A_106, %add3A_131 : i32
        %mul3A_133 = arith.constant 96 : i32
        %mul3A_134 = arith.muli %add3A_132, %mul3A_133 : i32
        %add3A_135 = arith.addi %mul3A_2, %mul3A_134 : i32
        "tpu.region"() ({
          %run_scoped3A = tpu.sem_alloc : memref<!tpu.dma_semaphore, #tpu.memory_space<semaphore_mem>>
          %dma_start3A_142 = tpu.memref_slice %arg4[%add3A_135] : memref<322560xi32, #tpu.memory_space<hbm>> -> memref<96xi32, #tpu.memory_space<hbm>>
          %dma_start3A_143 = tpu.memref_slice %arg4[%add3A_135] : memref<322560xi32, #tpu.memory_space<hbm>> -> memref<96xi32, #tpu.memory_space<hbm>>
          tpu.enqueue_dma source(%dma_start3A_143 : memref<96xi32, #tpu.memory_space<hbm>>) target(%arg10 : memref<96xi32, #tpu.memory_space<vmem>>) target_semaphore(%run_scoped3A : memref<!tpu.dma_semaphore, #tpu.memory_space<semaphore_mem>>)
          %dma_wait3A_144 = tpu.memref_slice %arg4[%add3A_135] : memref<322560xi32, #tpu.memory_space<hbm>> -> memref<96xi32, #tpu.memory_space<hbm>>
          %dma_wait3A_145 = tpu.memref_slice %arg4[%add3A_135] : memref<322560xi32, #tpu.memory_space<hbm>> -> memref<96xi32, #tpu.memory_space<hbm>>
          tpu.wait_dma2 semaphore(%run_scoped3A : memref<!tpu.dma_semaphore, #tpu.memory_space<semaphore_mem>>) src(%dma_wait3A_145 : memref<96xi32, #tpu.memory_space<hbm>>) dst(%arg10 : memref<96xi32, #tpu.memory_space<vmem>>)
          tpu.yield
        }) : () -> ()
        %mul3A_136 = arith.constant 96 : i32
        %mul3A_137 = arith.muli %add3A_132, %mul3A_136 : i32
        %add3A_138 = arith.addi %mul3A_2, %mul3A_137 : i32
        "tpu.region"() ({
          %run_scoped3A = tpu.sem_alloc : memref<!tpu.dma_semaphore, #tpu.memory_space<semaphore_mem>>
          %dma_start3A_142 = tpu.memref_slice %arg3[%add3A_138] : memref<322560xi32, #tpu.memory_space<hbm>> -> memref<96xi32, #tpu.memory_space<hbm>>
          %dma_start3A_143 = tpu.memref_slice %arg3[%add3A_138] : memref<322560xi32, #tpu.memory_space<hbm>> -> memref<96xi32, #tpu.memory_space<hbm>>
          tpu.enqueue_dma source(%dma_start3A_143 : memref<96xi32, #tpu.memory_space<hbm>>) target(%arg7 : memref<96xi32, #tpu.memory_space<vmem>>) target_semaphore(%run_scoped3A : memref<!tpu.dma_semaphore, #tpu.memory_space<semaphore_mem>>)
          %dma_wait3A_144 = tpu.memref_slice %arg3[%add3A_138] : memref<322560xi32, #tpu.memory_space<hbm>> -> memref<96xi32, #tpu.memory_space<hbm>>
          %dma_wait3A_145 = tpu.memref_slice %arg3[%add3A_138] : memref<322560xi32, #tpu.memory_space<hbm>> -> memref<96xi32, #tpu.memory_space<hbm>>
          tpu.wait_dma2 semaphore(%run_scoped3A : memref<!tpu.dma_semaphore, #tpu.memory_space<semaphore_mem>>) src(%dma_wait3A_145 : memref<96xi32, #tpu.memory_space<hbm>>) dst(%arg7 : memref<96xi32, #tpu.memory_space<vmem>>)
          tpu.yield
        }) : () -> ()
        %dma_start3A_139 = arith.constant 0 : i32
        %dma_start3A_140 = arith.constant 0 : i32
        %dma_start3A_141 = tpu.memref_slice %arg2[%dma_start3A_139, %dma_start3A_140] : memref<10000x128xf32, #tpu.memory_space<hbm>> -> memref<10000x128xf32, #tpu.memory_space<hbm>>
        tpu.enqueue_indirect_dma source(%dma_start3A_141 : memref<10000x128xf32, #tpu.memory_space<hbm>>) target(%arg13 : memref<96x128xf32, #tpu.memory_space<vmem>>) offsets(%arg7 : memref<96xi32, #tpu.memory_space<vmem>>) semaphore(%arg17 : memref<!tpu.dma_semaphore, #tpu.memory_space<semaphore_mem>>)
      } else {
      }
      %scan3A_130 = arith.constant 0 : i32
      scf.yield %scan3A_130 : i32
    }
    %scan3A_35 = arith.constant 35 : i32
    %dma_wait3A = arith.constant 0 : i32
    %dma_wait3A_36 = arith.constant 0 : i32
    %dma_wait3A_37 = tpu.memref_slice %arg15[%dma_wait3A, %dma_wait3A_36] : memref<10240x128xf32, #tpu.memory_space<vmem_shared>> -> memref<10240x128xf32, #tpu.memory_space<vmem_shared>>
    tpu.wait_indirect_dma semaphore(%arg19 : memref<!tpu.dma_semaphore, #tpu.memory_space<semaphore_mem>>) src(%arg12 : memref<96x128xf32, #tpu.memory_space<vmem>>) dst(%dma_wait3A_37 : memref<10240x128xf32, #tpu.memory_space<vmem_shared>>)
    %dma_wait3A_38 = arith.constant 0 : i32
    %dma_wait3A_39 = arith.constant 0 : i32
    %dma_wait3A_40 = tpu.memref_slice %arg15[%dma_wait3A_38, %dma_wait3A_39] : memref<10240x128xf32, #tpu.memory_space<vmem_shared>> -> memref<10240x128xf32, #tpu.memory_space<vmem_shared>>
    tpu.wait_indirect_dma semaphore(%arg20 : memref<!tpu.dma_semaphore, #tpu.memory_space<semaphore_mem>>) src(%arg13 : memref<96x128xf32, #tpu.memory_space<vmem>>) dst(%dma_wait3A_40 : memref<10240x128xf32, #tpu.memory_space<vmem_shared>>)
    %dma_wait3A_41 = arith.constant 0 : i32
    %dma_wait3A_42 = arith.constant 0 : i32
    %dma_wait3A_43 = tpu.memref_slice %arg15[%dma_wait3A_41, %dma_wait3A_42] : memref<10240x128xf32, #tpu.memory_space<vmem_shared>> -> memref<10240x128xf32, #tpu.memory_space<vmem_shared>>
    tpu.wait_indirect_dma semaphore(%arg21 : memref<!tpu.dma_semaphore, #tpu.memory_space<semaphore_mem>>) src(%arg14 : memref<96x128xf32, #tpu.memory_space<vmem>>) dst(%dma_wait3A_43 : memref<10240x128xf32, #tpu.memory_space<vmem_shared>>)
    %barrier3A_44 = arith.constant 0 : index
    tpu.barrier barrier_id(%barrier3A_44)
    %scan3A_45 = arith.constant 0 : i32
    %scan3A_46 = arith.constant 0 : i32
    %scan3A_47 = arith.constant 8 : i32
    %scan3A_48 = arith.addi %scan3A_46, %scan3A_47 : i32
    %scan3A_49 = arith.constant 1 : i32
    %scan3A_50 = scf.for %scan3A_52 = %scan3A_46 to %scan3A_48 step %scan3A_49 iter_args(%scan3A_53 = %scan3A_45) -> (i32)  : i32 {
      %mul3A_54 = arith.constant 640 : i32
      %mul3A_55 = arith.muli %arg1, %mul3A_54 : i32
      %mul3A_56 = arith.constant 80 : i32
      %mul3A_57 = arith.muli %scan3A_52, %mul3A_56 : i32
      %add3A_58 = arith.addi %mul3A_55, %mul3A_57 : i32
      "tpu.region"() ({
        %run_scoped3A = tpu.sem_alloc : memref<!tpu.dma_semaphore, #tpu.memory_space<semaphore_mem>>
        %dma_start3A_65 = arith.constant 0 : i32
        %dma_start3A_66 = arith.constant 0 : i32
        %dma_start3A_67 = tpu.memref_slice %arg12[%dma_start3A_65, %dma_start3A_66] : memref<96x128xf32, #tpu.memory_space<vmem>> -> memref<80x128xf32, #tpu.memory_space<vmem>>
        %dma_start3A_68 = arith.constant 0 : i32
        %dma_start3A_69 = tpu.memref_slice %arg15[%add3A_58, %dma_start3A_68] : memref<10240x128xf32, #tpu.memory_space<vmem_shared>> -> memref<80x128xf32, #tpu.memory_space<vmem_shared>>
        %dma_start3A_70 = arith.constant 0 : i32
        %dma_start3A_71 = arith.constant 0 : i32
        %dma_start3A_72 = tpu.memref_slice %arg12[%dma_start3A_70, %dma_start3A_71] : memref<96x128xf32, #tpu.memory_space<vmem>> -> memref<80x128xf32, #tpu.memory_space<vmem>>
        %dma_start3A_73 = arith.constant 0 : i32
        %dma_start3A_74 = tpu.memref_slice %arg15[%add3A_58, %dma_start3A_73] : memref<10240x128xf32, #tpu.memory_space<vmem_shared>> -> memref<80x128xf32, #tpu.memory_space<vmem_shared>>
        tpu.enqueue_dma source(%dma_start3A_74 : memref<80x128xf32, #tpu.memory_space<vmem_shared>>) target(%dma_start3A_72 : memref<80x128xf32, #tpu.memory_space<vmem>>) target_semaphore(%run_scoped3A : memref<!tpu.dma_semaphore, #tpu.memory_space<semaphore_mem>>)
        %dma_wait3A_75 = arith.constant 0 : i32
        %dma_wait3A_76 = arith.constant 0 : i32
        %dma_wait3A_77 = tpu.memref_slice %arg12[%dma_wait3A_75, %dma_wait3A_76] : memref<96x128xf32, #tpu.memory_space<vmem>> -> memref<80x128xf32, #tpu.memory_space<vmem>>
        %dma_wait3A_78 = arith.constant 0 : i32
        %dma_wait3A_79 = tpu.memref_slice %arg15[%add3A_58, %dma_wait3A_78] : memref<10240x128xf32, #tpu.memory_space<vmem_shared>> -> memref<80x128xf32, #tpu.memory_space<vmem_shared>>
        %dma_wait3A_80 = arith.constant 0 : i32
        %dma_wait3A_81 = arith.constant 0 : i32
        %dma_wait3A_82 = tpu.memref_slice %arg12[%dma_wait3A_80, %dma_wait3A_81] : memref<96x128xf32, #tpu.memory_space<vmem>> -> memref<80x128xf32, #tpu.memory_space<vmem>>
        %dma_wait3A_83 = arith.constant 0 : i32
        %dma_wait3A_84 = tpu.memref_slice %arg15[%add3A_58, %dma_wait3A_83] : memref<10240x128xf32, #tpu.memory_space<vmem_shared>> -> memref<80x128xf32, #tpu.memory_space<vmem_shared>>
        tpu.wait_dma2 semaphore(%run_scoped3A : memref<!tpu.dma_semaphore, #tpu.memory_space<semaphore_mem>>) src(%dma_wait3A_84 : memref<80x128xf32, #tpu.memory_space<vmem_shared>>) dst(%dma_wait3A_82 : memref<80x128xf32, #tpu.memory_space<vmem>>)
        tpu.yield
      }) : () -> ()
      %mul3A_59 = arith.constant 640 : i32
      %mul3A_60 = arith.muli %arg1, %mul3A_59 : i32
      %mul3A_61 = arith.constant 80 : i32
      %mul3A_62 = arith.muli %scan3A_52, %mul3A_61 : i32
      %add3A_63 = arith.addi %mul3A_60, %mul3A_62 : i32
      "tpu.region"() ({
        %run_scoped3A = tpu.sem_alloc : memref<!tpu.dma_semaphore, #tpu.memory_space<semaphore_mem>>
        %dma_start3A_65 = arith.constant 0 : i32
        %dma_start3A_66 = arith.constant 0 : i32
        %dma_start3A_67 = tpu.memref_slice %arg12[%dma_start3A_65, %dma_start3A_66] : memref<96x128xf32, #tpu.memory_space<vmem>> -> memref<80x128xf32, #tpu.memory_space<vmem>>
        %dma_start3A_68 = arith.constant 0 : i32
        %dma_start3A_69 = tpu.memref_slice %arg5[%arg0, %add3A_63, %dma_start3A_68] : memref<2x10240x128xf32, #tpu.memory_space<hbm>> -> memref<1x80x128xf32, #tpu.memory_space<hbm>>
        %dma_start3A_70 = tpu.memref_squeeze %dma_start3A_69 : memref<1x80x128xf32, #tpu.memory_space<hbm>> -> memref<80x128xf32, #tpu.memory_space<hbm>>
        %dma_start3A_71 = arith.constant 0 : i32
        %dma_start3A_72 = tpu.memref_slice %arg5[%arg0, %add3A_63, %dma_start3A_71] : memref<2x10240x128xf32, #tpu.memory_space<hbm>> -> memref<1x80x128xf32, #tpu.memory_space<hbm>>
        %dma_start3A_73 = tpu.memref_squeeze %dma_start3A_72 : memref<1x80x128xf32, #tpu.memory_space<hbm>> -> memref<80x128xf32, #tpu.memory_space<hbm>>
        %dma_start3A_74 = arith.constant 0 : i32
        %dma_start3A_75 = arith.constant 0 : i32
        %dma_start3A_76 = tpu.memref_slice %arg12[%dma_start3A_74, %dma_start3A_75] : memref<96x128xf32, #tpu.memory_space<vmem>> -> memref<80x128xf32, #tpu.memory_space<vmem>>
        tpu.enqueue_dma source(%dma_start3A_76 : memref<80x128xf32, #tpu.memory_space<vmem>>) target(%dma_start3A_73 : memref<80x128xf32, #tpu.memory_space<hbm>>) target_semaphore(%run_scoped3A : memref<!tpu.dma_semaphore, #tpu.memory_space<semaphore_mem>>)
        %dma_wait3A_77 = arith.constant 0 : i32
        %dma_wait3A_78 = arith.constant 0 : i32
        %dma_wait3A_79 = tpu.memref_slice %arg12[%dma_wait3A_77, %dma_wait3A_78] : memref<96x128xf32, #tpu.memory_space<vmem>> -> memref<80x128xf32, #tpu.memory_space<vmem>>
        %dma_wait3A_80 = arith.constant 0 : i32
        %dma_wait3A_81 = tpu.memref_slice %arg5[%arg0, %add3A_63, %dma_wait3A_80] : memref<2x10240x128xf32, #tpu.memory_space<hbm>> -> memref<1x80x128xf32, #tpu.memory_space<hbm>>
        %dma_wait3A_82 = tpu.memref_squeeze %dma_wait3A_81 : memref<1x80x128xf32, #tpu.memory_space<hbm>> -> memref<80x128xf32, #tpu.memory_space<hbm>>
        %dma_wait3A_83 = arith.constant 0 : i32
        %dma_wait3A_84 = tpu.memref_slice %arg5[%arg0, %add3A_63, %dma_wait3A_83] : memref<2x10240x128xf32, #tpu.memory_space<hbm>> -> memref<1x80x128xf32, #tpu.memory_space<hbm>>
        %dma_wait3A_85 = tpu.memref_squeeze %dma_wait3A_84 : memref<1x80x128xf32, #tpu.memory_space<hbm>> -> memref<80x128xf32, #tpu.memory_space<hbm>>
        %dma_wait3A_86 = arith.constant 0 : i32
        %dma_wait3A_87 = arith.constant 0 : i32
        %dma_wait3A_88 = tpu.memref_slice %arg12[%dma_wait3A_86, %dma_wait3A_87] : memref<96x128xf32, #tpu.memory_space<vmem>> -> memref<80x128xf32, #tpu.memory_space<vmem>>
        tpu.wait_dma2 semaphore(%run_scoped3A : memref<!tpu.dma_semaphore, #tpu.memory_space<semaphore_mem>>) src(%dma_wait3A_88 : memref<80x128xf32, #tpu.memory_space<vmem>>) dst(%dma_wait3A_85 : memref<80x128xf32, #tpu.memory_space<hbm>>)
        tpu.yield
      }) : () -> ()
      %scan3A_64 = arith.constant 0 : i32
      scf.yield %scan3A_64 : i32
    }
    %scan3A_51 = arith.constant 8 : i32
    return
  }
}

module attributes {stable_mosaic.version = 14 : i64} {
  func.func @_t0_body(%arg0: i32, %arg1: memref<1000x128xf32, #tpu.memory_space<vmem>>, %arg2: memref<1000x128xf32, #tpu.memory_space<vmem>>, %arg3: memref<1000x128xf32, #tpu.memory_space<vmem>>, %arg4: memref<1000x128xf32, #tpu.memory_space<vmem>>, %arg5: memref<1000x128xf32, #tpu.memory_space<vmem>>) attributes {dimension_semantics = [#tpu.dimension_semantics<arbitrary>], iteration_bounds = array<i64: 10>, scalar_prefetch = 0 : i64, scratch_operands = 0 : i64, tpu.core_type = #tpu.core_type<tc>, window_params = [{transform_indices = @transform_0, window_bounds = array<i64: 1000, 128>}, {transform_indices = @transform_1, window_bounds = array<i64: 1000, 128>}, {transform_indices = @transform_2, window_bounds = array<i64: 1000, 128>}, {transform_indices = @transform_3, window_bounds = array<i64: 1000, 128>}, {transform_indices = @transform_4, window_bounds = array<i64: 1000, 128>}]} {
    %get3A = arith.constant 0 : index
    %get3A_0 = arith.constant 0 : index
    %get3A_1 = vector.load %arg2[%get3A, %get3A_0] : memref<1000x128xf32, #tpu.memory_space<vmem>>, vector<1000x1xf32>
    %get3A_2 = arith.constant 0 : index
    %get3A_3 = arith.constant 0 : index
    %get3A_4 = vector.load %arg3[%get3A_2, %get3A_3] : memref<1000x128xf32, #tpu.memory_space<vmem>>, vector<1000x1xf32>
    %add3A = arith.addf %get3A_1, %get3A_4 : vector<1000x1xf32>
    %add3A_5 = arith.constant 1.000000e+00 : f32
    %add3A_6 = vector.broadcast %add3A_5 : f32 to vector<1000x1xf32>
    %add3A_7 = arith.addf %add3A, %add3A_6 : vector<1000x1xf32>
    %rsqrt3A = math.rsqrt %add3A_7 : vector<1000x1xf32>
    %broadcast_in_dim3A = vector.shape_cast %rsqrt3A : vector<1000x1xf32> to vector<1000x1xf32>
    %broadcast_in_dim3A_8 = vector.broadcast %broadcast_in_dim3A : vector<1000x1xf32> to vector<1000x128xf32>
    %swap3A = arith.constant 0 : index
    %swap3A_9 = arith.constant 0 : index
    %swap3A_10 = vector.load %arg5[%swap3A, %swap3A_9] : memref<1000x128xf32, #tpu.memory_space<vmem>>, vector<1000x128xf32>
    tpu.vector_store %arg5[%swap3A, %swap3A_9], %broadcast_in_dim3A_8 {strides = array<i32>} : memref<1000x128xf32, #tpu.memory_space<vmem>>, vector<1000x128xf32>,
    %get3A_11 = arith.constant 0 : index
    %get3A_12 = arith.constant 0 : index
    %get3A_13 = vector.load %arg1[%get3A_11, %get3A_12] : memref<1000x128xf32, #tpu.memory_space<vmem>>, vector<1000x128xf32>
    %mul3A = vector.broadcast %rsqrt3A : vector<1000x1xf32> to vector<1000x128xf32>
    %mul3A_14 = arith.mulf %get3A_13, %mul3A : vector<1000x128xf32>
    %swap3A_15 = arith.constant 0 : index
    %swap3A_16 = arith.constant 0 : index
    %swap3A_17 = vector.load %arg4[%swap3A_15, %swap3A_16] : memref<1000x128xf32, #tpu.memory_space<vmem>>, vector<1000x128xf32>
    tpu.vector_store %arg4[%swap3A_15, %swap3A_16], %mul3A_14 {strides = array<i32>} : memref<1000x128xf32, #tpu.memory_space<vmem>>, vector<1000x128xf32>,
    return
  }
  func.func @transform_0(%arg0: i32) -> (i32, i32) {
    %c0_i32 = arith.constant 0 : i32
    %c0_i32_0 = arith.constant 0 : i32
    return %arg0, %c0_i32 : i32, i32
  }
  func.func @transform_1(%arg0: i32) -> (i32, i32) {
    %c0_i32 = arith.constant 0 : i32
    %c0_i32_0 = arith.constant 0 : i32
    return %arg0, %c0_i32 : i32, i32
  }
  func.func @transform_2(%arg0: i32) -> (i32, i32) {
    %c0_i32 = arith.constant 0 : i32
    %c0_i32_0 = arith.constant 0 : i32
    return %arg0, %c0_i32 : i32, i32
  }
  func.func @transform_3(%arg0: i32) -> (i32, i32) {
    %c0_i32 = arith.constant 0 : i32
    %c0_i32_0 = arith.constant 0 : i32
    return %arg0, %c0_i32 : i32, i32
  }
  func.func @transform_4(%arg0: i32) -> (i32, i32) {
    %c0_i32 = arith.constant 0 : i32
    %c0_i32_0 = arith.constant 0 : i32
    return %arg0, %c0_i32 : i32, i32
  }
}

module attributes {stable_mosaic.version = 14 : i64} {
  func.func @_t1_body(%arg0: i32, %arg1: memref<1000x128xf32, #tpu.memory_space<vmem>>, %arg2: memref<1000x128xf32, #tpu.memory_space<vmem>>, %arg3: memref<1000x128xf32, #tpu.memory_space<vmem>>, %arg4: memref<1000x128xf32, #tpu.memory_space<vmem>>, %arg5: memref<128x512xf32, #tpu.memory_space<vmem>>, %arg6: memref<1x512xf32, #tpu.memory_space<vmem>>, %arg7: memref<512x128xf32, #tpu.memory_space<vmem>>, %arg8: memref<1000x128xf32, #tpu.memory_space<vmem>>) attributes {dimension_semantics = [#tpu.dimension_semantics<arbitrary>], iteration_bounds = array<i64: 10>, scalar_prefetch = 0 : i64, scratch_operands = 0 : i64, tpu.core_type = #tpu.core_type<tc>, window_params = [{transform_indices = @transform_0, window_bounds = array<i64: 1000, 128>}, {transform_indices = @transform_1, window_bounds = array<i64: 1000, 128>}, {transform_indices = @transform_2, window_bounds = array<i64: 1000, 128>}, {transform_indices = @transform_3, window_bounds = array<i64: 1000, 128>}, {pipeline_mode = #tpu.pipeline_mode<synchronous>, transform_indices = @transform_4, window_bounds = array<i64: 128, 512>}, {pipeline_mode = #tpu.pipeline_mode<synchronous>, transform_indices = @transform_5, window_bounds = array<i64: 1, 512>}, {pipeline_mode = #tpu.pipeline_mode<synchronous>, transform_indices = @transform_6, window_bounds = array<i64: 512, 128>}, {transform_indices = @transform_7, window_bounds = array<i64: 1000, 128>}]} {
    %get3A = arith.constant 0 : index
    %get3A_0 = arith.constant 0 : index
    %get3A_1 = vector.load %arg4[%get3A, %get3A_0] : memref<1000x128xf32, #tpu.memory_space<vmem>>, vector<1000x128xf32>
    %get3A_2 = arith.constant 0 : index
    %get3A_3 = arith.constant 0 : index
    %get3A_4 = vector.load %arg1[%get3A_2, %get3A_3] : memref<1000x128xf32, #tpu.memory_space<vmem>>, vector<1000x128xf32>
    %get3A_5 = arith.constant 0 : index
    %get3A_6 = arith.constant 0 : index
    %get3A_7 = vector.load %arg2[%get3A_5, %get3A_6] : memref<1000x128xf32, #tpu.memory_space<vmem>>, vector<1000x128xf32>
    %add3A = arith.addf %get3A_4, %get3A_7 : vector<1000x128xf32>
    %get3A_8 = arith.constant 0 : index
    %get3A_9 = arith.constant 0 : index
    %get3A_10 = vector.load %arg3[%get3A_8, %get3A_9] : memref<1000x128xf32, #tpu.memory_space<vmem>>, vector<1000x128xf32>
    %add3A_11 = arith.addf %add3A, %get3A_10 : vector<1000x128xf32>
    %mul3A = arith.mulf %get3A_1, %add3A_11 : vector<1000x128xf32>
    %get3A_12 = arith.constant 0 : index
    %get3A_13 = arith.constant 0 : index
    %get3A_14 = vector.load %arg5[%get3A_12, %get3A_13] : memref<128x512xf32, #tpu.memory_space<vmem>>, vector<128x512xf32>
    %dot_general3A = arith.constant dense<0.000000e+00> : vector<1000x512xf32>
    %dot_general3A_15 = tpu.matmul %mul3A, %get3A_14, %dot_general3A {dimension_numbers = #tpu.dot_dimension_numbers<[1], [0], [0], [1], [0, 0, 1, 1], [], []>, transpose_lhs_hint = false} : vector<1000x128xf32>, vector<128x512xf32>, vector<1000x512xf32> -> vector<1000x512xf32>
    %get3A_16 = arith.constant 0 : index
    %get3A_17 = arith.constant 0 : index
    %get3A_18 = vector.load %arg6[%get3A_16, %get3A_17] : memref<1x512xf32, #tpu.memory_space<vmem>>, vector<1x512xf32>
    %add3A_19 = vector.broadcast %get3A_18 : vector<1x512xf32> to vector<1000x512xf32>
    %add3A_20 = arith.addf %dot_general3A_15, %add3A_19 : vector<1000x512xf32>
    %max3A = arith.constant 0.000000e+00 : f32
    %max3A_21 = vector.broadcast %max3A : f32 to vector<1000x512xf32>
    %max3A_22 = arith.maximumf %add3A_20, %max3A_21 : vector<1000x512xf32>
    %get3A_23 = arith.constant 0 : index
    %get3A_24 = arith.constant 0 : index
    %get3A_25 = vector.load %arg7[%get3A_23, %get3A_24] : memref<512x128xf32, #tpu.memory_space<vmem>>, vector<512x128xf32>
    %dot_general3A_26 = arith.constant dense<0.000000e+00> : vector<1000x128xf32>
    %dot_general3A_27 = tpu.matmul %max3A_22, %get3A_25, %dot_general3A_26 {dimension_numbers = #tpu.dot_dimension_numbers<[1], [0], [0], [1], [0, 0, 1, 1], [], []>, transpose_lhs_hint = false} : vector<1000x512xf32>, vector<512x128xf32>, vector<1000x128xf32> -> vector<1000x128xf32>
    %mul3A_28 = arith.mulf %get3A_1, %dot_general3A_27 : vector<1000x128xf32>
    %swap3A = arith.constant 0 : index
    %swap3A_29 = arith.constant 0 : index
    %swap3A_30 = vector.load %arg8[%swap3A, %swap3A_29] : memref<1000x128xf32, #tpu.memory_space<vmem>>, vector<1000x128xf32>
    tpu.vector_store %arg8[%swap3A, %swap3A_29], %mul3A_28 {strides = array<i32>} : memref<1000x128xf32, #tpu.memory_space<vmem>>, vector<1000x128xf32>,
    return
  }
  func.func @transform_0(%arg0: i32) -> (i32, i32) {
    %c0_i32 = arith.constant 0 : i32
    %c0_i32_0 = arith.constant 0 : i32
    return %arg0, %c0_i32 : i32, i32
  }
  func.func @transform_1(%arg0: i32) -> (i32, i32) {
    %c0_i32 = arith.constant 0 : i32
    %c0_i32_0 = arith.constant 0 : i32
    return %arg0, %c0_i32 : i32, i32
  }
  func.func @transform_2(%arg0: i32) -> (i32, i32) {
    %c0_i32 = arith.constant 0 : i32
    %c0_i32_0 = arith.constant 0 : i32
    return %arg0, %c0_i32 : i32, i32
  }
  func.func @transform_3(%arg0: i32) -> (i32, i32) {
    %c0_i32 = arith.constant 0 : i32
    %c0_i32_0 = arith.constant 0 : i32
    return %arg0, %c0_i32 : i32, i32
  }
  func.func @transform_4(%arg0: i32) -> (i32, i32) {
    %c0_i32 = arith.constant 0 : i32
    %c0_i32_0 = arith.constant 0 : i32
    %c0_i32_1 = arith.constant 0 : i32
    return %c0_i32, %c0_i32_0 : i32, i32
  }
  func.func @transform_5(%arg0: i32) -> (i32, i32) {
    %c0_i32 = arith.constant 0 : i32
    %c0_i32_0 = arith.constant 0 : i32
    %c0_i32_1 = arith.constant 0 : i32
    return %c0_i32, %c0_i32_0 : i32, i32
  }
  func.func @transform_6(%arg0: i32) -> (i32, i32) {
    %c0_i32 = arith.constant 0 : i32
    %c0_i32_0 = arith.constant 0 : i32
    %c0_i32_1 = arith.constant 0 : i32
    return %c0_i32, %c0_i32_0 : i32, i32
  }
  func.func @transform_7(%arg0: i32) -> (i32, i32) {
    %c0_i32 = arith.constant 0 : i32
    %c0_i32_0 = arith.constant 0 : i32
    return %arg0, %c0_i32 : i32, i32
  }
}

module attributes {stable_mosaic.version = 14 : i64} {
  func.func @_t2_body(%arg0: i32, %arg1: memref<1000x128xf32, #tpu.memory_space<vmem>>, %arg2: memref<1000x128xf32, #tpu.memory_space<vmem>>, %arg3: memref<1000x128xf32, #tpu.memory_space<vmem>>, %arg4: memref<1000x128xf32, #tpu.memory_space<vmem>>, %arg5: memref<1x128xf32, #tpu.memory_space<vmem>>, %arg6: memref<1000x128xf32, #tpu.memory_space<vmem>>) attributes {dimension_semantics = [#tpu.dimension_semantics<arbitrary>], iteration_bounds = array<i64: 10>, scalar_prefetch = 0 : i64, scratch_operands = 0 : i64, tpu.core_type = #tpu.core_type<tc>, window_params = [{transform_indices = @transform_0, window_bounds = array<i64: 1000, 128>}, {transform_indices = @transform_1, window_bounds = array<i64: 1000, 128>}, {transform_indices = @transform_2, window_bounds = array<i64: 1000, 128>}, {transform_indices = @transform_3, window_bounds = array<i64: 1000, 128>}, {pipeline_mode = #tpu.pipeline_mode<synchronous>, transform_indices = @transform_4, window_bounds = array<i64: 1, 128>}, {transform_indices = @transform_5, window_bounds = array<i64: 1000, 128>}]} {
    %get3A = arith.constant 0 : index
    %get3A_0 = arith.constant 0 : index
    %get3A_1 = vector.load %arg4[%get3A, %get3A_0] : memref<1000x128xf32, #tpu.memory_space<vmem>>, vector<1000x128xf32>
    %get3A_2 = arith.constant 0 : index
    %get3A_3 = arith.constant 0 : index
    %get3A_4 = vector.load %arg1[%get3A_2, %get3A_3] : memref<1000x128xf32, #tpu.memory_space<vmem>>, vector<1000x128xf32>
    %get3A_5 = arith.constant 0 : index
    %get3A_6 = arith.constant 0 : index
    %get3A_7 = vector.load %arg2[%get3A_5, %get3A_6] : memref<1000x128xf32, #tpu.memory_space<vmem>>, vector<1000x128xf32>
    %add3A = arith.addf %get3A_4, %get3A_7 : vector<1000x128xf32>
    %get3A_8 = arith.constant 0 : index
    %get3A_9 = arith.constant 0 : index
    %get3A_10 = vector.load %arg3[%get3A_8, %get3A_9] : memref<1000x128xf32, #tpu.memory_space<vmem>>, vector<1000x128xf32>
    %add3A_11 = arith.addf %add3A, %get3A_10 : vector<1000x128xf32>
    %mul3A = arith.mulf %get3A_1, %add3A_11 : vector<1000x128xf32>
    %get3A_12 = arith.constant 0 : index
    %get3A_13 = arith.constant 0 : index
    %get3A_14 = vector.load %arg5[%get3A_12, %get3A_13] : memref<1x128xf32, #tpu.memory_space<vmem>>, vector<1x128xf32>
    %add3A_15 = vector.broadcast %get3A_14 : vector<1x128xf32> to vector<1000x128xf32>
    %add3A_16 = arith.addf %mul3A, %add3A_15 : vector<1000x128xf32>
    %max3A = arith.constant 0.000000e+00 : f32
    %max3A_17 = vector.broadcast %max3A : f32 to vector<1000x128xf32>
    %max3A_18 = arith.maximumf %add3A_16, %max3A_17 : vector<1000x128xf32>
    %mul3A_19 = arith.mulf %get3A_1, %max3A_18 : vector<1000x128xf32>
    %swap3A = arith.constant 0 : index
    %swap3A_20 = arith.constant 0 : index
    %swap3A_21 = vector.load %arg6[%swap3A, %swap3A_20] : memref<1000x128xf32, #tpu.memory_space<vmem>>, vector<1000x128xf32>
    tpu.vector_store %arg6[%swap3A, %swap3A_20], %mul3A_19 {strides = array<i32>} : memref<1000x128xf32, #tpu.memory_space<vmem>>, vector<1000x128xf32>,
    return
  }
  func.func @transform_0(%arg0: i32) -> (i32, i32) {
    %c0_i32 = arith.constant 0 : i32
    %c0_i32_0 = arith.constant 0 : i32
    return %arg0, %c0_i32 : i32, i32
  }
  func.func @transform_1(%arg0: i32) -> (i32, i32) {
    %c0_i32 = arith.constant 0 : i32
    %c0_i32_0 = arith.constant 0 : i32
    return %arg0, %c0_i32 : i32, i32
  }
  func.func @transform_2(%arg0: i32) -> (i32, i32) {
    %c0_i32 = arith.constant 0 : i32
    %c0_i32_0 = arith.constant 0 : i32
    return %arg0, %c0_i32 : i32, i32
  }
  func.func @transform_3(%arg0: i32) -> (i32, i32) {
    %c0_i32 = arith.constant 0 : i32
    %c0_i32_0 = arith.constant 0 : i32
    return %arg0, %c0_i32 : i32, i32
  }
  func.func @transform_4(%arg0: i32) -> (i32, i32) {
    %c0_i32 = arith.constant 0 : i32
    %c0_i32_0 = arith.constant 0 : i32
    %c0_i32_1 = arith.constant 0 : i32
    return %c0_i32, %c0_i32_0 : i32, i32
  }
  func.func @transform_5(%arg0: i32) -> (i32, i32) {
    %c0_i32 = arith.constant 0 : i32
    %c0_i32_0 = arith.constant 0 : i32
    return %arg0, %c0_i32 : i32, i32
  }
}

module attributes {stable_mosaic.version = 14 : i64} {
  func.func @_t3_body(%arg0: i32, %arg1: memref<1000x128xf32, #tpu.memory_space<vmem>>, %arg2: memref<1000x128xf32, #tpu.memory_space<vmem>>, %arg3: memref<1000x128xf32, #tpu.memory_space<vmem>>, %arg4: memref<1000x128xf32, #tpu.memory_space<vmem>>, %arg5: memref<128x48xf32, #tpu.memory_space<vmem>>, %arg6: memref<1x48xf32, #tpu.memory_space<vmem>>, %arg7: memref<1000x48xf32, #tpu.memory_space<vmem>>) attributes {dimension_semantics = [#tpu.dimension_semantics<arbitrary>], iteration_bounds = array<i64: 10>, scalar_prefetch = 0 : i64, scratch_operands = 0 : i64, tpu.core_type = #tpu.core_type<tc>, window_params = [{transform_indices = @transform_0, window_bounds = array<i64: 1000, 128>}, {transform_indices = @transform_1, window_bounds = array<i64: 1000, 128>}, {transform_indices = @transform_2, window_bounds = array<i64: 1000, 128>}, {transform_indices = @transform_3, window_bounds = array<i64: 1000, 128>}, {pipeline_mode = #tpu.pipeline_mode<synchronous>, transform_indices = @transform_4, window_bounds = array<i64: 128, 48>}, {pipeline_mode = #tpu.pipeline_mode<synchronous>, transform_indices = @transform_5, window_bounds = array<i64: 1, 48>}, {transform_indices = @transform_6, window_bounds = array<i64: 1000, 48>}]} {
    %get3A = arith.constant 0 : index
    %get3A_0 = arith.constant 0 : index
    %get3A_1 = vector.load %arg4[%get3A, %get3A_0] : memref<1000x128xf32, #tpu.memory_space<vmem>>, vector<1000x128xf32>
    %get3A_2 = arith.constant 0 : index
    %get3A_3 = arith.constant 0 : index
    %get3A_4 = vector.load %arg1[%get3A_2, %get3A_3] : memref<1000x128xf32, #tpu.memory_space<vmem>>, vector<1000x128xf32>
    %get3A_5 = arith.constant 0 : index
    %get3A_6 = arith.constant 0 : index
    %get3A_7 = vector.load %arg2[%get3A_5, %get3A_6] : memref<1000x128xf32, #tpu.memory_space<vmem>>, vector<1000x128xf32>
    %add3A = arith.addf %get3A_4, %get3A_7 : vector<1000x128xf32>
    %get3A_8 = arith.constant 0 : index
    %get3A_9 = arith.constant 0 : index
    %get3A_10 = vector.load %arg3[%get3A_8, %get3A_9] : memref<1000x128xf32, #tpu.memory_space<vmem>>, vector<1000x128xf32>
    %add3A_11 = arith.addf %add3A, %get3A_10 : vector<1000x128xf32>
    %mul3A = arith.mulf %get3A_1, %add3A_11 : vector<1000x128xf32>
    %get3A_12 = arith.constant 0 : index
    %get3A_13 = arith.constant 0 : index
    %get3A_14 = vector.load %arg5[%get3A_12, %get3A_13] : memref<128x48xf32, #tpu.memory_space<vmem>>, vector<128x48xf32>
    %dot_general3A = arith.constant dense<0.000000e+00> : vector<1000x48xf32>
    %dot_general3A_15 = tpu.matmul %mul3A, %get3A_14, %dot_general3A {dimension_numbers = #tpu.dot_dimension_numbers<[1], [0], [0], [1], [0, 0, 1, 1], [], []>, transpose_lhs_hint = false} : vector<1000x128xf32>, vector<128x48xf32>, vector<1000x48xf32> -> vector<1000x48xf32>
    %get3A_16 = arith.constant 0 : index
    %get3A_17 = arith.constant 0 : index
    %get3A_18 = vector.load %arg6[%get3A_16, %get3A_17] : memref<1x48xf32, #tpu.memory_space<vmem>>, vector<1x48xf32>
    %add3A_19 = vector.broadcast %get3A_18 : vector<1x48xf32> to vector<1000x48xf32>
    %add3A_20 = arith.addf %dot_general3A_15, %add3A_19 : vector<1000x48xf32>
    %slice3A = vector.extract_strided_slice %add3A_20 {offsets = [0, 0], sizes = [1000, 40], strides = [1, 1]} : vector<1000x48xf32> to vector<1000x40xf32>
    %reduce_max3A = arith.constant dense<0xFF800000> : vector<1000xf32>
    %reduce_max3A_21 = vector.multi_reduction <maximumf>, %slice3A, %reduce_max3A [1] : vector<1000x40xf32> to vector<1000xf32>
    %broadcast_in_dim3A = vector.shape_cast %reduce_max3A_21 : vector<1000xf32> to vector<1000x1xf32>
    %sub3A = vector.broadcast %broadcast_in_dim3A : vector<1000x1xf32> to vector<1000x40xf32>
    %sub3A_22 = arith.subf %slice3A, %sub3A : vector<1000x40xf32>
    %exp3A = math.exp %sub3A_22 : vector<1000x40xf32>
    %reduce_sum3A = arith.constant dense<0.000000e+00> : vector<1000xf32>
    %reduce_sum3A_23 = vector.multi_reduction <add>, %exp3A, %reduce_sum3A [1] : vector<1000x40xf32> to vector<1000xf32>
    %broadcast_in_dim3A_24 = vector.shape_cast %reduce_sum3A_23 : vector<1000xf32> to vector<1000x1xf32>
    %log3A = math.log %broadcast_in_dim3A_24 : vector<1000x1xf32>
    %sub3A_25 = vector.broadcast %broadcast_in_dim3A : vector<1000x1xf32> to vector<1000x48xf32>
    %sub3A_26 = arith.subf %add3A_20, %sub3A_25 : vector<1000x48xf32>
    %sub3A_27 = vector.broadcast %log3A : vector<1000x1xf32> to vector<1000x48xf32>
    %sub3A_28 = arith.subf %sub3A_26, %sub3A_27 : vector<1000x48xf32>
    %swap3A = arith.constant 0 : index
    %swap3A_29 = arith.constant 0 : index
    %swap3A_30 = vector.load %arg7[%swap3A, %swap3A_29] : memref<1000x48xf32, #tpu.memory_space<vmem>>, vector<1000x48xf32>
    tpu.vector_store %arg7[%swap3A, %swap3A_29], %sub3A_28 {strides = array<i32>} : memref<1000x48xf32, #tpu.memory_space<vmem>>, vector<1000x48xf32>,
    return
  }
  func.func @transform_0(%arg0: i32) -> (i32, i32) {
    %c0_i32 = arith.constant 0 : i32
    %c0_i32_0 = arith.constant 0 : i32
    return %arg0, %c0_i32 : i32, i32
  }
  func.func @transform_1(%arg0: i32) -> (i32, i32) {
    %c0_i32 = arith.constant 0 : i32
    %c0_i32_0 = arith.constant 0 : i32
    return %arg0, %c0_i32 : i32, i32
  }
  func.func @transform_2(%arg0: i32) -> (i32, i32) {
    %c0_i32 = arith.constant 0 : i32
    %c0_i32_0 = arith.constant 0 : i32
    return %arg0, %c0_i32 : i32, i32
  }
  func.func @transform_3(%arg0: i32) -> (i32, i32) {
    %c0_i32 = arith.constant 0 : i32
    %c0_i32_0 = arith.constant 0 : i32
    return %arg0, %c0_i32 : i32, i32
  }
  func.func @transform_4(%arg0: i32) -> (i32, i32) {
    %c0_i32 = arith.constant 0 : i32
    %c0_i32_0 = arith.constant 0 : i32
    %c0_i32_1 = arith.constant 0 : i32
    return %c0_i32, %c0_i32_0 : i32, i32
  }
  func.func @transform_5(%arg0: i32) -> (i32, i32) {
    %c0_i32 = arith.constant 0 : i32
    %c0_i32_0 = arith.constant 0 : i32
    %c0_i32_1 = arith.constant 0 : i32
    return %c0_i32, %c0_i32_0 : i32, i32
  }
  func.func @transform_6(%arg0: i32) -> (i32, i32) {
    %c0_i32 = arith.constant 0 : i32
    %c0_i32_0 = arith.constant 0 : i32
    return %arg0, %c0_i32 : i32, i32
  }
}

</mosaic_0001>

<sc_bundles>
// kernel: kernel.10.cloned.1.call-start
scs
__scs_entry_jumppad:
0x0: {  	(pc) =	sbr.rel $0x88, $3  }
0x1: {  	(tag) =	ssettag $0x0;
	lr =	simm.s32 $0x1  }
0x2: {  	[smem:$0x3F99] =	sst lr;
	_ =	strace $0xD0000000  }
0x3: {  	_ = 	snop  }
0x4: {  	_ = 	snop  }
0x5: {  	_ = 	snop  }
0x6: {  	_ = 	snop  }
0x7: {  	_ = 	snop  }
__scs_overlays_trampoline_lowered:
0x8: {  	[smem:$0x3FA8] =	sst s0  }
0x9: {  	[smem:$0x3FA9] =	sst s1  }
0xa: {  	[smem:$0x3FAA] =	sst s2  }
0xb: {  	[smem:$0x3FAB] =	sst s3  }
0xc: {  	[smem:$0x3FAC] =	sst s4  }
0xd: {  	[smem:$0x3FAD] =	sst s5  }
0xe: {  	[smem:$0x3FAE] =	sst s6  }
0xf: {  	[smem:$0x3FAF] =	sst s7  }
0x10: {  	[smem:$0x3FB0] =	sst s8  }
0x11: {  	[smem:$0x3FB1] =	sst s9;
	s0 =	simm.s32 @!p0 $0x0  }
0x12: {  	s1 =	sld [smem:$0x3F97];
	s0 =	simm.s32 @p0 $0x1  }
0x13: {  	[smem:$0x3FB2] =	sst s0;
	s0 =	simm.s32 @!p1 $0x0  }
0x14: {  	s2 =	sld [smem:$0x3F96];
	s0 =	simm.s32 @p1 $0x1  }
0x15: {  	[smem:$0x3FB3] =	sst s0;
	s0 =	simm.s32 @!p2 $0x0  }
0x16: {  	s3 =	sld [smem:$0x3FDB];
	s0 =	simm.s32 @p2 $0x1  }
0x17: {  	s4 =	simm.s32 $0x1BF5;
	[smem:$0x3FB5] =	sst s0  }
0x18: {  	s0 =	sld [smem:$0x3F98];
	_ =	swait.ge [sflag:s4], $0x0  }
0x19: {  	s7 =	sld [smem:$0x3F99]  }
0x1a: {  	s8 =	sadd.s32 $0xFFFFE003, lr  }
0x1b: {  	s9 =	sadd.s32 $0xFFFFFEF7, lr;
	s5 =	simm.s32 $0xFFFFFFFF;
	p2 =	slt.u32 s8, $0xFFFFF086  }
0x1c: {  	p1 =	slt.u32 s9, $0xF7A;
	s5 =	simm.s32 @!p2 $0x0  }
0x1d: {  	s5 =	simm.s32 @p1 $0x1;
	p0 =	seq.s32 s7, s2  }
0x1e: {  	s7 =	smul.u32 @!p0 $0xF7A, s2;
	p2 =	seq.s32 @!p0 s5, $0x0  }
0x1f: {  	s9 =	smul.u32 $0xF7A, s1;
	s8 =	simm.s32 @!p0 $0x1BF5;
	p2 =	por !p2, p0  }
0x20: {  	[sflag:s8] =	ssyncset.s32 @!p0 $0xFFFFF086;
	s6 =	sadd.s32 @!p0 s3, s7;
	s7 =	simm.s32 @!p0 $0x108  }
0x21: {  	s3 =	sadd.s32 s3, s9;
	s6 =	sadd.s32 @!p0 $0x88, s6;
	s7 =	simm.s32 @p2 $0x1082  }
0x22: {  	[simem:s7], [sflag:s8] =	dma.local @!p0 [hbm:s6], $0xF7A  }
0x23: {  	s9 =	sor.u32 $0xD0000000, s2;
	s6 =	simm.s32 $0x108;
	_ =	swait.ge @!p0 [sflag:s8], $0x0  }
0x24: {  	s3 =	sadd.s32 $0x88, s3;
	s6 =	simm.s32 @!p1 $0x1082;
	[sflag:s4] =	ssyncset.s32 $0xFFFFF086  }
0x25: {  	[simem:s6], [sflag:s4] =	dma.local [hbm:s3], $0xF7A  }
0x26: {  	[smem:$0x3F99] =	sst s1;
	(tag) =	ssettag s2;
	_ =	strace s9  }
0x27: {  	s1 =	sld [smem:$0x3FA9]  }
0x28: {  	s2 =	sld [smem:$0x3FAA]  }
0x29: {  	s4 =	sld [smem:$0x3FAC]  }
0x2a: {  	p0 =	seq.s32 s5, $0x0;
	s5 =	sld [smem:$0x3FAD]  }
0x2b: {  	s6 =	sld [smem:$0x3FAE]  }
0x2c: {  	s7 =	sld [smem:$0x3FAF]  }
0x2d: {  	s3 =	simm.s32 $0x108;
	s8 =	sld [smem:$0x3FB0]  }
0x2e: {  	s3 =	simm.s32 @!p0 $0x1082;
	s9 =	sld [smem:$0x3FB1]  }
0x2f: {  	lr =	sadd.s32 s0, s3;
	s0 =	sld [smem:$0x3FA8]  }
0x30: {  	s3 =	sld [smem:$0x3FAB]  }
0x31: {  	[smem:$0x3FB4] =	sst s10  }
0x32: {  	s10 =	sld [smem:$0x3FB2];
	_ =	sdelay $0x3  }
0x33: {  	p0 =	seq.s32 s10, $0x1;
	s10 =	sld [smem:$0x3FB4];
	_ =	sdelay $0x3  }
0x34: {  	[smem:$0x3FB4] =	sst s10  }
0x35: {  	s10 =	sld [smem:$0x3FB3];
	_ =	sdelay $0x3  }
0x36: {  	p1 =	seq.s32 s10, $0x1;
	s10 =	sld [smem:$0x3FB4];
	_ =	sdelay $0x3  }
0x37: {  	[smem:$0x3FB4] =	sst s10  }
0x38: {  	s10 =	sld [smem:$0x3FB5]  }
0x39: {  	_ = 	snop;
	(pc) =	sbr.ind lr, $3  }
0x3a: {  	_ = 	snop  }
0x3b: {  	_ = 	snop  }
0x3c: {  	p2 =	seq.s32 s10, $0x1;
	s10 =	sld [smem:$0x3FB4]  }
0x3d: {  	_ =	shalt  }
0x3e: {  	_ =	shalt  }
0x3f: {  	_ =	shalt  }
0x40: {  	_ =	shalt  }
0x41: {  	_ =	shalt  }
0x42: {  	_ =	shalt  }
0x43: {  	_ =	shalt  }
0x44: {  	_ =	shalt  }
0x45: {  	_ =	shalt  }
0x46: {  	_ =	shalt  }
0x47: {  	_ =	shalt  }
0x48: {  	_ =	shalt  }
0x49: {  	_ =	shalt  }
0x4a: {  	_ =	shalt  }
0x4b: {  	_ =	shalt  }
0x4c: {  	_ =	shalt  }
0x4d: {  	_ =	shalt  }
0x4e: {  	_ =	shalt  }
0x4f: {  	_ =	shalt  }
0x50: {  	_ =	shalt  }
0x51: {  	_ =	shalt  }
0x52: {  	_ =	shalt  }
0x53: {  	_ =	shalt  }
0x54: {  	_ =	shalt  }
0x55: {  	_ =	shalt  }
0x56: {  	_ =	shalt  }
0x57: {  	_ =	shalt  }
0x58: {  	_ =	shalt  }
0x59: {  	_ =	shalt  }
0x5a: {  	_ =	shalt  }
0x5b: {  	_ =	shalt  }
0x5c: {  	_ =	shalt  }
0x5d: {  	_ =	shalt  }
0x5e: {  	_ =	shalt  }
0x5f: {  	_ =	shalt  }
0x60: {  	_ =	shalt  }
0x61: {  	_ =	shalt  }
0x62: {  	_ =	shalt  }
0x63: {  	_ =	shalt  }
0x64: {  	_ =	shalt  }
0x65: {  	_ =	shalt  }
0x66: {  	_ =	shalt  }
0x67: {  	_ =	shalt  }
0x68: {  	_ =	shalt  }
0x69: {  	_ =	shalt  }
0x6a: {  	_ =	shalt  }
0x6b: {  	_ =	shalt  }
0x6c: {  	_ =	shalt  }
0x6d: {  	_ =	shalt  }
0x6e: {  	_ =	shalt  }
0x6f: {  	_ =	shalt  }
0x70: {  	_ =	shalt  }
0x71: {  	_ =	shalt  }
0x72: {  	_ =	shalt  }
0x73: {  	_ =	shalt  }
0x74: {  	_ =	shalt  }
0x75: {  	_ =	shalt  }
0x76: {  	_ =	shalt  }
0x77: {  	_ =	shalt  }
0x78: {  	_ =	shalt  }
0x79: {  	_ =	shalt  }
0x7a: {  	_ =	shalt  }
0x7b: {  	_ =	shalt  }
0x7c: {  	_ =	shalt  }
0x7d: {  	_ =	shalt  }
0x7e: {  	_ =	shalt  }
0x7f: {  	_ =	shalt  }
0x80: {  	_ =	shalt  }
0x81: {  	_ =	shalt  }
0x82: {  	_ =	shalt  }
0x83: {  	_ =	shalt  }
0x84: {  	_ =	shalt  }
0x85: {  	_ =	shalt  }
0x86: {  	_ =	shalt  }
0x87: {  	_ =	shalt  }
.Lfunc_end0:
.L_simem_size_0:
called_computation_lowered:
.L_overlay_start_0:
0x88: {  	s2 =	sld [smem:$0x3FD9]  }
0x89: {  	s3 =	sld [smem:$0x3FFE];
	_ =	sdelay $0x1  }
0x8a: {  	s1 =	srdreg.scid  }
0x8b: {  	s0 =	sand.u32 $0x1, s1  }
0x8c: {  	s17 =	sshll.u32 s0, $0xA;
	s2 =	sadd.s32 s3, s2  }
0x8d: {  	s2 =	sadd.s32 s2, s17  }
0x8e: {  	[smem:$0x3FC0] =	sst s2  }
0x8f: {  	_ = 	snop  }
0x90: {  	s2 =	sld [smem:$0x3FD0];
	(tm) =	ssettm $0x1  }
0x91: {  	s18 =	sld [smem:$0x3FFB];
	_ =	sdelay $0x3  }
0x92: {  	_ =	strace s18  }
0x93: {  	s3 =	sld [smem:$0x3FFC];
	_ =	sdelay $0x3  }
0x94: {  	_ =	strace s3  }
0x95: {  	s3 =	sld [smem:$0x3FFD];
	_ =	sdelay $0x3  }
0x96: {  	_ =	strace s3  }
0x97: {  	_ =	strace $0x8FFFFFFF  }
0x98: {  	s19 =	sld [smem:$0x3FDB];
	_ =	sdelay $0x1  }
0x99: {  	s4 =	simm.s32 $_scs_section_size  }
0x9a: {  	s5 =	simm.s32 $_size__tile_overlayer_lowered;
	s6 =	simm.s32 $_tile_overlayer_lowered  }
0x9b: {  	s22 =	simm.s32 $0x1BFF;
	s21 =	sshll.u32 s6, $0x1;
	s3 =	sadd.s32 s4, s19  }
0x9c: {  	s7 =	simm.s32 $0x0;
	s20 =	sshll.u32 s5, $0x1;
	s5 =	sadd.s32 s21, s3  }
0x9d: {  	[timem:s7], [sflag:s22] =	dma.local [hbm:s5], s20  }
0x9e: {  	_ =	swait.ge [sflag:s22], s20  }
0x9f: {  	s4 =	ssub.s32 $0x0, s20;
	[sflag:s22] =	ssyncset.done $0x0  }
0xa0: {  	[sflag:s22] =	ssyncadd.s32 s4;
	_ =	sdelay $0x1  }
0xa1: {  	s23 =	simm.s32 $0x1B8B  }
0xa2: {  	_ =	swait.ge [sflag:s23], $0x1  }
0xa3: {  	[sflag:s23] =	ssyncset.done $0x0  }
0xa4: {  	s25 =	simm.s32 $0x1B8E;
	s24 =	sld [smem:$0x3FFE];
	[sflag:s23] =	ssyncadd.s32 $0xFFFFFFFF  }
0xa5: {  	s26 =	simm.s32 $execute0_lowered;
	[smem:$0x3FD2] =	sst s25  }
0xa6: {  	s5 =	sshll.u32 s26, $0x1;
	_ =	strace $0x80000046;
	[dreg:$0x1] =	wrdreg $0xFFFFFFFF  }
0xa7: {  	s28 =	simm.s32 $_size_execute0_lowered;
	s3 =	sadd.s32 s3, s5;
	[dreg:$0x0] =	wrdreg $0x0  }
0xa8: {  	s5 =	sshll.u32 s28, $0x1;
	[dreg:$0x2] =	wrdreg s3  }
0xa9: {  	[dreg:$0x3] =	wrdreg s5  }
0xaa: {  	[dreg:$0x4] =	wrdreg $0xC0  }
0xab: {  	_ =	task [dreg:s7], $0x5FFFF  }
0xac: {  	[dreg:$0x1] =	wrdreg $0xFFFFFFFF  }
0xad: {  	[dreg:$0x0] =	wrdreg $0x60  }
0xae: {  	[dreg:$0x2] =	wrdreg s2  }
0xaf: {  	[dreg:$0x3] =	wrdreg s24  }
0xb0: {  	[dreg:$0x4] =	wrdreg $0x31800  }
0xb1: {  	[dreg:$0x5] =	wrdreg $0x9  }
0xb2: {  	_ =	task.clear_ibuf [dreg:s7], $0x6FFFF;
	_ =	strace $0x90000046  }
0xb3: {  	s29 =	simm.s32 $0x9;
	_ =	strace $0x80000048  }
0xb4: {  	_ =	swait.ge [sflag:s29], $0x1  }
0xb5: {  	[sflag:s29] =	ssyncadd.s32 $0xFFFFFFFF  }
0xb6: {  	_ =	strace $0x90000048  }
0xb7: {  	_ =	sfence  }
0xb8: {  	s30 =	sld [smem:$0x0];
	_ =	sdelay $0x2  }
0xb9: {  	s31 =	sshll.u32 s1, $0xD;
	s1 =	sshrl.u32 s1, $0x2  }
0xba: {  	s3 =	sand.u32 $0x4000, s31;
	s1 =	sadd.s32 s1, s30  }
0xbb: {  	s0 =	sor.u32 s3, s0;
	s1 =	sshll.u32 s1, $0x11  }
0xbc: {  	s0 =	sor.u32 s1, s0  }
0xbd: {  	s0 =	sadd.s32 $0x8F2B, s0  }
0xbe: {  	[sflag:s0] =	ssyncadd.remote.s32 $0x1  }
0xbf: {  	_ =	sfence.sel $0xFFFF  }
0xc0: {  	[dreg:$0x0] =	wrdreg $0xFFFFFFFF;
	(pc) =	sbr.abs _section_cstart, $3  }
0xc1: {  	[dreg:$0x1] =	wrdreg $0xFFFFFFFF  }
0xc2: {  	_ =	task.clear_ibuf [dreg:s7], $0x2FFFF;
	_ =	strace $0x9FFFFFFF  }
0xc3: {  	(tm) =	ssettm $0x7FFFFFFF  }
tec
execute0_lowered:
.L_overlay_start_1:
0x0: {  	(tag) =	ssettag $0x1  }
0x1: {  	s0 =	rddreg [dreg:$0x0]  }
0x2: {  	s2 =	rddreg [dreg:$0x1]  }
0x3: {  	s1 =	rddreg [dreg:$0x2];
	s16 =	stileid.u32  }
0x4: {  	s3 =	srdreg.scid;
	s30 =	simm.s32 $0x180;
	s8 =	smul.u32 $0x50000, s16  }
0x5: {  	s31 =	simm.s32 $0x4;
	s5 =	sand.u32 $0x1, s3;
	s20 =	smul.u32 $0x14000, s16  }
0x6: {  	s3 =	simm.s32 $0x0;
	s2 =	sadd.s32 $0x4400, s2;
	s19 =	smul.u32 $0x2760, s16  }
0x7: {  	s4 =	sshll.u32 s5, $0x4;
	[smem:$0x7FF] =	sst s3;
	s9 =	smul.u32 $0x140000, s5  }
0x8: {  	s6 =	ssub.s32 $0x2, s5;
	s5 =	smul.u32 $0x27600, s5;
	s4 =	sor.u32 s16, s4  }
0x9: {  	_ =	strace $0x80000047;
	s7 =	sshrl.u32 s6, $0x1;
	s8 =	sshrl.u32 s8, $0x2  }
0xa: {  	s10 =	sor.u32 $0x2800, s20;
	s11 =	sadd.s32 $0x5000, s20;
	s12 =	sadd.s32 $0x7800, s20  }
0xb: {  	s22 =	sadd.s32 $0xA000, s20;
	s23 =	sadd.s32 $0xC800, s20;
	s24 =	sadd.s32 $0xF000, s20  }
0xc: {  	s4 =	smul.u32 $0x2760, s4;
	s6 =	ssub.s32 s6, s7;
	s13 =	sadd.s32 s9, s20  }
0xd: {  	s14 =	sadd.s32 s9, s10;
	s7 =	sadd.s32 $0x11800, s20;
	s25 =	sadd.s32 s9, s11  }
0xe: {  	s26 =	sadd.s32 s9, s12;
	s15 =	sadd.s32 s9, s22;
	s17 =	sadd.s32 s9, s23  }
0xf: {  	s18 =	sadd.s32 s9, s24;
	s5 =	sadd.s32 s19, s5;
	s19 =	sadd.s32 s10, s1  }
0x10: {  	s22 =	sadd.s32 s22, s1;
	s23 =	sadd.s32 s23, s1;
	s24 =	sadd.s32 s24, s1  }
0x11: {  	s10 =	simm.s32 $0x0;
	s13 =	sshrl.u32 s13, $0x3;
	s21 =	sshrl.u32 s14, $0x3  }
0x12: {  	s14 =	sshrl.u32 s26, $0x3;
	s15 =	sshrl.u32 s15, $0x3;
	s20 =	sshrl.u32 s18, $0x3  }
0x13: {  	s9 =	sadd.s32 s9, s7;
	s18 =	smax.u32 s6, $0x1;
	s6 =	simm.s32 $0x5  }
0x14: {  	s4 =	sshrl.u32 s4, $0x3;
	s13 =	sadd.s32 s2, s13;
	s14 =	sadd.s32 s2, s14  }
0x15: {  	s9 =	sshrl.u32 s9, $0x3;
	s4 =	sadd.s32 s0, s4;
	[dreg:$0x4] =	wrdreg s13  }
0x16: {  	s13 =	sadd.s32 s2, s21;
	[dreg:$0x7] =	wrdreg s14;
	s21 =	sadd.s32 $0x2A0, s5  }
0x17: {  	[dreg:$0x5] =	wrdreg s13;
	s13 =	sshrl.u32 s25, $0x3;
	s25 =	sadd.s32 $0x240, s5  }
0x18: {  	s5 =	sadd.s32 $0x1E0, s5;
	s16 =	sadd.s32 $0xC, s4;
	s28 =	sadd.s32 $0x24, s4  }
0x19: {  	s29 =	sadd.s32 $0x30, s4;
	s13 =	sadd.s32 s2, s13;
	s26 =	sshrl.u32 s5, $0x3  }
0x1a: {  	s5 =	simm.s32 $0x100;
	[dreg:$0x6] =	wrdreg s13;
	s13 =	sadd.s32 s2, s15  }
0x1b: {  	s15 =	sadd.s32 s26, s0;
	[dreg:$0x8] =	wrdreg s13;
	s13 =	sshrl.u32 s17, $0x3  }
0x1c: {  	s26 =	sadd.s32 $0x18, s4;
	s17 =	sadd.s32 s8, s1;
	s13 =	sadd.s32 s2, s13  }
0x1d: {  	s8 =	simm.s32 $0x2;
	[dreg:$0x9] =	wrdreg s13;
	s13 =	sadd.s32 s2, s20  }
.Ltmp0:
0x1e: {  	s2 =	sadd.s32 s2, s9;
	s9 =	sshrl.u32 s25, $0x3;
	(pc) =	sbr.rel .LBB2_1-.Ltmp0, $4  }
0x1f: {  	s20 =	sadd.s32 s11, s1;
	s25 =	sadd.s32 s7, s1;
	[dreg:$0xa] =	wrdreg s13  }
0x20: {  	s7 =	simm.s32 $0x1;
	[dreg:$0xb] =	wrdreg s2;
	s2 =	sshrl.u32 s21, $0x3  }
0x21: {  	s14 =	sadd.s32 s9, s0;
	s21 =	sadd.s32 s12, s1;
	s9 =	simm.s32 $0x3  }
0x22: {  	v0 =	vimm.f32 $0.0e+00;
	v1 =	vimm.f32 $1.000000000e+00;
	s13 =	sadd.s32 s2, s0;
	s0 =	simm.s32 $0x80;
	s2 =	simm.s32 $0x60  }
.LBB2_8:
0x23: {  	[spmem:s1] =	stream.indirect.scatter.add.f32 [tilespmem:s30], [sflag:$0x3], $0x80, s5, s2, $0xb8;
	[tilespmem:$0x17180] =	vst v63  }
0x24: {  	_ =	swait.ge [sflag:s7], $0x3000  }
0x25: {  	[sflag:s7] =	ssyncset.done $0x0  }
0x26: {  	[sflag:s7] =	ssyncadd.s32 $0xFFFFD000  }
0x27: {  	_ =	swait.ge [sflag:s8], $0x3000  }
0x28: {  	[sflag:s8] =	ssyncset.done $0x0  }
0x29: {  	[sflag:s8] =	ssyncadd.s32 $0xFFFFD000  }
0x2a: {  	_ =	swait.ge [sflag:s9], $0x3000  }
0x2b: {  	[sflag:s9] =	ssyncset.done $0x0  }
0x2c: {  	[sflag:s9] =	ssyncadd.s32 $0xFFFFD000  }
0x2d: {  	[bflag:$0x0] =	sbarrier.arrive $0xFFFF  }
0x2e: {  	[tilespmem:s30], [sflag:$0x4] =	stream.linear.gather [spmem:s17], $0x2800, $0x38;
	[tilespmem:$0x17180] =	vst v63  }
0x2f: {  	_ =	swait.ge [sflag:s31], $0x2800  }
0x30: {  	[sflag:s31] =	ssyncset.done $0x0  }
0x31: {  	s11 =	rddreg [dreg:$0x4];
	[sflag:s31] =	ssyncadd.s32 $0xFFFFD800  }
0x32: {  	[hbm4b:s11+s3] =	stream.linear.scatter [tilespmem:s30], [sflag:$0x4], $0x2800, $0x38;
	[tilespmem:$0x17180] =	vst v63  }
0x33: {  	_ =	swait.ge [sflag:s31], $0x2800  }
0x34: {  	[sflag:s31] =	ssyncset.done $0x0  }
0x35: {  	[sflag:s31] =	ssyncadd.s32 $0xFFFFD800  }
0x36: {  	[tilespmem:s30], [sflag:$0x4] =	stream.linear.gather [spmem:s19], $0x2800, $0x38;
	[tilespmem:$0x17180] =	vst v63  }
0x37: {  	_ =	swait.ge [sflag:s31], $0x2800  }
0x38: {  	[sflag:s31] =	ssyncset.done $0x0  }
0x39: {  	s12 =	rddreg [dreg:$0x5];
	[sflag:s31] =	ssyncadd.s32 $0xFFFFD800  }
0x3a: {  	[hbm4b:s12+s3] =	stream.linear.scatter [tilespmem:s30], [sflag:$0x4], $0x2800, $0x38;
	[tilespmem:$0x17180] =	vst v63  }
0x3b: {  	_ =	swait.ge [sflag:s31], $0x2800  }
0x3c: {  	[sflag:s31] =	ssyncset.done $0x0  }
0x3d: {  	[sflag:s31] =	ssyncadd.s32 $0xFFFFD800  }
0x3e: {  	[tilespmem:s30], [sflag:$0x4] =	stream.linear.gather [spmem:s20], $0x2800, $0x38;
	[tilespmem:$0x17180] =	vst v63  }
0x3f: {  	_ =	swait.ge [sflag:s31], $0x2800  }
0x40: {  	[sflag:s31] =	ssyncset.done $0x0  }
0x41: {  	s12 =	rddreg [dreg:$0x6];
	[sflag:s31] =	ssyncadd.s32 $0xFFFFD800  }
0x42: {  	[hbm4b:s12+s3] =	stream.linear.scatter [tilespmem:s30], [sflag:$0x4], $0x2800, $0x38;
	[tilespmem:$0x17180] =	vst v63  }
0x43: {  	_ =	swait.ge [sflag:s31], $0x2800  }
0x44: {  	[sflag:s31] =	ssyncset.done $0x0  }
0x45: {  	[sflag:s31] =	ssyncadd.s32 $0xFFFFD800  }
0x46: {  	[tilespmem:s30], [sflag:$0x4] =	stream.linear.gather [spmem:s21], $0x2800, $0x38;
	[tilespmem:$0x17180] =	vst v63  }
0x47: {  	_ =	swait.ge [sflag:s31], $0x2800  }
0x48: {  	[sflag:s31] =	ssyncset.done $0x0  }
0x49: {  	s12 =	rddreg [dreg:$0x7];
	[sflag:s31] =	ssyncadd.s32 $0xFFFFD800  }
0x4a: {  	[hbm4b:s12+s3] =	stream.linear.scatter [tilespmem:s30], [sflag:$0x4], $0x2800, $0x38;
	[tilespmem:$0x17180] =	vst v63  }
0x4b: {  	_ =	swait.ge [sflag:s31], $0x2800  }
0x4c: {  	[sflag:s31] =	ssyncset.done $0x0  }
0x4d: {  	[sflag:s31] =	ssyncadd.s32 $0xFFFFD800  }
0x4e: {  	[tilespmem:s30], [sflag:$0x4] =	stream.linear.gather [spmem:s22], $0x2800, $0x38;
	[tilespmem:$0x17180] =	vst v63  }
0x4f: {  	_ =	swait.ge [sflag:s31], $0x2800  }
0x50: {  	[sflag:s31] =	ssyncset.done $0x0  }
0x51: {  	s12 =	rddreg [dreg:$0x8];
	[sflag:s31] =	ssyncadd.s32 $0xFFFFD800  }
0x52: {  	[hbm4b:s12+s3] =	stream.linear.scatter [tilespmem:s30], [sflag:$0x4], $0x2800, $0x38;
	[tilespmem:$0x17180] =	vst v63  }
0x53: {  	_ =	swait.ge [sflag:s31], $0x2800  }
0x54: {  	[sflag:s31] =	ssyncset.done $0x0  }
0x55: {  	[sflag:s31] =	ssyncadd.s32 $0xFFFFD800  }
0x56: {  	[tilespmem:s30], [sflag:$0x4] =	stream.linear.gather [spmem:s23], $0x2800, $0x38;
	[tilespmem:$0x17180] =	vst v63  }
0x57: {  	_ =	swait.ge [sflag:s31], $0x2800  }
0x58: {  	[sflag:s31] =	ssyncset.done $0x0  }
0x59: {  	s12 =	rddreg [dreg:$0x9];
	[sflag:s31] =	ssyncadd.s32 $0xFFFFD800  }
0x5a: {  	[hbm4b:s12+s3] =	stream.linear.scatter [tilespmem:s30], [sflag:$0x4], $0x2800, $0x38;
	[tilespmem:$0x17180] =	vst v63  }
0x5b: {  	_ =	swait.ge [sflag:s31], $0x2800  }
0x5c: {  	[sflag:s31] =	ssyncset.done $0x0  }
0x5d: {  	[sflag:s31] =	ssyncadd.s32 $0xFFFFD800  }
0x5e: {  	[tilespmem:s30], [sflag:$0x4] =	stream.linear.gather [spmem:s24], $0x2800, $0x38;
	[tilespmem:$0x17180] =	vst v63  }
0x5f: {  	_ =	swait.ge [sflag:s31], $0x2800  }
0x60: {  	[sflag:s31] =	ssyncset.done $0x0  }
0x61: {  	s12 =	rddreg [dreg:$0xa];
	[sflag:s31] =	ssyncadd.s32 $0xFFFFD800  }
0x62: {  	[hbm4b:s12+s3] =	stream.linear.scatter [tilespmem:s30], [sflag:$0x4], $0x2800, $0x38;
	[tilespmem:$0x17180] =	vst v63  }
0x63: {  	_ =	swait.ge [sflag:s31], $0x2800  }
0x64: {  	[sflag:s31] =	ssyncset.done $0x0  }
0x65: {  	[sflag:s31] =	ssyncadd.s32 $0xFFFFD800  }
0x66: {  	[tilespmem:s30], [sflag:$0x4] =	stream.linear.gather [spmem:s25], $0x2800, $0x38;
	[tilespmem:$0x17180] =	vst v63  }
0x67: {  	s10 =	sadd.s32 $0x1, s10;
	_ =	swait.ge [sflag:s31], $0x2800  }
0x68: {  	p0 =	sne.s32 s10, s18;
	[sflag:s31] =	ssyncset.done $0x0  }
.Ltmp1:
0x69: {  	s12 =	rddreg [dreg:$0xb];
	[sflag:s31] =	ssyncadd.s32 $0xFFFFD800;
	(pc) =	sbr.rel @!p0 .LBB2_9-.Ltmp1, $4  }
0x6a: {  	[hbm4b:s12+s3] =	stream.linear.scatter [tilespmem:s30], [sflag:$0x4], $0x2800, $0x38;
	[tilespmem:$0x17180] =	vst v63  }
0x6b: {  	_ =	swait.ge [sflag:s31], $0x2800  }
0x6c: {  	[sflag:s31] =	ssyncset.done $0x0  }
0x6d: {  	[sflag:s31] =	ssyncadd.s32 $0xFFFFD800  }
.LBB2_1:
0x6e: {  	s11 =	simm.s32 $0x70;
	s12 =	simm.s32 $0x3C0  }
.LBB2_2:
0x6f: {  	p0 =	sne.s32 s12, $0xBFC0;
	[tilespmem:s11+$0x180] =	vst v0  }
0x70: {  	[tilespmem:s11+$0x110] =	vst v0  }
0x71: {  	[tilespmem:s11+$0x120] =	vst v0  }
.Ltmp2:
0x72: {  	[tilespmem:s11+$0x130] =	vst v0;
	(pc) =	sbr.rel @p0 .LBB2_2-.Ltmp2, $4  }
0x73: {  	[tilespmem:s11+$0x140] =	vst v0  }
0x74: {  	[tilespmem:s11+$0x150] =	vst v0  }
0x75: {  	[tilespmem:s11+$0x160] =	vst v0  }
0x76: {  	[tilespmem:s11+$0x170] =	vst v0;
	s11 =	sshra.s32 s12, $0x2;
	s12 =	sadd.s32 $0x200, s12  }
0x77: {  	[tilespmem:s11+$0x180] =	vst v0  }
0x78: {  	[tilespmem:s11+$0x110] =	vst v0  }
0x79: {  	[tilespmem:s11+$0x120] =	vst v0  }
0x7a: {  	[tilespmem:s11+$0x130] =	vst v0  }
0x7b: {  	[tilespmem:s11+$0x140] =	vst v0  }
0x7c: {  	[tilespmem:s11+$0x150] =	vst v0  }
0x7d: {  	[tilespmem:s11+$0x160] =	vst v0  }
0x7e: {  	[tilespmem:s11+$0x170] =	vst v0  }
0x7f: {  	[spmem:s17] =	stream.linear.scatter [tilespmem:s30], [sflag:$0x4], $0x2800, $0x38;
	[tilespmem:$0x17180] =	vst v63  }
0x80: {  	_ =	swait.ge [sflag:s31], $0x2800  }
0x81: {  	[sflag:s31] =	ssyncset.done $0x0  }
0x82: {  	[sflag:s31] =	ssyncadd.s32 $0xFFFFD800  }
0x83: {  	[spmem:s19] =	stream.linear.scatter [tilespmem:s30], [sflag:$0x4], $0x2800, $0x38;
	[tilespmem:$0x17180] =	vst v63  }
0x84: {  	_ =	swait.ge [sflag:s31], $0x2800  }
0x85: {  	[sflag:s31] =	ssyncset.done $0x0  }
0x86: {  	[sflag:s31] =	ssyncadd.s32 $0xFFFFD800  }
0x87: {  	[spmem:s20] =	stream.linear.scatter [tilespmem:s30], [sflag:$0x4], $0x2800, $0x38;
	[tilespmem:$0x17180] =	vst v63  }
0x88: {  	_ =	swait.ge [sflag:s31], $0x2800  }
0x89: {  	[sflag:s31] =	ssyncset.done $0x0  }
0x8a: {  	[sflag:s31] =	ssyncadd.s32 $0xFFFFD800  }
0x8b: {  	[spmem:s21] =	stream.linear.scatter [tilespmem:s30], [sflag:$0x4], $0x2800, $0x38;
	[tilespmem:$0x17180] =	vst v63  }
0x8c: {  	_ =	swait.ge [sflag:s31], $0x2800  }
0x8d: {  	[sflag:s31] =	ssyncset.done $0x0  }
0x8e: {  	[sflag:s31] =	ssyncadd.s32 $0xFFFFD800  }
0x8f: {  	[spmem:s22] =	stream.linear.scatter [tilespmem:s30], [sflag:$0x4], $0x2800, $0x38;
	[tilespmem:$0x17180] =	vst v63  }
0x90: {  	_ =	swait.ge [sflag:s31], $0x2800  }
0x91: {  	[sflag:s31] =	ssyncset.done $0x0  }
0x92: {  	[sflag:s31] =	ssyncadd.s32 $0xFFFFD800  }
0x93: {  	[spmem:s23] =	stream.linear.scatter [tilespmem:s30], [sflag:$0x4], $0x2800, $0x38;
	[tilespmem:$0x17180] =	vst v63  }
0x94: {  	_ =	swait.ge [sflag:s31], $0x2800  }
0x95: {  	[sflag:s31] =	ssyncset.done $0x0  }
0x96: {  	[sflag:s31] =	ssyncadd.s32 $0xFFFFD800  }
0x97: {  	[spmem:s24] =	stream.linear.scatter [tilespmem:s30], [sflag:$0x4], $0x2800, $0x38;
	[tilespmem:$0x17180] =	vst v63  }
0x98: {  	_ =	swait.ge [sflag:s31], $0x2800  }
0x99: {  	[sflag:s31] =	ssyncset.done $0x0  }
0x9a: {  	[sflag:s31] =	ssyncadd.s32 $0xFFFFD800  }
0x9b: {  	[spmem:s25] =	stream.linear.scatter [tilespmem:s30], [sflag:$0x4], $0x2800, $0x38;
	[tilespmem:$0x17180] =	vst v63  }
0x9c: {  	_ =	swait.ge [sflag:s31], $0x2800  }
0x9d: {  	[sflag:s31] =	ssyncset.done $0x0  }
0x9e: {  	s11 =	simm.s32 $0x70;
	s12 =	simm.s32 $0x3C0;
	[sflag:s31] =	ssyncadd.s32 $0xFFFFD800  }
.LBB2_4:
0x9f: {  	p0 =	sne.s32 s12, $0xBFC0;
	[tilespmem:s11+$0x180] =	vst v1  }
0xa0: {  	[tilespmem:s11+$0x110] =	vst v1  }
0xa1: {  	[tilespmem:s11+$0x120] =	vst v1  }
.Ltmp3:
0xa2: {  	[tilespmem:s11+$0x130] =	vst v1;
	(pc) =	sbr.rel @p0 .LBB2_4-.Ltmp3, $4  }
0xa3: {  	[tilespmem:s11+$0x140] =	vst v1  }
0xa4: {  	[tilespmem:s11+$0x150] =	vst v1  }
0xa5: {  	[tilespmem:s11+$0x160] =	vst v1  }
0xa6: {  	[tilespmem:s11+$0x170] =	vst v1;
	s11 =	sshra.s32 s12, $0x2;
	s12 =	sadd.s32 $0x200, s12  }
0xa7: {  	[tilespmem:s11+$0x180] =	vst v1  }
0xa8: {  	[tilespmem:s11+$0x110] =	vst v1  }
0xa9: {  	[tilespmem:s11+$0x120] =	vst v1  }
0xaa: {  	[tilespmem:s11+$0x130] =	vst v1  }
0xab: {  	[tilespmem:s11+$0x140] =	vst v1  }
0xac: {  	[tilespmem:s11+$0x150] =	vst v1  }
0xad: {  	[tilespmem:s11+$0x160] =	vst v1  }
0xae: {  	[tilespmem:s11+$0x170] =	vst v1  }
0xaf: {  	s11 =	simm.s32 $0x0;
	[bflag:$0x0] =	sbarrier.arrive $0xFFFF  }
0xb0: {  	[tilespmem:s11], [sflag:$0x4] =	stream.linear.gather [hbm4b:s4+s11], $0x60, $0x38;
	[tilespmem:$0x17180] =	vst v63  }
0xb1: {  	_ =	swait.ge [sflag:s31], $0x60  }
0xb2: {  	[sflag:s31] =	ssyncset.done $0x0  }
0xb3: {  	[sflag:s31] =	ssyncadd.s32 $0xFFFFFFA0  }
0xb4: {  	[tilespmem:s0], [sflag:$0x4] =	stream.linear.gather [hbm4b:s16+s11], $0x60, $0x38;
	[tilespmem:$0x17180] =	vst v63  }
0xb5: {  	_ =	swait.ge [sflag:s31], $0x60  }
0xb6: {  	[sflag:s31] =	ssyncset.done $0x0  }
0xb7: {  	[sflag:s31] =	ssyncadd.s32 $0xFFFFFFA0  }
0xb8: {  	[spmem:s1] =	stream.indirect.scatter.add.f32 [tilespmem:s30], [sflag:$0x1], $0x80, s11, s2, $0xb8;
	[tilespmem:$0x17180] =	vst v63  }
0xb9: {  	_ = 	snop  }
0xba: {  	[tilespmem:s5], [sflag:$0x5] =	stream.linear.gather [hbm4b:s26+s11], $0x60, $0x38;
	[tilespmem:$0x17180] =	vst v63  }
0xbb: {  	_ =	swait.ge [sflag:s6], $0x60  }
0xbc: {  	[sflag:s6] =	ssyncset.done $0x0  }
0xbd: {  	[sflag:s6] =	ssyncadd.s32 $0xFFFFFFA0  }
0xbe: {  	[spmem:s1] =	stream.indirect.scatter.add.f32 [tilespmem:s30], [sflag:$0x2], $0x80, s0, s2, $0xb8;
	[tilespmem:$0x17180] =	vst v63  }
0xbf: {  	_ =	swait.ge [sflag:s7], $0x3000  }
0xc0: {  	[sflag:s7] =	ssyncset.done $0x0  }
0xc1: {  	[sflag:s7] =	ssyncadd.s32 $0xFFFFD000  }
0xc2: {  	[tilespmem:s11], [sflag:$0x5] =	stream.linear.gather [hbm4b:s28+s11], $0x60, $0x38;
	[tilespmem:$0x17180] =	vst v63  }
0xc3: {  	_ =	swait.ge [sflag:s6], $0x60  }
0xc4: {  	[sflag:s6] =	ssyncset.done $0x0  }
0xc5: {  	[sflag:s6] =	ssyncadd.s32 $0xFFFFFFA0  }
0xc6: {  	[spmem:s1] =	stream.indirect.scatter.add.f32 [tilespmem:s30], [sflag:$0x3], $0x80, s5, s2, $0xb8;
	[tilespmem:$0x17180] =	vst v63  }
0xc7: {  	_ =	swait.ge [sflag:s8], $0x3000  }
0xc8: {  	[sflag:s8] =	ssyncset.done $0x0  }
0xc9: {  	[sflag:s8] =	ssyncadd.s32 $0xFFFFD000  }
0xca: {  	[tilespmem:s0], [sflag:$0x4] =	stream.linear.gather [hbm4b:s29+s11], $0x60, $0x38;
	[tilespmem:$0x17180] =	vst v63  }
0xcb: {  	_ =	swait.ge [sflag:s31], $0x60  }
0xcc: {  	[sflag:s31] =	ssyncset.done $0x0  }
0xcd: {  	[sflag:s31] =	ssyncadd.s32 $0xFFFFFFA0  }
.LBB2_6:
0xce: {  	[spmem:s1] =	stream.indirect.scatter.add.f32 [tilespmem:s30], [sflag:$0x1], $0x80, s3, s2, $0xb8;
	[tilespmem:$0x17180] =	vst v63  }
0xcf: {  	_ =	swait.ge [sflag:s9], $0x3000  }
0xd0: {  	[sflag:s9] =	ssyncset.done $0x0  }
0xd1: {  	s12 =	sadd.s32 s11, s15;
	p0 =	seq.s32 s11, $0x4A4;
	[sflag:s9] =	ssyncadd.s32 $0xFFFFD000  }
0xd2: {  	[tilespmem:s5], [sflag:$0x5] =	stream.linear.gather [hbm4b:s12+s3], $0x60, $0x38;
	[tilespmem:$0x17180] =	vst v63  }
.Ltmp4:
0xd3: {  	_ = 	snop;
	(pc) =	sbr.rel @p0 .LBB2_8-.Ltmp4, $4  }
0xd4: {  	_ =	swait.ge [sflag:s6], $0x60  }
0xd5: {  	[sflag:s6] =	ssyncset.done $0x0  }
0xd6: {  	[sflag:s6] =	ssyncadd.s32 $0xFFFFFFA0  }
0xd7: {  	[spmem:s1] =	stream.indirect.scatter.add.f32 [tilespmem:s30], [sflag:$0x2], $0x80, s0, s2, $0xb8;
	[tilespmem:$0x17180] =	vst v63  }
0xd8: {  	_ =	swait.ge [sflag:s7], $0x3000  }
0xd9: {  	[sflag:s7] =	ssyncset.done $0x0  }
0xda: {  	s12 =	sadd.s32 s11, s14;
	[sflag:s7] =	ssyncadd.s32 $0xFFFFD000  }
0xdb: {  	[tilespmem:s3], [sflag:$0x5] =	stream.linear.gather [hbm4b:s12+s3], $0x60, $0x38;
	[tilespmem:$0x17180] =	vst v63  }
0xdc: {  	_ =	swait.ge [sflag:s6], $0x60  }
0xdd: {  	[sflag:s6] =	ssyncset.done $0x0  }
0xde: {  	[sflag:s6] =	ssyncadd.s32 $0xFFFFFFA0  }
0xdf: {  	[spmem:s1] =	stream.indirect.scatter.add.f32 [tilespmem:s30], [sflag:$0x3], $0x80, s5, s2, $0xb8;
	[tilespmem:$0x17180] =	vst v63  }
0xe0: {  	_ =	swait.ge [sflag:s8], $0x3000  }
0xe1: {  	[sflag:s8] =	ssyncset.done $0x0  }
.Ltmp5:
0xe2: {  	s12 =	sadd.s32 s11, s13;
	[sflag:s8] =	ssyncadd.s32 $0xFFFFD000;
	(pc) =	sbr.rel .LBB2_6-.Ltmp5, $4  }
0xe3: {  	[tilespmem:s0], [sflag:$0x4] =	stream.linear.gather [hbm4b:s12+s3], $0x60, $0x38;
	[tilespmem:$0x17180] =	vst v63  }
0xe4: {  	_ =	swait.ge [sflag:s31], $0x60  }
0xe5: {  	[sflag:s31] =	ssyncset.done $0x0  }
0xe6: {  	s11 =	sadd.s32 $0x24, s11;
	[sflag:s31] =	ssyncadd.s32 $0xFFFFFFA0  }
.LBB2_9:
0xe7: {  	_ =	sfence.sel $0x180000  }
0xe8: {  	[bflag:$0x0] =	sbarrier.arrive $0xFFFF  }
0xe9: {  	_ =	strace $0x90000047  }
0xea: {  	s0 =	stileid.u32;
	[bflag:$0x2] =	sbarrier.arrive $0xFFFF  }
0xeb: {  	p0 =	sne.s32 s0, $0x0;
	s0 =	rddreg [dreg:$0x3]  }
0xec: {  	s0 =	sadd.s32 @!p0 $0x100000, s0  }
0xed: {  	[sflag:s0] =	ssyncadd.tile.s32 @!p0 $0x1;
	_ =	shalt  }
.Lfunc_end2:
_tile_overlayer_lowered:
.L_overlay_start_2:
0xee: {  	(tag) =	ssettag $0x2  }
0xef: {  	s0 =	rddreg [dreg:$0x0];
	s2 =	stileid.u32  }
0xf0: {  	s1 =	rddreg [dreg:$0x1];
	p0 =	sne.s32 s2, $0x0  }
0xf1: {  	s3 =	rddreg [dreg:$0x2];
	[bflag:$0x3] =	sbarrier.arrive $0xFFFF;
	s2 =	simm.s32 @!p0 $0x1C04  }
0xf2: {  	[timem:s3], [sflag:s2] =	dma.local @!p0 [hbm:s0], s1  }
0xf3: {  	s0 =	simm.s32 @!p0 $0x4  }
0xf4: {  	_ =	swait.ge @!p0 [sflag:s0], s1  }
0xf5: {  	s1 =	ssub.s32 @!p0 $0x0, s1;
	[sflag:s0] =	ssyncset.done @!p0 $0x0  }
0xf6: {  	[sflag:s0] =	ssyncadd.s32 @!p0 s1  }
0xf7: {  	[bflag:$0x3] =	sbarrier.arrive $0xFFFF  }
0xf8: {  	_ =	shalt  }

// kernel: kernel.13.cloned.1.call-start
scs
__scs_entry_jumppad:
0x0: {  	(pc) =	sbr.rel $0x88, $3  }
0x1: {  	(tag) =	ssettag $0x0;
	lr =	simm.s32 $0x1  }
0x2: {  	[smem:$0x3F99] =	sst lr;
	_ =	strace $0xD0000000  }
0x3: {  	_ = 	snop  }
0x4: {  	_ = 	snop  }
0x5: {  	_ = 	snop  }
0x6: {  	_ = 	snop  }
0x7: {  	_ = 	snop  }
__scs_overlays_trampoline_lowered:
0x8: {  	[smem:$0x3FA8] =	sst s0  }
0x9: {  	[smem:$0x3FA9] =	sst s1  }
0xa: {  	[smem:$0x3FAA] =	sst s2  }
0xb: {  	[smem:$0x3FAB] =	sst s3  }
0xc: {  	[smem:$0x3FAC] =	sst s4  }
0xd: {  	[smem:$0x3FAD] =	sst s5  }
0xe: {  	[smem:$0x3FAE] =	sst s6  }
0xf: {  	[smem:$0x3FAF] =	sst s7  }
0x10: {  	[smem:$0x3FB0] =	sst s8  }
0x11: {  	[smem:$0x3FB1] =	sst s9;
	s0 =	simm.s32 @!p0 $0x0  }
0x12: {  	s1 =	sld [smem:$0x3F97];
	s0 =	simm.s32 @p0 $0x1  }
0x13: {  	[smem:$0x3FB2] =	sst s0;
	s0 =	simm.s32 @!p1 $0x0  }
0x14: {  	s2 =	sld [smem:$0x3F96];
	s0 =	simm.s32 @p1 $0x1  }
0x15: {  	[smem:$0x3FB3] =	sst s0;
	s0 =	simm.s32 @!p2 $0x0  }
0x16: {  	s3 =	sld [smem:$0x3FDB];
	s0 =	simm.s32 @p2 $0x1  }
0x17: {  	s4 =	simm.s32 $0x1BF5;
	[smem:$0x3FB5] =	sst s0  }
0x18: {  	s0 =	sld [smem:$0x3F98];
	_ =	swait.ge [sflag:s4], $0x0  }
0x19: {  	s7 =	sld [smem:$0x3F99]  }
0x1a: {  	s8 =	sadd.s32 $0xFFFFE003, lr  }
0x1b: {  	s9 =	sadd.s32 $0xFFFFFEF7, lr;
	s5 =	simm.s32 $0xFFFFFFFF;
	p2 =	slt.u32 s8, $0xFFFFF086  }
0x1c: {  	p1 =	slt.u32 s9, $0xF7A;
	s5 =	simm.s32 @!p2 $0x0  }
0x1d: {  	s5 =	simm.s32 @p1 $0x1;
	p0 =	seq.s32 s7, s2  }
0x1e: {  	s7 =	smul.u32 @!p0 $0xF7A, s2;
	p2 =	seq.s32 @!p0 s5, $0x0  }
0x1f: {  	s9 =	smul.u32 $0xF7A, s1;
	s8 =	simm.s32 @!p0 $0x1BF5;
	p2 =	por !p2, p0  }
0x20: {  	[sflag:s8] =	ssyncset.s32 @!p0 $0xFFFFF086;
	s6 =	sadd.s32 @!p0 s3, s7;
	s7 =	simm.s32 @!p0 $0x108  }
0x21: {  	s3 =	sadd.s32 s3, s9;
	s6 =	sadd.s32 @!p0 $0x88, s6;
	s7 =	simm.s32 @p2 $0x1082  }
0x22: {  	[simem:s7], [sflag:s8] =	dma.local @!p0 [hbm:s6], $0xF7A  }
0x23: {  	s9 =	sor.u32 $0xD0000000, s2;
	s6 =	simm.s32 $0x108;
	_ =	swait.ge @!p0 [sflag:s8], $0x0  }
0x24: {  	s3 =	sadd.s32 $0x88, s3;
	s6 =	simm.s32 @!p1 $0x1082;
	[sflag:s4] =	ssyncset.s32 $0xFFFFF086  }
0x25: {  	[simem:s6], [sflag:s4] =	dma.local [hbm:s3], $0xF7A  }
0x26: {  	[smem:$0x3F99] =	sst s1;
	(tag) =	ssettag s2;
	_ =	strace s9  }
0x27: {  	s1 =	sld [smem:$0x3FA9]  }
0x28: {  	s2 =	sld [smem:$0x3FAA]  }
0x29: {  	s4 =	sld [smem:$0x3FAC]  }
0x2a: {  	p0 =	seq.s32 s5, $0x0;
	s5 =	sld [smem:$0x3FAD]  }
0x2b: {  	s6 =	sld [smem:$0x3FAE]  }
0x2c: {  	s7 =	sld [smem:$0x3FAF]  }
0x2d: {  	s3 =	simm.s32 $0x108;
	s8 =	sld [smem:$0x3FB0]  }
0x2e: {  	s3 =	simm.s32 @!p0 $0x1082;
	s9 =	sld [smem:$0x3FB1]  }
0x2f: {  	lr =	sadd.s32 s0, s3;
	s0 =	sld [smem:$0x3FA8]  }
0x30: {  	s3 =	sld [smem:$0x3FAB]  }
0x31: {  	[smem:$0x3FB4] =	sst s10  }
0x32: {  	s10 =	sld [smem:$0x3FB2];
	_ =	sdelay $0x3  }
0x33: {  	p0 =	seq.s32 s10, $0x1;
	s10 =	sld [smem:$0x3FB4];
	_ =	sdelay $0x3  }
0x34: {  	[smem:$0x3FB4] =	sst s10  }
0x35: {  	s10 =	sld [smem:$0x3FB3];
	_ =	sdelay $0x3  }
0x36: {  	p1 =	seq.s32 s10, $0x1;
	s10 =	sld [smem:$0x3FB4];
	_ =	sdelay $0x3  }
0x37: {  	[smem:$0x3FB4] =	sst s10  }
0x38: {  	s10 =	sld [smem:$0x3FB5]  }
0x39: {  	_ = 	snop;
	(pc) =	sbr.ind lr, $3  }
0x3a: {  	_ = 	snop  }
0x3b: {  	_ = 	snop  }
0x3c: {  	p2 =	seq.s32 s10, $0x1;
	s10 =	sld [smem:$0x3FB4]  }
0x3d: {  	_ =	shalt  }
0x3e: {  	_ =	shalt  }
0x3f: {  	_ =	shalt  }
0x40: {  	_ =	shalt  }
0x41: {  	_ =	shalt  }
0x42: {  	_ =	shalt  }
0x43: {  	_ =	shalt  }
0x44: {  	_ =	shalt  }
0x45: {  	_ =	shalt  }
0x46: {  	_ =	shalt  }
0x47: {  	_ =	shalt  }
0x48: {  	_ =	shalt  }
0x49: {  	_ =	shalt  }
0x4a: {  	_ =	shalt  }
0x4b: {  	_ =	shalt  }
0x4c: {  	_ =	shalt  }
0x4d: {  	_ =	shalt  }
0x4e: {  	_ =	shalt  }
0x4f: {  	_ =	shalt  }
0x50: {  	_ =	shalt  }
0x51: {  	_ =	shalt  }
0x52: {  	_ =	shalt  }
0x53: {  	_ =	shalt  }
0x54: {  	_ =	shalt  }
0x55: {  	_ =	shalt  }
0x56: {  	_ =	shalt  }
0x57: {  	_ =	shalt  }
0x58: {  	_ =	shalt  }
0x59: {  	_ =	shalt  }
0x5a: {  	_ =	shalt  }
0x5b: {  	_ =	shalt  }
0x5c: {  	_ =	shalt  }
0x5d: {  	_ =	shalt  }
0x5e: {  	_ =	shalt  }
0x5f: {  	_ =	shalt  }
0x60: {  	_ =	shalt  }
0x61: {  	_ =	shalt  }
0x62: {  	_ =	shalt  }
0x63: {  	_ =	shalt  }
0x64: {  	_ =	shalt  }
0x65: {  	_ =	shalt  }
0x66: {  	_ =	shalt  }
0x67: {  	_ =	shalt  }
0x68: {  	_ =	shalt  }
0x69: {  	_ =	shalt  }
0x6a: {  	_ =	shalt  }
0x6b: {  	_ =	shalt  }
0x6c: {  	_ =	shalt  }
0x6d: {  	_ =	shalt  }
0x6e: {  	_ =	shalt  }
0x6f: {  	_ =	shalt  }
0x70: {  	_ =	shalt  }
0x71: {  	_ =	shalt  }
0x72: {  	_ =	shalt  }
0x73: {  	_ =	shalt  }
0x74: {  	_ =	shalt  }
0x75: {  	_ =	shalt  }
0x76: {  	_ =	shalt  }
0x77: {  	_ =	shalt  }
0x78: {  	_ =	shalt  }
0x79: {  	_ =	shalt  }
0x7a: {  	_ =	shalt  }
0x7b: {  	_ =	shalt  }
0x7c: {  	_ =	shalt  }
0x7d: {  	_ =	shalt  }
0x7e: {  	_ =	shalt  }
0x7f: {  	_ =	shalt  }
0x80: {  	_ =	shalt  }
0x81: {  	_ =	shalt  }
0x82: {  	_ =	shalt  }
0x83: {  	_ =	shalt  }
0x84: {  	_ =	shalt  }
0x85: {  	_ =	shalt  }
0x86: {  	_ =	shalt  }
0x87: {  	_ =	shalt  }
.Lfunc_end0:
.L_simem_size_0:
called_computation.1_lowered:
.L_overlay_start_0:
0x88: {  	s2 =	sld [smem:$0x3FD9]  }
0x89: {  	s3 =	sld [smem:$0x3FFE];
	_ =	sdelay $0x1  }
0x8a: {  	s1 =	srdreg.scid  }
0x8b: {  	s0 =	sand.u32 $0x1, s1  }
0x8c: {  	s17 =	sshll.u32 s0, $0xA;
	s2 =	sadd.s32 s3, s2  }
0x8d: {  	s2 =	sadd.s32 s2, s17  }
0x8e: {  	[smem:$0x3FC0] =	sst s2  }
0x8f: {  	_ = 	snop  }
0x90: {  	s2 =	sld [smem:$0x3FD0];
	(tm) =	ssettm $0x1  }
0x91: {  	s18 =	sld [smem:$0x3FFB];
	_ =	sdelay $0x3  }
0x92: {  	_ =	strace s18  }
0x93: {  	s3 =	sld [smem:$0x3FFC];
	_ =	sdelay $0x3  }
0x94: {  	_ =	strace s3  }
0x95: {  	s3 =	sld [smem:$0x3FFD];
	_ =	sdelay $0x3  }
0x96: {  	_ =	strace s3  }
0x97: {  	_ =	strace $0x8FFFFFFF  }
0x98: {  	s19 =	sld [smem:$0x3FDB];
	_ =	sdelay $0x1  }
0x99: {  	s4 =	simm.s32 $_scs_section_size  }
0x9a: {  	s5 =	simm.s32 $_size__tile_overlayer_lowered;
	s6 =	simm.s32 $_tile_overlayer_lowered  }
0x9b: {  	s22 =	simm.s32 $0x1BFF;
	s21 =	sshll.u32 s6, $0x1;
	s3 =	sadd.s32 s4, s19  }
0x9c: {  	s7 =	simm.s32 $0x0;
	s20 =	sshll.u32 s5, $0x1;
	s5 =	sadd.s32 s21, s3  }
0x9d: {  	[timem:s7], [sflag:s22] =	dma.local [hbm:s5], s20  }
0x9e: {  	_ =	swait.ge [sflag:s22], s20  }
0x9f: {  	s4 =	ssub.s32 $0x0, s20;
	[sflag:s22] =	ssyncset.done $0x0  }
0xa0: {  	[sflag:s22] =	ssyncadd.s32 s4;
	_ =	sdelay $0x1  }
0xa1: {  	s23 =	simm.s32 $0x1B8B  }
0xa2: {  	_ =	swait.ge [sflag:s23], $0x1  }
0xa3: {  	[sflag:s23] =	ssyncset.done $0x0  }
0xa4: {  	s25 =	simm.s32 $0x1B8E;
	s24 =	sld [smem:$0x3FFE];
	[sflag:s23] =	ssyncadd.s32 $0xFFFFFFFF  }
0xa5: {  	s26 =	simm.s32 $execute0_lowered;
	[smem:$0x3FD2] =	sst s25  }
0xa6: {  	s5 =	sshll.u32 s26, $0x1;
	_ =	strace $0x80000049;
	[dreg:$0x1] =	wrdreg $0xFFFFFFFF  }
0xa7: {  	s28 =	simm.s32 $_size_execute0_lowered;
	s3 =	sadd.s32 s3, s5;
	[dreg:$0x0] =	wrdreg $0x0  }
0xa8: {  	s5 =	sshll.u32 s28, $0x1;
	[dreg:$0x2] =	wrdreg s3  }
0xa9: {  	[dreg:$0x3] =	wrdreg s5  }
0xaa: {  	[dreg:$0x4] =	wrdreg $0xC0  }
0xab: {  	_ =	task [dreg:s7], $0x5FFFF  }
0xac: {  	[dreg:$0x1] =	wrdreg $0xFFFFFFFF  }
0xad: {  	[dreg:$0x0] =	wrdreg $0x60  }
0xae: {  	[dreg:$0x2] =	wrdreg s24  }
0xaf: {  	[dreg:$0x3] =	wrdreg s2  }
0xb0: {  	[dreg:$0x4] =	wrdreg $0x93000  }
0xb1: {  	[dreg:$0x5] =	wrdreg $0x9  }
0xb2: {  	_ =	task.clear_ibuf [dreg:s7], $0x6FFFF;
	_ =	strace $0x90000049  }
0xb3: {  	s29 =	simm.s32 $0x9;
	_ =	strace $0x8000004B  }
0xb4: {  	_ =	swait.ge [sflag:s29], $0x1  }
0xb5: {  	[sflag:s29] =	ssyncadd.s32 $0xFFFFFFFF  }
0xb6: {  	_ =	strace $0x9000004B  }
0xb7: {  	_ =	sfence  }
0xb8: {  	s30 =	sld [smem:$0x0];
	_ =	sdelay $0x2  }
0xb9: {  	s31 =	sshll.u32 s1, $0xD;
	s1 =	sshrl.u32 s1, $0x2  }
0xba: {  	s3 =	sand.u32 $0x4000, s31;
	s1 =	sadd.s32 s1, s30  }
0xbb: {  	s0 =	sor.u32 s3, s0;
	s1 =	sshll.u32 s1, $0x11  }
0xbc: {  	s0 =	sor.u32 s1, s0  }
0xbd: {  	s0 =	sadd.s32 $0x8F2B, s0  }
0xbe: {  	[sflag:s0] =	ssyncadd.remote.s32 $0x1  }
0xbf: {  	_ =	sfence.sel $0xFFFF  }
0xc0: {  	[dreg:$0x0] =	wrdreg $0xFFFFFFFF;
	(pc) =	sbr.abs _section_cstart, $3  }
0xc1: {  	[dreg:$0x1] =	wrdreg $0xFFFFFFFF  }
0xc2: {  	_ =	task.clear_ibuf [dreg:s7], $0x2FFFF;
	_ =	strace $0x9FFFFFFF  }
0xc3: {  	(tm) =	ssettm $0x7FFFFFFF  }
tec
execute0_lowered:
.L_overlay_start_1:
0x0: {  	(tag) =	ssettag $0x1  }
0x1: {  	s0 =	rddreg [dreg:$0x0]  }
0x2: {  	s1 =	rddreg [dreg:$0x1]  }
0x3: {  	s2 =	rddreg [dreg:$0x2]  }
0x4: {  	s3 =	simm.s32 $0x0;
	s4 =	srdreg.scid;
	s19 =	stileid.u32  }
0x5: {  	s31 =	simm.s32 $0x4;
	[smem:$0x7FF] =	sst s3;
	s4 =	sand.u32 $0x1, s4  }
0x6: {  	s7 =	smul.u32 $0x14000, s19;
	s8 =	sadd.s32 $0x5E200, s0;
	_ =	strace $0x8000004A  }
0x7: {  	s5 =	sshll.u32 s4, $0x4;
	s6 =	ssub.s32 $0x2, s4;
	s21 =	smul.u32 $0x140000, s4  }
0x8: {  	s4 =	smul.u32 $0x27600, s4;
	s5 =	sor.u32 s19, s5;
	s9 =	sshrl.u32 s6, $0x1  }
0x9: {  	s10 =	sor.u32 $0x2800, s7;
	s11 =	sadd.s32 $0x5000, s7;
	s12 =	sadd.s32 $0x7800, s7  }
0xa: {  	s15 =	sadd.s32 $0xA000, s7;
	s16 =	sadd.s32 $0xC800, s7;
	s17 =	sadd.s32 $0xF000, s7  }
0xb: {  	s18 =	sadd.s32 $0x11800, s7;
	s5 =	smul.u32 $0x2760, s5;
	s6 =	ssub.s32 s6, s9  }
0xc: {  	s7 =	sadd.s32 s21, s7;
	s13 =	sadd.s32 s21, s10;
	s14 =	sadd.s32 s21, s11  }
0xd: {  	s24 =	sadd.s32 s21, s12;
	s25 =	sadd.s32 s21, s15;
	s26 =	sadd.s32 s21, s16  }
0xe: {  	s20 =	sadd.s32 s21, s17;
	s9 =	sadd.s32 s21, s18;
	s21 =	smul.u32 $0x2760, s19  }
0xf: {  	s10 =	sadd.s32 s10, s2;
	s11 =	sadd.s32 s11, s2;
	s28 =	sadd.s32 s18, s2  }
0x10: {  	s18 =	simm.s32 $0x2;
	s7 =	sshrl.u32 s7, $0x3;
	s13 =	sshrl.u32 s13, $0x3  }
0x11: {  	s14 =	sshrl.u32 s14, $0x3;
	s9 =	sshrl.u32 s9, $0x3;
	[dreg:$0x11] =	wrdreg s10  }
0x12: {  	[dreg:$0x12] =	wrdreg s11;
	s10 =	simm.s32 $0x80;
	s11 =	simm.s32 $0x3300  }
0x13: {  	s7 =	sadd.s32 s8, s7;
	s22 =	sadd.s32 s8, s13;
	s23 =	sadd.s32 s8, s14  }
0x14: {  	s13 =	sshrl.u32 s25, $0x3;
	s14 =	sshrl.u32 s26, $0x3;
	[dreg:$0x4] =	wrdreg s7  }
0x15: {  	s5 =	sshrl.u32 s5, $0x3;
	s4 =	sadd.s32 s21, s4;
	[dreg:$0x5] =	wrdreg s22  }
0x16: {  	s21 =	sadd.s32 s16, s2;
	s16 =	simm.s32 $0x100;
	[dreg:$0x6] =	wrdreg s23  }
0x17: {  	s7 =	sshrl.u32 s24, $0x3;
	s13 =	sadd.s32 s8, s13;
	s14 =	sadd.s32 s8, s14  }
0x18: {  	s22 =	sadd.s32 s8, s9;
	s23 =	smul.u32 $0x50000, s19;
	[dreg:$0x15] =	wrdreg s21  }
0x19: {  	s24 =	sadd.s32 s1, s5;
	s25 =	sadd.s32 $0xC, s5;
	[dreg:$0x8] =	wrdreg s13  }
0x1a: {  	s9 =	smax.u32 s6, $0x1;
	s19 =	sadd.s32 s12, s2;
	[dreg:$0x9] =	wrdreg s14  }
0x1b: {  	s6 =	simm.s32 $0x7;
	s12 =	simm.s32 $0x1;
	[dreg:$0xb] =	wrdreg s22  }
0x1c: {  	s21 =	simm.s32 $0x0;
	s7 =	sadd.s32 s8, s7;
	[dreg:$0xc] =	wrdreg s24  }
0x1d: {  	s13 =	sadd.s32 $0x4400, s0;
	s14 =	sadd.s32 $0x54400, s0;
	[dreg:$0x10] =	wrdreg s9  }
0x1e: {  	[dreg:$0x13] =	wrdreg s19;
	s22 =	sadd.s32 $0x180, s4;
	s9 =	simm.s32 $0x200  }
0x1f: {  	s19 =	simm.s32 $0x5;
	[dreg:$0x7] =	wrdreg s7;
	s7 =	sshrl.u32 s20, $0x3  }
0x20: {  	s5 =	sadd.s32 s14, s5;
	s26 =	sshrl.u32 s23, $0x2;
	s0 =	sadd.s32 s14, s25  }
0x21: {  	s20 =	sadd.s32 s15, s2;
	s23 =	sadd.s32 s17, s2;
	[dreg:$0xd] =	wrdreg s5  }
0x22: {  	s15 =	simm.s32 $0x280;
	s17 =	simm.s32 $0x6300;
	[dreg:$0xf] =	wrdreg s0  }
0x23: {  	s7 =	sadd.s32 s8, s7;
	s8 =	sadd.s32 s1, s25;
	[dreg:$0x14] =	wrdreg s20  }
0x24: {  	s24 =	sadd.s32 s26, s2;
	[dreg:$0x16] =	wrdreg s23;
	s0 =	sshrl.u32 s22, $0x3  }
.Ltmp0:
0x25: {  	s25 =	sadd.s32 $0xC0, s4;
	[dreg:$0xa] =	wrdreg s7;
	(pc) =	sbr.rel .LBB2_1-.Ltmp0, $4  }
0x26: {  	s26 =	sadd.s32 $0x120, s4;
	s20 =	simm.s32 $0x3;
	[dreg:$0xe] =	wrdreg s8  }
0x27: {  	s5 =	sshrl.u32 s25, $0x3;
	s29 =	sadd.s32 s0, s14;
	s30 =	sadd.s32 s0, s1  }
0x28: {  	[dreg:$0x17] =	wrdreg s26;
	s7 =	simm.s32 $0x180;
	s8 =	simm.s32 $0x60  }
0x29: {  	v0 =	vimm.f32 $0.0e+00;
	s0 =	sadd.s32 s5, s14;
	s4 =	sadd.s32 s5, s1;
	s5 =	simm.s32 $0x300  }
.LBB2_6:
0x2a: {  	_ =	swait.ge [sflag:s20], $0x3000  }
0x2b: {  	[sflag:s20] =	ssyncset.done $0x0  }
0x2c: {  	[sflag:s20] =	ssyncadd.s32 $0xFFFFD000  }
0x2d: {  	[spmem:s2] =	stream.indirect.scatter.add.f32 [tilespmem:s17], [sflag:$0x6], $0x80, s15, s8, $0xb8;
	[tilespmem:$0x1D300] =	vst v63  }
0x2e: {  	_ =	swait.ge [sflag:s31], $0x3000  }
0x2f: {  	[sflag:s31] =	ssyncset.done $0x0  }
0x30: {  	[sflag:s31] =	ssyncadd.s32 $0xFFFFD000  }
0x31: {  	_ =	swait.ge [sflag:s19], $0x3000  }
0x32: {  	[sflag:s19] =	ssyncset.done $0x0  }
0x33: {  	s22 =	simm.s32 $0x6;
	[sflag:s19] =	ssyncadd.s32 $0xFFFFD000  }
0x34: {  	_ =	swait.ge [sflag:s22], $0x3000  }
0x35: {  	[sflag:s22] =	ssyncset.done $0x0  }
0x36: {  	[sflag:s22] =	ssyncadd.s32 $0xFFFFD000  }
0x37: {  	[bflag:$0x0] =	sbarrier.arrive $0xFFFF  }
0x38: {  	[tilespmem:s5], [sflag:$0x7] =	stream.linear.gather [spmem:s26], $0x2800, $0x38;
	[tilespmem:$0x1D300] =	vst v63  }
0x39: {  	_ =	swait.ge [sflag:s6], $0x2800  }
0x3a: {  	[sflag:s6] =	ssyncset.done $0x0  }
0x3b: {  	s23 =	rddreg [dreg:$0x4];
	[sflag:s6] =	ssyncadd.s32 $0xFFFFD800  }
0x3c: {  	[hbm4b:s23+s3] =	stream.linear.scatter [tilespmem:s5], [sflag:$0x7], $0x2800, $0x38;
	[tilespmem:$0x1D300] =	vst v63  }
0x3d: {  	_ =	swait.ge [sflag:s6], $0x2800  }
0x3e: {  	[sflag:s6] =	ssyncset.done $0x0  }
0x3f: {  	s25 =	rddreg [dreg:$0x11];
	[sflag:s6] =	ssyncadd.s32 $0xFFFFD800  }
0x40: {  	[tilespmem:s5], [sflag:$0x7] =	stream.linear.gather [spmem:s25], $0x2800, $0x38;
	[tilespmem:$0x1D300] =	vst v63  }
0x41: {  	_ =	swait.ge [sflag:s6], $0x2800  }
0x42: {  	[sflag:s6] =	ssyncset.done $0x0  }
0x43: {  	s24 =	smov.u32 s26;
	s26 =	rddreg [dreg:$0x5];
	[sflag:s6] =	ssyncadd.s32 $0xFFFFD800  }
0x44: {  	[hbm4b:s26+s3] =	stream.linear.scatter [tilespmem:s5], [sflag:$0x7], $0x2800, $0x38;
	[tilespmem:$0x1D300] =	vst v63  }
0x45: {  	_ =	swait.ge [sflag:s6], $0x2800  }
0x46: {  	[sflag:s6] =	ssyncset.done $0x0  }
0x47: {  	s23 =	rddreg [dreg:$0x12];
	[sflag:s6] =	ssyncadd.s32 $0xFFFFD800  }
0x48: {  	[tilespmem:s5], [sflag:$0x7] =	stream.linear.gather [spmem:s23], $0x2800, $0x38;
	[tilespmem:$0x1D300] =	vst v63  }
0x49: {  	_ =	swait.ge [sflag:s6], $0x2800  }
0x4a: {  	[sflag:s6] =	ssyncset.done $0x0  }
0x4b: {  	s25 =	rddreg [dreg:$0x6];
	[sflag:s6] =	ssyncadd.s32 $0xFFFFD800  }
0x4c: {  	[hbm4b:s25+s3] =	stream.linear.scatter [tilespmem:s5], [sflag:$0x7], $0x2800, $0x38;
	[tilespmem:$0x1D300] =	vst v63  }
0x4d: {  	_ =	swait.ge [sflag:s6], $0x2800  }
0x4e: {  	[sflag:s6] =	ssyncset.done $0x0  }
0x4f: {  	s26 =	rddreg [dreg:$0x13];
	[sflag:s6] =	ssyncadd.s32 $0xFFFFD800  }
0x50: {  	[tilespmem:s5], [sflag:$0x7] =	stream.linear.gather [spmem:s26], $0x2800, $0x38;
	[tilespmem:$0x1D300] =	vst v63  }
0x51: {  	_ =	swait.ge [sflag:s6], $0x2800  }
0x52: {  	[sflag:s6] =	ssyncset.done $0x0  }
0x53: {  	s23 =	rddreg [dreg:$0x7];
	[sflag:s6] =	ssyncadd.s32 $0xFFFFD800  }
0x54: {  	[hbm4b:s23+s3] =	stream.linear.scatter [tilespmem:s5], [sflag:$0x7], $0x2800, $0x38;
	[tilespmem:$0x1D300] =	vst v63  }
0x55: {  	_ =	swait.ge [sflag:s6], $0x2800  }
0x56: {  	[sflag:s6] =	ssyncset.done $0x0  }
0x57: {  	s25 =	rddreg [dreg:$0x14];
	[sflag:s6] =	ssyncadd.s32 $0xFFFFD800  }
0x58: {  	[tilespmem:s5], [sflag:$0x7] =	stream.linear.gather [spmem:s25], $0x2800, $0x38;
	[tilespmem:$0x1D300] =	vst v63  }
0x59: {  	_ =	swait.ge [sflag:s6], $0x2800  }
0x5a: {  	[sflag:s6] =	ssyncset.done $0x0  }
0x5b: {  	s26 =	rddreg [dreg:$0x8];
	[sflag:s6] =	ssyncadd.s32 $0xFFFFD800  }
0x5c: {  	[hbm4b:s26+s3] =	stream.linear.scatter [tilespmem:s5], [sflag:$0x7], $0x2800, $0x38;
	[tilespmem:$0x1D300] =	vst v63  }
0x5d: {  	_ =	swait.ge [sflag:s6], $0x2800  }
0x5e: {  	[sflag:s6] =	ssyncset.done $0x0  }
0x5f: {  	s23 =	rddreg [dreg:$0x15];
	[sflag:s6] =	ssyncadd.s32 $0xFFFFD800  }
0x60: {  	[tilespmem:s5], [sflag:$0x7] =	stream.linear.gather [spmem:s23], $0x2800, $0x38;
	[tilespmem:$0x1D300] =	vst v63  }
0x61: {  	_ =	swait.ge [sflag:s6], $0x2800  }
0x62: {  	[sflag:s6] =	ssyncset.done $0x0  }
0x63: {  	s25 =	rddreg [dreg:$0x9];
	[sflag:s6] =	ssyncadd.s32 $0xFFFFD800  }
0x64: {  	[hbm4b:s25+s3] =	stream.linear.scatter [tilespmem:s5], [sflag:$0x7], $0x2800, $0x38;
	[tilespmem:$0x1D300] =	vst v63  }
0x65: {  	_ =	swait.ge [sflag:s6], $0x2800  }
0x66: {  	[sflag:s6] =	ssyncset.done $0x0  }
0x67: {  	s26 =	rddreg [dreg:$0x16];
	[sflag:s6] =	ssyncadd.s32 $0xFFFFD800  }
0x68: {  	[tilespmem:s5], [sflag:$0x7] =	stream.linear.gather [spmem:s26], $0x2800, $0x38;
	[tilespmem:$0x1D300] =	vst v63  }
0x69: {  	_ =	swait.ge [sflag:s6], $0x2800  }
0x6a: {  	[sflag:s6] =	ssyncset.done $0x0  }
0x6b: {  	s23 =	rddreg [dreg:$0xa];
	[sflag:s6] =	ssyncadd.s32 $0xFFFFD800  }
0x6c: {  	[hbm4b:s23+s3] =	stream.linear.scatter [tilespmem:s5], [sflag:$0x7], $0x2800, $0x38;
	[tilespmem:$0x1D300] =	vst v63  }
0x6d: {  	_ =	swait.ge [sflag:s6], $0x2800  }
0x6e: {  	[sflag:s6] =	ssyncset.done $0x0  }
0x6f: {  	[sflag:s6] =	ssyncadd.s32 $0xFFFFD800  }
0x70: {  	[tilespmem:s5], [sflag:$0x7] =	stream.linear.gather [spmem:s28], $0x2800, $0x38;
	[tilespmem:$0x1D300] =	vst v63  }
0x71: {  	_ =	swait.ge [sflag:s6], $0x2800  }
0x72: {  	[sflag:s6] =	ssyncset.done $0x0  }
0x73: {  	s25 =	rddreg [dreg:$0xb];
	[sflag:s6] =	ssyncadd.s32 $0xFFFFD800  }
0x74: {  	[hbm4b:s25+s3] =	stream.linear.scatter [tilespmem:s5], [sflag:$0x7], $0x2800, $0x38;
	[tilespmem:$0x1D300] =	vst v63  }
0x75: {  	_ =	swait.ge [sflag:s6], $0x2800  }
0x76: {  	s21 =	sadd.s32 $0x1, s21;
	s26 =	rddreg [dreg:$0x10]  }
0x77: {  	p0 =	sne.s32 s21, s26  }
.Ltmp1:
0x78: {  	_ = 	snop;
	(pc) =	sbr.rel @!p0 .LBB2_7-.Ltmp1, $3  }
0x79: {  	_ =	sdelay $0x1  }
0x7a: {  	[sflag:s6] =	ssyncset.done $0x0  }
0x7b: {  	[sflag:s6] =	ssyncadd.s32 $0xFFFFD800  }
.LBB2_1:
0x7c: {  	s22 =	simm.s32 $0x70;
	s23 =	simm.s32 $0x3C0  }
.LBB2_2:
0x7d: {  	p0 =	sne.s32 s23, $0xBFC0;
	[tilespmem:s22+$0x300] =	vst v0  }
0x7e: {  	[tilespmem:s22+$0x290] =	vst v0  }
0x7f: {  	[tilespmem:s22+$0x2A0] =	vst v0  }
.Ltmp2:
0x80: {  	[tilespmem:s22+$0x2B0] =	vst v0;
	(pc) =	sbr.rel @p0 .LBB2_2-.Ltmp2, $4  }
0x81: {  	[tilespmem:s22+$0x2C0] =	vst v0  }
0x82: {  	[tilespmem:s22+$0x2D0] =	vst v0  }
0x83: {  	[tilespmem:s22+$0x2E0] =	vst v0  }
0x84: {  	[tilespmem:s22+$0x2F0] =	vst v0;
	s22 =	sshra.s32 s23, $0x2;
	s23 =	sadd.s32 $0x200, s23  }
0x85: {  	[tilespmem:s22+$0x300] =	vst v0  }
0x86: {  	[tilespmem:s22+$0x290] =	vst v0  }
0x87: {  	[tilespmem:s22+$0x2A0] =	vst v0  }
0x88: {  	[tilespmem:s22+$0x2B0] =	vst v0  }
0x89: {  	[tilespmem:s22+$0x2C0] =	vst v0  }
0x8a: {  	[tilespmem:s22+$0x2D0] =	vst v0  }
0x8b: {  	[tilespmem:s22+$0x2E0] =	vst v0  }
0x8c: {  	[tilespmem:s22+$0x2F0] =	vst v0  }
0x8d: {  	[spmem:s24] =	stream.linear.scatter [tilespmem:s5], [sflag:$0x7], $0x2800, $0x38;
	[tilespmem:$0x1D300] =	vst v63  }
0x8e: {  	_ =	swait.ge [sflag:s6], $0x2800  }
0x8f: {  	[sflag:s6] =	ssyncset.done $0x0  }
0x90: {  	s25 =	rddreg [dreg:$0x11];
	[sflag:s6] =	ssyncadd.s32 $0xFFFFD800  }
0x91: {  	[spmem:s25] =	stream.linear.scatter [tilespmem:s5], [sflag:$0x7], $0x2800, $0x38;
	[tilespmem:$0x1D300] =	vst v63  }
0x92: {  	_ =	swait.ge [sflag:s6], $0x2800  }
0x93: {  	[sflag:s6] =	ssyncset.done $0x0  }
0x94: {  	s23 =	rddreg [dreg:$0x12];
	[sflag:s6] =	ssyncadd.s32 $0xFFFFD800  }
0x95: {  	[spmem:s23] =	stream.linear.scatter [tilespmem:s5], [sflag:$0x7], $0x2800, $0x38;
	[tilespmem:$0x1D300] =	vst v63  }
0x96: {  	_ =	swait.ge [sflag:s6], $0x2800  }
0x97: {  	[sflag:s6] =	ssyncset.done $0x0  }
0x98: {  	s26 =	smov.u32 s24;
	s24 =	rddreg [dreg:$0x13];
	[sflag:s6] =	ssyncadd.s32 $0xFFFFD800  }
0x99: {  	[spmem:s24] =	stream.linear.scatter [tilespmem:s5], [sflag:$0x7], $0x2800, $0x38;
	[tilespmem:$0x1D300] =	vst v63  }
0x9a: {  	_ =	swait.ge [sflag:s6], $0x2800  }
0x9b: {  	[sflag:s6] =	ssyncset.done $0x0  }
0x9c: {  	s25 =	rddreg [dreg:$0x14];
	[sflag:s6] =	ssyncadd.s32 $0xFFFFD800  }
0x9d: {  	[spmem:s25] =	stream.linear.scatter [tilespmem:s5], [sflag:$0x7], $0x2800, $0x38;
	[tilespmem:$0x1D300] =	vst v63  }
0x9e: {  	_ =	swait.ge [sflag:s6], $0x2800  }
0x9f: {  	[sflag:s6] =	ssyncset.done $0x0  }
0xa0: {  	s23 =	rddreg [dreg:$0x15];
	[sflag:s6] =	ssyncadd.s32 $0xFFFFD800  }
0xa1: {  	[spmem:s23] =	stream.linear.scatter [tilespmem:s5], [sflag:$0x7], $0x2800, $0x38;
	[tilespmem:$0x1D300] =	vst v63  }
0xa2: {  	_ =	swait.ge [sflag:s6], $0x2800  }
0xa3: {  	[sflag:s6] =	ssyncset.done $0x0  }
0xa4: {  	s24 =	rddreg [dreg:$0x16];
	[sflag:s6] =	ssyncadd.s32 $0xFFFFD800  }
0xa5: {  	[spmem:s24] =	stream.linear.scatter [tilespmem:s5], [sflag:$0x7], $0x2800, $0x38;
	[tilespmem:$0x1D300] =	vst v63  }
0xa6: {  	_ =	swait.ge [sflag:s6], $0x2800  }
0xa7: {  	[sflag:s6] =	ssyncset.done $0x0  }
0xa8: {  	[sflag:s6] =	ssyncadd.s32 $0xFFFFD800  }
0xa9: {  	[spmem:s28] =	stream.linear.scatter [tilespmem:s5], [sflag:$0x7], $0x2800, $0x38;
	[tilespmem:$0x1D300] =	vst v63  }
0xaa: {  	_ =	swait.ge [sflag:s6], $0x2800  }
0xab: {  	[sflag:s6] =	ssyncset.done $0x0  }
0xac: {  	[sflag:s6] =	ssyncadd.s32 $0xFFFFD800  }
0xad: {  	[bflag:$0x0] =	sbarrier.arrive $0xFFFF  }
0xae: {  	s22 =	simm.s32 $0x0;
	s23 =	rddreg [dreg:$0xc]  }
0xaf: {  	[tilespmem:s7], [sflag:$0x7] =	stream.linear.gather [hbm4b:s23+s22], $0x60, $0x38;
	[tilespmem:$0x1D300] =	vst v63  }
0xb0: {  	_ =	swait.ge [sflag:s6], $0x60  }
0xb1: {  	[sflag:s6] =	ssyncset.done $0x0  }
0xb2: {  	s25 =	rddreg [dreg:$0xd];
	[sflag:s6] =	ssyncadd.s32 $0xFFFFFFA0  }
0xb3: {  	[tilespmem:s22], [sflag:$0x7] =	stream.linear.gather [hbm4b:s25+s22], $0x60, $0x38;
	[tilespmem:$0x1D300] =	vst v63  }
0xb4: {  	_ =	swait.ge [sflag:s6], $0x60  }
0xb5: {  	[sflag:s6] =	ssyncset.done $0x0  }
0xb6: {  	[sflag:s6] =	ssyncadd.s32 $0xFFFFFFA0  }
0xb7: {  	[tilespmem:s5], [sflag:$0x1] =	stream.indirect.gather [hbm4b:s13+s8], $0x80, s22, s8, $0xb8;
	[tilespmem:$0x1D300] =	vst v63  }
0xb8: {  	s24 =	rddreg [dreg:$0xe]  }
0xb9: {  	[tilespmem:s9], [sflag:$0x7] =	stream.linear.gather [hbm4b:s24+s22], $0x60, $0x38;
	[tilespmem:$0x1D300] =	vst v63  }
0xba: {  	_ =	swait.ge [sflag:s6], $0x60  }
0xbb: {  	[sflag:s6] =	ssyncset.done $0x0  }
0xbc: {  	s25 =	rddreg [dreg:$0xf];
	[sflag:s6] =	ssyncadd.s32 $0xFFFFFFA0  }
0xbd: {  	[tilespmem:s10], [sflag:$0x7] =	stream.linear.gather [hbm4b:s25+s22], $0x60, $0x38;
	[tilespmem:$0x1D300] =	vst v63  }
0xbe: {  	_ =	swait.ge [sflag:s6], $0x60  }
0xbf: {  	[sflag:s6] =	ssyncset.done $0x0  }
0xc0: {  	s23 =	rddreg [dreg:$0x17];
	[sflag:s6] =	ssyncadd.s32 $0xFFFFFFA0  }
0xc1: {  	[tilespmem:s11], [sflag:$0x2] =	stream.indirect.gather [hbm4b:s13+s8], $0x80, s10, s8, $0xb8;
	[tilespmem:$0x1D300] =	vst v63  }
.LBB2_4:
0xc2: {  	_ =	swait.ge [sflag:s12], $0x3000  }
0xc3: {  	p0 =	seq.s32 s22, $0x0;
	[sflag:s12] =	ssyncset.done $0x0  }
0xc4: {  	s24 =	simm.s32 @!p0 $0x6;
	[sflag:s12] =	ssyncadd.s32 $0xFFFFD000  }
0xc5: {  	[spmem:s2] =	stream.indirect.scatter.add.f32 [tilespmem:s5], [sflag:$0x4], $0x80, s7, s8, $0xb8;
	[tilespmem:$0x1D300] =	vst v63  }
0xc6: {  	_ =	swait.ge @!p0 [sflag:s24], $0x3000  }
0xc7: {  	[sflag:s24] =	ssyncset.done @!p0 $0x0  }
0xc8: {  	s25 =	sadd.s32 s22, s4;
	[sflag:s24] =	ssyncadd.s32 @!p0 $0xFFFFD000  }
0xc9: {  	[tilespmem:s15], [sflag:$0x7] =	stream.linear.gather [hbm4b:s25+s3], $0x60, $0x38;
	[tilespmem:$0x1D300] =	vst v63  }
0xca: {  	_ =	swait.ge [sflag:s6], $0x60  }
0xcb: {  	[sflag:s6] =	ssyncset.done $0x0  }
0xcc: {  	s25 =	sadd.s32 s22, s0;
	[sflag:s6] =	ssyncadd.s32 $0xFFFFFFA0  }
0xcd: {  	[tilespmem:s16], [sflag:$0x7] =	stream.linear.gather [hbm4b:s25+s3], $0x60, $0x38;
	[tilespmem:$0x1D300] =	vst v63  }
0xce: {  	_ =	swait.ge [sflag:s6], $0x60  }
0xcf: {  	[sflag:s6] =	ssyncset.done $0x0  }
0xd0: {  	p0 =	seq.s32 s22, $0x4C8;
	[sflag:s6] =	ssyncadd.s32 $0xFFFFFFA0  }
0xd1: {  	[tilespmem:s17], [sflag:$0x3] =	stream.indirect.gather [hbm4b:s13+s8], $0x80, s16, s8, $0xb8;
	[tilespmem:$0x1D300] =	vst v63  }
.Ltmp3:
0xd2: {  	_ = 	snop;
	(pc) =	sbr.rel @p0 .LBB2_6-.Ltmp3, $4  }
0xd3: {  	_ =	swait.ge [sflag:s18], $0x3000  }
0xd4: {  	[sflag:s18] =	ssyncset.done $0x0  }
0xd5: {  	[sflag:s18] =	ssyncadd.s32 $0xFFFFD000  }
0xd6: {  	[spmem:s2] =	stream.indirect.scatter.add.f32 [tilespmem:s11], [sflag:$0x5], $0x80, s9, s8, $0xb8;
	[tilespmem:$0x1D300] =	vst v63  }
0xd7: {  	_ =	swait.ge [sflag:s31], $0x3000  }
0xd8: {  	s24 =	sshrl.u32 s23, $0x3;
	[sflag:s31] =	ssyncset.done $0x0  }
0xd9: {  	s25 =	sadd.s32 s1, s24;
	[sflag:s31] =	ssyncadd.s32 $0xFFFFD000  }
0xda: {  	[tilespmem:s7], [sflag:$0x7] =	stream.linear.gather [hbm4b:s25+s3], $0x60, $0x38;
	[tilespmem:$0x1D300] =	vst v63  }
0xdb: {  	_ =	swait.ge [sflag:s6], $0x60  }
0xdc: {  	[sflag:s6] =	ssyncset.done $0x0  }
0xdd: {  	s24 =	sadd.s32 s14, s24;
	[sflag:s6] =	ssyncadd.s32 $0xFFFFFFA0  }
0xde: {  	[tilespmem:s3], [sflag:$0x7] =	stream.linear.gather [hbm4b:s24+s3], $0x60, $0x38;
	[tilespmem:$0x1D300] =	vst v63  }
0xdf: {  	_ =	swait.ge [sflag:s6], $0x60  }
0xe0: {  	[sflag:s6] =	ssyncset.done $0x0  }
0xe1: {  	[sflag:s6] =	ssyncadd.s32 $0xFFFFFFA0  }
0xe2: {  	[tilespmem:s5], [sflag:$0x1] =	stream.indirect.gather [hbm4b:s13+s8], $0x80, s3, s8, $0xb8;
	[tilespmem:$0x1D300] =	vst v63  }
0xe3: {  	_ =	swait.ge [sflag:s20], $0x3000  }
0xe4: {  	[sflag:s20] =	ssyncset.done $0x0  }
0xe5: {  	[sflag:s20] =	ssyncadd.s32 $0xFFFFD000  }
0xe6: {  	[spmem:s2] =	stream.indirect.scatter.add.f32 [tilespmem:s17], [sflag:$0x6], $0x80, s15, s8, $0xb8;
	[tilespmem:$0x1D300] =	vst v63  }
0xe7: {  	_ =	swait.ge [sflag:s19], $0x3000  }
0xe8: {  	[sflag:s19] =	ssyncset.done $0x0  }
0xe9: {  	s25 =	sadd.s32 s22, s30;
	[sflag:s19] =	ssyncadd.s32 $0xFFFFD000  }
0xea: {  	[tilespmem:s9], [sflag:$0x7] =	stream.linear.gather [hbm4b:s25+s3], $0x60, $0x38;
	[tilespmem:$0x1D300] =	vst v63  }
0xeb: {  	_ =	swait.ge [sflag:s6], $0x60  }
0xec: {  	[sflag:s6] =	ssyncset.done $0x0  }
0xed: {  	s25 =	sadd.s32 s22, s29;
	[sflag:s6] =	ssyncadd.s32 $0xFFFFFFA0  }
0xee: {  	[tilespmem:s10], [sflag:$0x7] =	stream.linear.gather [hbm4b:s25+s3], $0x60, $0x38;
	[tilespmem:$0x1D300] =	vst v63  }
.Ltmp4:
0xef: {  	_ = 	snop;
	(pc) =	sbr.rel .LBB2_4-.Ltmp4, $4  }
0xf0: {  	_ =	swait.ge [sflag:s6], $0x60  }
0xf1: {  	[sflag:s6] =	ssyncset.done $0x0  }
0xf2: {  	s23 =	sadd.s32 $0x120, s23;
	s22 =	sadd.s32 $0x24, s22;
	[sflag:s6] =	ssyncadd.s32 $0xFFFFFFA0  }
0xf3: {  	[tilespmem:s11], [sflag:$0x2] =	stream.indirect.gather [hbm4b:s13+s8], $0x80, s10, s8, $0xb8;
	[tilespmem:$0x1D300] =	vst v63  }
.LBB2_7:
0xf4: {  	_ =	sfence.sel $0x180000  }
0xf5: {  	[bflag:$0x0] =	sbarrier.arrive $0xFFFF  }
0xf6: {  	_ =	strace $0x9000004A  }
0xf7: {  	s0 =	stileid.u32;
	[bflag:$0x2] =	sbarrier.arrive $0xFFFF  }
0xf8: {  	p0 =	sne.s32 s0, $0x0;
	s0 =	rddreg [dreg:$0x3]  }
0xf9: {  	s0 =	sadd.s32 @!p0 $0x100000, s0  }
0xfa: {  	[sflag:s0] =	ssyncadd.tile.s32 @!p0 $0x1;
	_ =	shalt  }
.Lfunc_end2:
_tile_overlayer_lowered:
.L_overlay_start_2:
0xfb: {  	(tag) =	ssettag $0x2  }
0xfc: {  	s0 =	rddreg [dreg:$0x0];
	s2 =	stileid.u32  }
0xfd: {  	s1 =	rddreg [dreg:$0x1];
	p0 =	sne.s32 s2, $0x0  }
0xfe: {  	s3 =	rddreg [dreg:$0x2];
	[bflag:$0x3] =	sbarrier.arrive $0xFFFF;
	s2 =	simm.s32 @!p0 $0x1C07  }
0xff: {  	[timem:s3], [sflag:s2] =	dma.local @!p0 [hbm:s0], s1  }
0x100: {  	s0 =	simm.s32 @!p0 $0x7  }
0x101: {  	_ =	swait.ge @!p0 [sflag:s0], s1  }
0x102: {  	s1 =	ssub.s32 @!p0 $0x0, s1;
	[sflag:s0] =	ssyncset.done @!p0 $0x0  }
0x103: {  	[sflag:s0] =	ssyncadd.s32 @!p0 s1  }
0x104: {  	[bflag:$0x3] =	sbarrier.arrive $0xFFFF  }
0x105: {  	_ =	shalt  }

// kernel: kernel.16.cloned.1.call-start
scs
__scs_entry_jumppad:
0x0: {  	(pc) =	sbr.rel $0x88, $3  }
0x1: {  	(tag) =	ssettag $0x0;
	lr =	simm.s32 $0x1  }
0x2: {  	[smem:$0x3F99] =	sst lr;
	_ =	strace $0xD0000000  }
0x3: {  	_ = 	snop  }
0x4: {  	_ = 	snop  }
0x5: {  	_ = 	snop  }
0x6: {  	_ = 	snop  }
0x7: {  	_ = 	snop  }
__scs_overlays_trampoline_lowered:
0x8: {  	[smem:$0x3FA8] =	sst s0  }
0x9: {  	[smem:$0x3FA9] =	sst s1  }
0xa: {  	[smem:$0x3FAA] =	sst s2  }
0xb: {  	[smem:$0x3FAB] =	sst s3  }
0xc: {  	[smem:$0x3FAC] =	sst s4  }
0xd: {  	[smem:$0x3FAD] =	sst s5  }
0xe: {  	[smem:$0x3FAE] =	sst s6  }
0xf: {  	[smem:$0x3FAF] =	sst s7  }
0x10: {  	[smem:$0x3FB0] =	sst s8  }
0x11: {  	[smem:$0x3FB1] =	sst s9;
	s0 =	simm.s32 @!p0 $0x0  }
0x12: {  	s1 =	sld [smem:$0x3F97];
	s0 =	simm.s32 @p0 $0x1  }
0x13: {  	[smem:$0x3FB2] =	sst s0;
	s0 =	simm.s32 @!p1 $0x0  }
0x14: {  	s2 =	sld [smem:$0x3F96];
	s0 =	simm.s32 @p1 $0x1  }
0x15: {  	[smem:$0x3FB3] =	sst s0;
	s0 =	simm.s32 @!p2 $0x0  }
0x16: {  	s3 =	sld [smem:$0x3FDB];
	s0 =	simm.s32 @p2 $0x1  }
0x17: {  	s4 =	simm.s32 $0x1BF5;
	[smem:$0x3FB5] =	sst s0  }
0x18: {  	s0 =	sld [smem:$0x3F98];
	_ =	swait.ge [sflag:s4], $0x0  }
0x19: {  	s7 =	sld [smem:$0x3F99]  }
0x1a: {  	s8 =	sadd.s32 $0xFFFFE003, lr  }
0x1b: {  	s9 =	sadd.s32 $0xFFFFFEF7, lr;
	s5 =	simm.s32 $0xFFFFFFFF;
	p2 =	slt.u32 s8, $0xFFFFF086  }
0x1c: {  	p1 =	slt.u32 s9, $0xF7A;
	s5 =	simm.s32 @!p2 $0x0  }
0x1d: {  	s5 =	simm.s32 @p1 $0x1;
	p0 =	seq.s32 s7, s2  }
0x1e: {  	s7 =	smul.u32 @!p0 $0xF7A, s2;
	p2 =	seq.s32 @!p0 s5, $0x0  }
0x1f: {  	s9 =	smul.u32 $0xF7A, s1;
	s8 =	simm.s32 @!p0 $0x1BF5;
	p2 =	por !p2, p0  }
0x20: {  	[sflag:s8] =	ssyncset.s32 @!p0 $0xFFFFF086;
	s6 =	sadd.s32 @!p0 s3, s7;
	s7 =	simm.s32 @!p0 $0x108  }
0x21: {  	s3 =	sadd.s32 s3, s9;
	s6 =	sadd.s32 @!p0 $0x88, s6;
	s7 =	simm.s32 @p2 $0x1082  }
0x22: {  	[simem:s7], [sflag:s8] =	dma.local @!p0 [hbm:s6], $0xF7A  }
0x23: {  	s9 =	sor.u32 $0xD0000000, s2;
	s6 =	simm.s32 $0x108;
	_ =	swait.ge @!p0 [sflag:s8], $0x0  }
0x24: {  	s3 =	sadd.s32 $0x88, s3;
	s6 =	simm.s32 @!p1 $0x1082;
	[sflag:s4] =	ssyncset.s32 $0xFFFFF086  }
0x25: {  	[simem:s6], [sflag:s4] =	dma.local [hbm:s3], $0xF7A  }
0x26: {  	[smem:$0x3F99] =	sst s1;
	(tag) =	ssettag s2;
	_ =	strace s9  }
0x27: {  	s1 =	sld [smem:$0x3FA9]  }
0x28: {  	s2 =	sld [smem:$0x3FAA]  }
0x29: {  	s4 =	sld [smem:$0x3FAC]  }
0x2a: {  	p0 =	seq.s32 s5, $0x0;
	s5 =	sld [smem:$0x3FAD]  }
0x2b: {  	s6 =	sld [smem:$0x3FAE]  }
0x2c: {  	s7 =	sld [smem:$0x3FAF]  }
0x2d: {  	s3 =	simm.s32 $0x108;
	s8 =	sld [smem:$0x3FB0]  }
0x2e: {  	s3 =	simm.s32 @!p0 $0x1082;
	s9 =	sld [smem:$0x3FB1]  }
0x2f: {  	lr =	sadd.s32 s0, s3;
	s0 =	sld [smem:$0x3FA8]  }
0x30: {  	s3 =	sld [smem:$0x3FAB]  }
0x31: {  	[smem:$0x3FB4] =	sst s10  }
0x32: {  	s10 =	sld [smem:$0x3FB2];
	_ =	sdelay $0x3  }
0x33: {  	p0 =	seq.s32 s10, $0x1;
	s10 =	sld [smem:$0x3FB4];
	_ =	sdelay $0x3  }
0x34: {  	[smem:$0x3FB4] =	sst s10  }
0x35: {  	s10 =	sld [smem:$0x3FB3];
	_ =	sdelay $0x3  }
0x36: {  	p1 =	seq.s32 s10, $0x1;
	s10 =	sld [smem:$0x3FB4];
	_ =	sdelay $0x3  }
0x37: {  	[smem:$0x3FB4] =	sst s10  }
0x38: {  	s10 =	sld [smem:$0x3FB5]  }
0x39: {  	_ = 	snop;
	(pc) =	sbr.ind lr, $3  }
0x3a: {  	_ = 	snop  }
0x3b: {  	_ = 	snop  }
0x3c: {  	p2 =	seq.s32 s10, $0x1;
	s10 =	sld [smem:$0x3FB4]  }
0x3d: {  	_ =	shalt  }
0x3e: {  	_ =	shalt  }
0x3f: {  	_ =	shalt  }
0x40: {  	_ =	shalt  }
0x41: {  	_ =	shalt  }
0x42: {  	_ =	shalt  }
0x43: {  	_ =	shalt  }
0x44: {  	_ =	shalt  }
0x45: {  	_ =	shalt  }
0x46: {  	_ =	shalt  }
0x47: {  	_ =	shalt  }
0x48: {  	_ =	shalt  }
0x49: {  	_ =	shalt  }
0x4a: {  	_ =	shalt  }
0x4b: {  	_ =	shalt  }
0x4c: {  	_ =	shalt  }
0x4d: {  	_ =	shalt  }
0x4e: {  	_ =	shalt  }
0x4f: {  	_ =	shalt  }
0x50: {  	_ =	shalt  }
0x51: {  	_ =	shalt  }
0x52: {  	_ =	shalt  }
0x53: {  	_ =	shalt  }
0x54: {  	_ =	shalt  }
0x55: {  	_ =	shalt  }
0x56: {  	_ =	shalt  }
0x57: {  	_ =	shalt  }
0x58: {  	_ =	shalt  }
0x59: {  	_ =	shalt  }
0x5a: {  	_ =	shalt  }
0x5b: {  	_ =	shalt  }
0x5c: {  	_ =	shalt  }
0x5d: {  	_ =	shalt  }
0x5e: {  	_ =	shalt  }
0x5f: {  	_ =	shalt  }
0x60: {  	_ =	shalt  }
0x61: {  	_ =	shalt  }
0x62: {  	_ =	shalt  }
0x63: {  	_ =	shalt  }
0x64: {  	_ =	shalt  }
0x65: {  	_ =	shalt  }
0x66: {  	_ =	shalt  }
0x67: {  	_ =	shalt  }
0x68: {  	_ =	shalt  }
0x69: {  	_ =	shalt  }
0x6a: {  	_ =	shalt  }
0x6b: {  	_ =	shalt  }
0x6c: {  	_ =	shalt  }
0x6d: {  	_ =	shalt  }
0x6e: {  	_ =	shalt  }
0x6f: {  	_ =	shalt  }
0x70: {  	_ =	shalt  }
0x71: {  	_ =	shalt  }
0x72: {  	_ =	shalt  }
0x73: {  	_ =	shalt  }
0x74: {  	_ =	shalt  }
0x75: {  	_ =	shalt  }
0x76: {  	_ =	shalt  }
0x77: {  	_ =	shalt  }
0x78: {  	_ =	shalt  }
0x79: {  	_ =	shalt  }
0x7a: {  	_ =	shalt  }
0x7b: {  	_ =	shalt  }
0x7c: {  	_ =	shalt  }
0x7d: {  	_ =	shalt  }
0x7e: {  	_ =	shalt  }
0x7f: {  	_ =	shalt  }
0x80: {  	_ =	shalt  }
0x81: {  	_ =	shalt  }
0x82: {  	_ =	shalt  }
0x83: {  	_ =	shalt  }
0x84: {  	_ =	shalt  }
0x85: {  	_ =	shalt  }
0x86: {  	_ =	shalt  }
0x87: {  	_ =	shalt  }
.Lfunc_end0:
.L_simem_size_0:
called_computation.2_lowered:
.L_overlay_start_0:
0x88: {  	s2 =	sld [smem:$0x3FD9]  }
0x89: {  	s3 =	sld [smem:$0x3FFE];
	_ =	sdelay $0x1  }
0x8a: {  	s1 =	srdreg.scid  }
0x8b: {  	s0 =	sand.u32 $0x1, s1  }
0x8c: {  	s17 =	sshll.u32 s0, $0xA;
	s2 =	sadd.s32 s3, s2  }
0x8d: {  	s2 =	sadd.s32 s2, s17  }
0x8e: {  	[smem:$0x3FC0] =	sst s2  }
0x8f: {  	_ = 	snop  }
0x90: {  	s2 =	sld [smem:$0x3FD0];
	(tm) =	ssettm $0x1  }
0x91: {  	s18 =	sld [smem:$0x3FFB];
	_ =	sdelay $0x3  }
0x92: {  	_ =	strace s18  }
0x93: {  	s3 =	sld [smem:$0x3FFC];
	_ =	sdelay $0x3  }
0x94: {  	_ =	strace s3  }
0x95: {  	s3 =	sld [smem:$0x3FFD];
	_ =	sdelay $0x3  }
0x96: {  	_ =	strace s3  }
0x97: {  	_ =	strace $0x8FFFFFFF  }
0x98: {  	s19 =	sld [smem:$0x3FDB];
	_ =	sdelay $0x1  }
0x99: {  	s4 =	simm.s32 $_scs_section_size  }
0x9a: {  	s5 =	simm.s32 $_size__tile_overlayer_lowered;
	s6 =	simm.s32 $_tile_overlayer_lowered  }
0x9b: {  	s22 =	simm.s32 $0x1BFF;
	s21 =	sshll.u32 s6, $0x1;
	s3 =	sadd.s32 s4, s19  }
0x9c: {  	s7 =	simm.s32 $0x0;
	s20 =	sshll.u32 s5, $0x1;
	s5 =	sadd.s32 s21, s3  }
0x9d: {  	[timem:s7], [sflag:s22] =	dma.local [hbm:s5], s20  }
0x9e: {  	_ =	swait.ge [sflag:s22], s20  }
0x9f: {  	s4 =	ssub.s32 $0x0, s20;
	[sflag:s22] =	ssyncset.done $0x0  }
0xa0: {  	[sflag:s22] =	ssyncadd.s32 s4;
	_ =	sdelay $0x1  }
0xa1: {  	s23 =	simm.s32 $0x1B8B  }
0xa2: {  	_ =	swait.ge [sflag:s23], $0x1  }
0xa3: {  	[sflag:s23] =	ssyncset.done $0x0  }
0xa4: {  	s25 =	simm.s32 $0x1B8E;
	s24 =	sld [smem:$0x3FFE];
	[sflag:s23] =	ssyncadd.s32 $0xFFFFFFFF  }
0xa5: {  	s26 =	simm.s32 $execute0_lowered;
	[smem:$0x3FD2] =	sst s25  }
0xa6: {  	s5 =	sshll.u32 s26, $0x1;
	_ =	strace $0x8000004C;
	[dreg:$0x1] =	wrdreg $0xFFFFFFFF  }
0xa7: {  	s28 =	simm.s32 $_size_execute0_lowered;
	s3 =	sadd.s32 s3, s5;
	[dreg:$0x0] =	wrdreg $0x0  }
0xa8: {  	s5 =	sshll.u32 s28, $0x1;
	[dreg:$0x2] =	wrdreg s3  }
0xa9: {  	[dreg:$0x3] =	wrdreg s5  }
0xaa: {  	[dreg:$0x4] =	wrdreg $0xC0  }
0xab: {  	_ =	task [dreg:s7], $0x5FFFF  }
0xac: {  	[dreg:$0x1] =	wrdreg $0xFFFFFFFF  }
0xad: {  	[dreg:$0x0] =	wrdreg $0x60  }
0xae: {  	[dreg:$0x2] =	wrdreg s24  }
0xaf: {  	[dreg:$0x3] =	wrdreg s2  }
0xb0: {  	[dreg:$0x4] =	wrdreg $0x93000  }
0xb1: {  	[dreg:$0x5] =	wrdreg $0x9  }
0xb2: {  	_ =	task.clear_ibuf [dreg:s7], $0x6FFFF;
	_ =	strace $0x9000004C  }
0xb3: {  	s29 =	simm.s32 $0x9;
	_ =	strace $0x8000004E  }
0xb4: {  	_ =	swait.ge [sflag:s29], $0x1  }
0xb5: {  	[sflag:s29] =	ssyncadd.s32 $0xFFFFFFFF  }
0xb6: {  	_ =	strace $0x9000004E  }
0xb7: {  	_ =	sfence  }
0xb8: {  	s30 =	sld [smem:$0x0];
	_ =	sdelay $0x2  }
0xb9: {  	s31 =	sshll.u32 s1, $0xD;
	s1 =	sshrl.u32 s1, $0x2  }
0xba: {  	s3 =	sand.u32 $0x4000, s31;
	s1 =	sadd.s32 s1, s30  }
0xbb: {  	s0 =	sor.u32 s3, s0;
	s1 =	sshll.u32 s1, $0x11  }
0xbc: {  	s0 =	sor.u32 s1, s0  }
0xbd: {  	s0 =	sadd.s32 $0x8F2B, s0  }
0xbe: {  	[sflag:s0] =	ssyncadd.remote.s32 $0x1  }
0xbf: {  	_ =	sfence.sel $0xFFFF  }
0xc0: {  	[dreg:$0x0] =	wrdreg $0xFFFFFFFF;
	(pc) =	sbr.abs _section_cstart, $3  }
0xc1: {  	[dreg:$0x1] =	wrdreg $0xFFFFFFFF  }
0xc2: {  	_ =	task.clear_ibuf [dreg:s7], $0x2FFFF;
	_ =	strace $0x9FFFFFFF  }
0xc3: {  	(tm) =	ssettm $0x7FFFFFFF  }
tec
execute0_lowered:
.L_overlay_start_1:
0x0: {  	(tag) =	ssettag $0x1  }
0x1: {  	s0 =	rddreg [dreg:$0x0]  }
0x2: {  	s1 =	rddreg [dreg:$0x1]  }
0x3: {  	s2 =	rddreg [dreg:$0x2]  }
0x4: {  	s3 =	simm.s32 $0x0;
	s4 =	srdreg.scid;
	s19 =	stileid.u32  }
0x5: {  	s31 =	simm.s32 $0x4;
	[smem:$0x7FF] =	sst s3;
	s4 =	sand.u32 $0x1, s4  }
0x6: {  	s7 =	smul.u32 $0x14000, s19;
	s8 =	sadd.s32 $0x5E200, s0;
	_ =	strace $0x8000004D  }
0x7: {  	s5 =	sshll.u32 s4, $0x4;
	s6 =	ssub.s32 $0x2, s4;
	s21 =	smul.u32 $0x140000, s4  }
0x8: {  	s4 =	smul.u32 $0x27600, s4;
	s5 =	sor.u32 s19, s5;
	s9 =	sshrl.u32 s6, $0x1  }
0x9: {  	s10 =	sor.u32 $0x2800, s7;
	s11 =	sadd.s32 $0x5000, s7;
	s12 =	sadd.s32 $0x7800, s7  }
0xa: {  	s15 =	sadd.s32 $0xA000, s7;
	s16 =	sadd.s32 $0xC800, s7;
	s17 =	sadd.s32 $0xF000, s7  }
0xb: {  	s18 =	sadd.s32 $0x11800, s7;
	s5 =	smul.u32 $0x2760, s5;
	s6 =	ssub.s32 s6, s9  }
0xc: {  	s7 =	sadd.s32 s21, s7;
	s13 =	sadd.s32 s21, s10;
	s14 =	sadd.s32 s21, s11  }
0xd: {  	s24 =	sadd.s32 s21, s12;
	s25 =	sadd.s32 s21, s15;
	s26 =	sadd.s32 s21, s16  }
0xe: {  	s20 =	sadd.s32 s21, s17;
	s9 =	sadd.s32 s21, s18;
	s21 =	smul.u32 $0x2760, s19  }
0xf: {  	s10 =	sadd.s32 s10, s2;
	s11 =	sadd.s32 s11, s2;
	s28 =	sadd.s32 s18, s2  }
0x10: {  	s18 =	simm.s32 $0x2;
	s7 =	sshrl.u32 s7, $0x3;
	s13 =	sshrl.u32 s13, $0x3  }
0x11: {  	s14 =	sshrl.u32 s14, $0x3;
	s9 =	sshrl.u32 s9, $0x3;
	[dreg:$0x11] =	wrdreg s10  }
0x12: {  	[dreg:$0x12] =	wrdreg s11;
	s10 =	simm.s32 $0x80;
	s11 =	simm.s32 $0x3300  }
0x13: {  	s7 =	sadd.s32 s8, s7;
	s22 =	sadd.s32 s8, s13;
	s23 =	sadd.s32 s8, s14  }
0x14: {  	s13 =	sshrl.u32 s25, $0x3;
	s14 =	sshrl.u32 s26, $0x3;
	[dreg:$0x4] =	wrdreg s7  }
0x15: {  	s5 =	sshrl.u32 s5, $0x3;
	s4 =	sadd.s32 s21, s4;
	[dreg:$0x5] =	wrdreg s22  }
0x16: {  	s21 =	sadd.s32 s16, s2;
	s16 =	simm.s32 $0x100;
	[dreg:$0x6] =	wrdreg s23  }
0x17: {  	s7 =	sshrl.u32 s24, $0x3;
	s13 =	sadd.s32 s8, s13;
	s14 =	sadd.s32 s8, s14  }
0x18: {  	s22 =	sadd.s32 s8, s9;
	s23 =	smul.u32 $0x50000, s19;
	[dreg:$0x15] =	wrdreg s21  }
0x19: {  	s24 =	sadd.s32 s1, s5;
	s25 =	sadd.s32 $0xC, s5;
	[dreg:$0x8] =	wrdreg s13  }
0x1a: {  	s9 =	smax.u32 s6, $0x1;
	s19 =	sadd.s32 s12, s2;
	[dreg:$0x9] =	wrdreg s14  }
0x1b: {  	s6 =	simm.s32 $0x7;
	s12 =	simm.s32 $0x1;
	[dreg:$0xb] =	wrdreg s22  }
0x1c: {  	s21 =	simm.s32 $0x0;
	s7 =	sadd.s32 s8, s7;
	[dreg:$0xc] =	wrdreg s24  }
0x1d: {  	s13 =	sadd.s32 $0x4400, s0;
	s14 =	sadd.s32 $0x54400, s0;
	[dreg:$0x10] =	wrdreg s9  }
0x1e: {  	[dreg:$0x13] =	wrdreg s19;
	s22 =	sadd.s32 $0x180, s4;
	s9 =	simm.s32 $0x200  }
0x1f: {  	s19 =	simm.s32 $0x5;
	[dreg:$0x7] =	wrdreg s7;
	s7 =	sshrl.u32 s20, $0x3  }
0x20: {  	s5 =	sadd.s32 s14, s5;
	s26 =	sshrl.u32 s23, $0x2;
	s0 =	sadd.s32 s14, s25  }
0x21: {  	s20 =	sadd.s32 s15, s2;
	s23 =	sadd.s32 s17, s2;
	[dreg:$0xd] =	wrdreg s5  }
0x22: {  	s15 =	simm.s32 $0x280;
	s17 =	simm.s32 $0x6300;
	[dreg:$0xf] =	wrdreg s0  }
0x23: {  	s7 =	sadd.s32 s8, s7;
	s8 =	sadd.s32 s1, s25;
	[dreg:$0x14] =	wrdreg s20  }
0x24: {  	s24 =	sadd.s32 s26, s2;
	[dreg:$0x16] =	wrdreg s23;
	s0 =	sshrl.u32 s22, $0x3  }
.Ltmp0:
0x25: {  	s25 =	sadd.s32 $0xC0, s4;
	[dreg:$0xa] =	wrdreg s7;
	(pc) =	sbr.rel .LBB2_1-.Ltmp0, $4  }
0x26: {  	s26 =	sadd.s32 $0x120, s4;
	s20 =	simm.s32 $0x3;
	[dreg:$0xe] =	wrdreg s8  }
0x27: {  	s5 =	sshrl.u32 s25, $0x3;
	s29 =	sadd.s32 s0, s14;
	s30 =	sadd.s32 s0, s1  }
0x28: {  	[dreg:$0x17] =	wrdreg s26;
	s7 =	simm.s32 $0x180;
	s8 =	simm.s32 $0x60  }
0x29: {  	v0 =	vimm.f32 $0.0e+00;
	s0 =	sadd.s32 s5, s14;
	s4 =	sadd.s32 s5, s1;
	s5 =	simm.s32 $0x300  }
.LBB2_6:
0x2a: {  	_ =	swait.ge [sflag:s20], $0x3000  }
0x2b: {  	[sflag:s20] =	ssyncset.done $0x0  }
0x2c: {  	[sflag:s20] =	ssyncadd.s32 $0xFFFFD000  }
0x2d: {  	[spmem:s2] =	stream.indirect.scatter.add.f32 [tilespmem:s17], [sflag:$0x6], $0x80, s15, s8, $0xb8;
	[tilespmem:$0x1D300] =	vst v63  }
0x2e: {  	_ =	swait.ge [sflag:s31], $0x3000  }
0x2f: {  	[sflag:s31] =	ssyncset.done $0x0  }
0x30: {  	[sflag:s31] =	ssyncadd.s32 $0xFFFFD000  }
0x31: {  	_ =	swait.ge [sflag:s19], $0x3000  }
0x32: {  	[sflag:s19] =	ssyncset.done $0x0  }
0x33: {  	s22 =	simm.s32 $0x6;
	[sflag:s19] =	ssyncadd.s32 $0xFFFFD000  }
0x34: {  	_ =	swait.ge [sflag:s22], $0x3000  }
0x35: {  	[sflag:s22] =	ssyncset.done $0x0  }
0x36: {  	[sflag:s22] =	ssyncadd.s32 $0xFFFFD000  }
0x37: {  	[bflag:$0x0] =	sbarrier.arrive $0xFFFF  }
0x38: {  	[tilespmem:s5], [sflag:$0x7] =	stream.linear.gather [spmem:s26], $0x2800, $0x38;
	[tilespmem:$0x1D300] =	vst v63  }
0x39: {  	_ =	swait.ge [sflag:s6], $0x2800  }
0x3a: {  	[sflag:s6] =	ssyncset.done $0x0  }
0x3b: {  	s23 =	rddreg [dreg:$0x4];
	[sflag:s6] =	ssyncadd.s32 $0xFFFFD800  }
0x3c: {  	[hbm4b:s23+s3] =	stream.linear.scatter [tilespmem:s5], [sflag:$0x7], $0x2800, $0x38;
	[tilespmem:$0x1D300] =	vst v63  }
0x3d: {  	_ =	swait.ge [sflag:s6], $0x2800  }
0x3e: {  	[sflag:s6] =	ssyncset.done $0x0  }
0x3f: {  	s25 =	rddreg [dreg:$0x11];
	[sflag:s6] =	ssyncadd.s32 $0xFFFFD800  }
0x40: {  	[tilespmem:s5], [sflag:$0x7] =	stream.linear.gather [spmem:s25], $0x2800, $0x38;
	[tilespmem:$0x1D300] =	vst v63  }
0x41: {  	_ =	swait.ge [sflag:s6], $0x2800  }
0x42: {  	[sflag:s6] =	ssyncset.done $0x0  }
0x43: {  	s24 =	smov.u32 s26;
	s26 =	rddreg [dreg:$0x5];
	[sflag:s6] =	ssyncadd.s32 $0xFFFFD800  }
0x44: {  	[hbm4b:s26+s3] =	stream.linear.scatter [tilespmem:s5], [sflag:$0x7], $0x2800, $0x38;
	[tilespmem:$0x1D300] =	vst v63  }
0x45: {  	_ =	swait.ge [sflag:s6], $0x2800  }
0x46: {  	[sflag:s6] =	ssyncset.done $0x0  }
0x47: {  	s23 =	rddreg [dreg:$0x12];
	[sflag:s6] =	ssyncadd.s32 $0xFFFFD800  }
0x48: {  	[tilespmem:s5], [sflag:$0x7] =	stream.linear.gather [spmem:s23], $0x2800, $0x38;
	[tilespmem:$0x1D300] =	vst v63  }
0x49: {  	_ =	swait.ge [sflag:s6], $0x2800  }
0x4a: {  	[sflag:s6] =	ssyncset.done $0x0  }
0x4b: {  	s25 =	rddreg [dreg:$0x6];
	[sflag:s6] =	ssyncadd.s32 $0xFFFFD800  }
0x4c: {  	[hbm4b:s25+s3] =	stream.linear.scatter [tilespmem:s5], [sflag:$0x7], $0x2800, $0x38;
	[tilespmem:$0x1D300] =	vst v63  }
0x4d: {  	_ =	swait.ge [sflag:s6], $0x2800  }
0x4e: {  	[sflag:s6] =	ssyncset.done $0x0  }
0x4f: {  	s26 =	rddreg [dreg:$0x13];
	[sflag:s6] =	ssyncadd.s32 $0xFFFFD800  }
0x50: {  	[tilespmem:s5], [sflag:$0x7] =	stream.linear.gather [spmem:s26], $0x2800, $0x38;
	[tilespmem:$0x1D300] =	vst v63  }
0x51: {  	_ =	swait.ge [sflag:s6], $0x2800  }
0x52: {  	[sflag:s6] =	ssyncset.done $0x0  }
0x53: {  	s23 =	rddreg [dreg:$0x7];
	[sflag:s6] =	ssyncadd.s32 $0xFFFFD800  }
0x54: {  	[hbm4b:s23+s3] =	stream.linear.scatter [tilespmem:s5], [sflag:$0x7], $0x2800, $0x38;
	[tilespmem:$0x1D300] =	vst v63  }
0x55: {  	_ =	swait.ge [sflag:s6], $0x2800  }
0x56: {  	[sflag:s6] =	ssyncset.done $0x0  }
0x57: {  	s25 =	rddreg [dreg:$0x14];
	[sflag:s6] =	ssyncadd.s32 $0xFFFFD800  }
0x58: {  	[tilespmem:s5], [sflag:$0x7] =	stream.linear.gather [spmem:s25], $0x2800, $0x38;
	[tilespmem:$0x1D300] =	vst v63  }
0x59: {  	_ =	swait.ge [sflag:s6], $0x2800  }
0x5a: {  	[sflag:s6] =	ssyncset.done $0x0  }
0x5b: {  	s26 =	rddreg [dreg:$0x8];
	[sflag:s6] =	ssyncadd.s32 $0xFFFFD800  }
0x5c: {  	[hbm4b:s26+s3] =	stream.linear.scatter [tilespmem:s5], [sflag:$0x7], $0x2800, $0x38;
	[tilespmem:$0x1D300] =	vst v63  }
0x5d: {  	_ =	swait.ge [sflag:s6], $0x2800  }
0x5e: {  	[sflag:s6] =	ssyncset.done $0x0  }
0x5f: {  	s23 =	rddreg [dreg:$0x15];
	[sflag:s6] =	ssyncadd.s32 $0xFFFFD800  }
0x60: {  	[tilespmem:s5], [sflag:$0x7] =	stream.linear.gather [spmem:s23], $0x2800, $0x38;
	[tilespmem:$0x1D300] =	vst v63  }
0x61: {  	_ =	swait.ge [sflag:s6], $0x2800  }
0x62: {  	[sflag:s6] =	ssyncset.done $0x0  }
0x63: {  	s25 =	rddreg [dreg:$0x9];
	[sflag:s6] =	ssyncadd.s32 $0xFFFFD800  }
0x64: {  	[hbm4b:s25+s3] =	stream.linear.scatter [tilespmem:s5], [sflag:$0x7], $0x2800, $0x38;
	[tilespmem:$0x1D300] =	vst v63  }
0x65: {  	_ =	swait.ge [sflag:s6], $0x2800  }
0x66: {  	[sflag:s6] =	ssyncset.done $0x0  }
0x67: {  	s26 =	rddreg [dreg:$0x16];
	[sflag:s6] =	ssyncadd.s32 $0xFFFFD800  }
0x68: {  	[tilespmem:s5], [sflag:$0x7] =	stream.linear.gather [spmem:s26], $0x2800, $0x38;
	[tilespmem:$0x1D300] =	vst v63  }
0x69: {  	_ =	swait.ge [sflag:s6], $0x2800  }
0x6a: {  	[sflag:s6] =	ssyncset.done $0x0  }
0x6b: {  	s23 =	rddreg [dreg:$0xa];
	[sflag:s6] =	ssyncadd.s32 $0xFFFFD800  }
0x6c: {  	[hbm4b:s23+s3] =	stream.linear.scatter [tilespmem:s5], [sflag:$0x7], $0x2800, $0x38;
	[tilespmem:$0x1D300] =	vst v63  }
0x6d: {  	_ =	swait.ge [sflag:s6], $0x2800  }
0x6e: {  	[sflag:s6] =	ssyncset.done $0x0  }
0x6f: {  	[sflag:s6] =	ssyncadd.s32 $0xFFFFD800  }
0x70: {  	[tilespmem:s5], [sflag:$0x7] =	stream.linear.gather [spmem:s28], $0x2800, $0x38;
	[tilespmem:$0x1D300] =	vst v63  }
0x71: {  	_ =	swait.ge [sflag:s6], $0x2800  }
0x72: {  	[sflag:s6] =	ssyncset.done $0x0  }
0x73: {  	s25 =	rddreg [dreg:$0xb];
	[sflag:s6] =	ssyncadd.s32 $0xFFFFD800  }
0x74: {  	[hbm4b:s25+s3] =	stream.linear.scatter [tilespmem:s5], [sflag:$0x7], $0x2800, $0x38;
	[tilespmem:$0x1D300] =	vst v63  }
0x75: {  	_ =	swait.ge [sflag:s6], $0x2800  }
0x76: {  	s21 =	sadd.s32 $0x1, s21;
	s26 =	rddreg [dreg:$0x10]  }
0x77: {  	p0 =	sne.s32 s21, s26  }
.Ltmp1:
0x78: {  	_ = 	snop;
	(pc) =	sbr.rel @!p0 .LBB2_7-.Ltmp1, $3  }
0x79: {  	_ =	sdelay $0x1  }
0x7a: {  	[sflag:s6] =	ssyncset.done $0x0  }
0x7b: {  	[sflag:s6] =	ssyncadd.s32 $0xFFFFD800  }
.LBB2_1:
0x7c: {  	s22 =	simm.s32 $0x70;
	s23 =	simm.s32 $0x3C0  }
.LBB2_2:
0x7d: {  	p0 =	sne.s32 s23, $0xBFC0;
	[tilespmem:s22+$0x300] =	vst v0  }
0x7e: {  	[tilespmem:s22+$0x290] =	vst v0  }
0x7f: {  	[tilespmem:s22+$0x2A0] =	vst v0  }
.Ltmp2:
0x80: {  	[tilespmem:s22+$0x2B0] =	vst v0;
	(pc) =	sbr.rel @p0 .LBB2_2-.Ltmp2, $4  }
0x81: {  	[tilespmem:s22+$0x2C0] =	vst v0  }
0x82: {  	[tilespmem:s22+$0x2D0] =	vst v0  }
0x83: {  	[tilespmem:s22+$0x2E0] =	vst v0  }
0x84: {  	[tilespmem:s22+$0x2F0] =	vst v0;
	s22 =	sshra.s32 s23, $0x2;
	s23 =	sadd.s32 $0x200, s23  }
0x85: {  	[tilespmem:s22+$0x300] =	vst v0  }
0x86: {  	[tilespmem:s22+$0x290] =	vst v0  }
0x87: {  	[tilespmem:s22+$0x2A0] =	vst v0  }
0x88: {  	[tilespmem:s22+$0x2B0] =	vst v0  }
0x89: {  	[tilespmem:s22+$0x2C0] =	vst v0  }
0x8a: {  	[tilespmem:s22+$0x2D0] =	vst v0  }
0x8b: {  	[tilespmem:s22+$0x2E0] =	vst v0  }
0x8c: {  	[tilespmem:s22+$0x2F0] =	vst v0  }
0x8d: {  	[spmem:s24] =	stream.linear.scatter [tilespmem:s5], [sflag:$0x7], $0x2800, $0x38;
	[tilespmem:$0x1D300] =	vst v63  }
0x8e: {  	_ =	swait.ge [sflag:s6], $0x2800  }
0x8f: {  	[sflag:s6] =	ssyncset.done $0x0  }
0x90: {  	s25 =	rddreg [dreg:$0x11];
	[sflag:s6] =	ssyncadd.s32 $0xFFFFD800  }
0x91: {  	[spmem:s25] =	stream.linear.scatter [tilespmem:s5], [sflag:$0x7], $0x2800, $0x38;
	[tilespmem:$0x1D300] =	vst v63  }
0x92: {  	_ =	swait.ge [sflag:s6], $0x2800  }
0x93: {  	[sflag:s6] =	ssyncset.done $0x0  }
0x94: {  	s23 =	rddreg [dreg:$0x12];
	[sflag:s6] =	ssyncadd.s32 $0xFFFFD800  }
0x95: {  	[spmem:s23] =	stream.linear.scatter [tilespmem:s5], [sflag:$0x7], $0x2800, $0x38;
	[tilespmem:$0x1D300] =	vst v63  }
0x96: {  	_ =	swait.ge [sflag:s6], $0x2800  }
0x97: {  	[sflag:s6] =	ssyncset.done $0x0  }
0x98: {  	s26 =	smov.u32 s24;
	s24 =	rddreg [dreg:$0x13];
	[sflag:s6] =	ssyncadd.s32 $0xFFFFD800  }
0x99: {  	[spmem:s24] =	stream.linear.scatter [tilespmem:s5], [sflag:$0x7], $0x2800, $0x38;
	[tilespmem:$0x1D300] =	vst v63  }
0x9a: {  	_ =	swait.ge [sflag:s6], $0x2800  }
0x9b: {  	[sflag:s6] =	ssyncset.done $0x0  }
0x9c: {  	s25 =	rddreg [dreg:$0x14];
	[sflag:s6] =	ssyncadd.s32 $0xFFFFD800  }
0x9d: {  	[spmem:s25] =	stream.linear.scatter [tilespmem:s5], [sflag:$0x7], $0x2800, $0x38;
	[tilespmem:$0x1D300] =	vst v63  }
0x9e: {  	_ =	swait.ge [sflag:s6], $0x2800  }
0x9f: {  	[sflag:s6] =	ssyncset.done $0x0  }
0xa0: {  	s23 =	rddreg [dreg:$0x15];
	[sflag:s6] =	ssyncadd.s32 $0xFFFFD800  }
0xa1: {  	[spmem:s23] =	stream.linear.scatter [tilespmem:s5], [sflag:$0x7], $0x2800, $0x38;
	[tilespmem:$0x1D300] =	vst v63  }
0xa2: {  	_ =	swait.ge [sflag:s6], $0x2800  }
0xa3: {  	[sflag:s6] =	ssyncset.done $0x0  }
0xa4: {  	s24 =	rddreg [dreg:$0x16];
	[sflag:s6] =	ssyncadd.s32 $0xFFFFD800  }
0xa5: {  	[spmem:s24] =	stream.linear.scatter [tilespmem:s5], [sflag:$0x7], $0x2800, $0x38;
	[tilespmem:$0x1D300] =	vst v63  }
0xa6: {  	_ =	swait.ge [sflag:s6], $0x2800  }
0xa7: {  	[sflag:s6] =	ssyncset.done $0x0  }
0xa8: {  	[sflag:s6] =	ssyncadd.s32 $0xFFFFD800  }
0xa9: {  	[spmem:s28] =	stream.linear.scatter [tilespmem:s5], [sflag:$0x7], $0x2800, $0x38;
	[tilespmem:$0x1D300] =	vst v63  }
0xaa: {  	_ =	swait.ge [sflag:s6], $0x2800  }
0xab: {  	[sflag:s6] =	ssyncset.done $0x0  }
0xac: {  	[sflag:s6] =	ssyncadd.s32 $0xFFFFD800  }
0xad: {  	[bflag:$0x0] =	sbarrier.arrive $0xFFFF  }
0xae: {  	s22 =	simm.s32 $0x0;
	s23 =	rddreg [dreg:$0xc]  }
0xaf: {  	[tilespmem:s7], [sflag:$0x7] =	stream.linear.gather [hbm4b:s23+s22], $0x60, $0x38;
	[tilespmem:$0x1D300] =	vst v63  }
0xb0: {  	_ =	swait.ge [sflag:s6], $0x60  }
0xb1: {  	[sflag:s6] =	ssyncset.done $0x0  }
0xb2: {  	s25 =	rddreg [dreg:$0xd];
	[sflag:s6] =	ssyncadd.s32 $0xFFFFFFA0  }
0xb3: {  	[tilespmem:s22], [sflag:$0x7] =	stream.linear.gather [hbm4b:s25+s22], $0x60, $0x38;
	[tilespmem:$0x1D300] =	vst v63  }
0xb4: {  	_ =	swait.ge [sflag:s6], $0x60  }
0xb5: {  	[sflag:s6] =	ssyncset.done $0x0  }
0xb6: {  	[sflag:s6] =	ssyncadd.s32 $0xFFFFFFA0  }
0xb7: {  	[tilespmem:s5], [sflag:$0x1] =	stream.indirect.gather [hbm4b:s13+s8], $0x80, s22, s8, $0xb8;
	[tilespmem:$0x1D300] =	vst v63  }
0xb8: {  	s24 =	rddreg [dreg:$0xe]  }
0xb9: {  	[tilespmem:s9], [sflag:$0x7] =	stream.linear.gather [hbm4b:s24+s22], $0x60, $0x38;
	[tilespmem:$0x1D300] =	vst v63  }
0xba: {  	_ =	swait.ge [sflag:s6], $0x60  }
0xbb: {  	[sflag:s6] =	ssyncset.done $0x0  }
0xbc: {  	s25 =	rddreg [dreg:$0xf];
	[sflag:s6] =	ssyncadd.s32 $0xFFFFFFA0  }
0xbd: {  	[tilespmem:s10], [sflag:$0x7] =	stream.linear.gather [hbm4b:s25+s22], $0x60, $0x38;
	[tilespmem:$0x1D300] =	vst v63  }
0xbe: {  	_ =	swait.ge [sflag:s6], $0x60  }
0xbf: {  	[sflag:s6] =	ssyncset.done $0x0  }
0xc0: {  	s23 =	rddreg [dreg:$0x17];
	[sflag:s6] =	ssyncadd.s32 $0xFFFFFFA0  }
0xc1: {  	[tilespmem:s11], [sflag:$0x2] =	stream.indirect.gather [hbm4b:s13+s8], $0x80, s10, s8, $0xb8;
	[tilespmem:$0x1D300] =	vst v63  }
.LBB2_4:
0xc2: {  	_ =	swait.ge [sflag:s12], $0x3000  }
0xc3: {  	p0 =	seq.s32 s22, $0x0;
	[sflag:s12] =	ssyncset.done $0x0  }
0xc4: {  	s24 =	simm.s32 @!p0 $0x6;
	[sflag:s12] =	ssyncadd.s32 $0xFFFFD000  }
0xc5: {  	[spmem:s2] =	stream.indirect.scatter.add.f32 [tilespmem:s5], [sflag:$0x4], $0x80, s7, s8, $0xb8;
	[tilespmem:$0x1D300] =	vst v63  }
0xc6: {  	_ =	swait.ge @!p0 [sflag:s24], $0x3000  }
0xc7: {  	[sflag:s24] =	ssyncset.done @!p0 $0x0  }
0xc8: {  	s25 =	sadd.s32 s22, s4;
	[sflag:s24] =	ssyncadd.s32 @!p0 $0xFFFFD000  }
0xc9: {  	[tilespmem:s15], [sflag:$0x7] =	stream.linear.gather [hbm4b:s25+s3], $0x60, $0x38;
	[tilespmem:$0x1D300] =	vst v63  }
0xca: {  	_ =	swait.ge [sflag:s6], $0x60  }
0xcb: {  	[sflag:s6] =	ssyncset.done $0x0  }
0xcc: {  	s25 =	sadd.s32 s22, s0;
	[sflag:s6] =	ssyncadd.s32 $0xFFFFFFA0  }
0xcd: {  	[tilespmem:s16], [sflag:$0x7] =	stream.linear.gather [hbm4b:s25+s3], $0x60, $0x38;
	[tilespmem:$0x1D300] =	vst v63  }
0xce: {  	_ =	swait.ge [sflag:s6], $0x60  }
0xcf: {  	[sflag:s6] =	ssyncset.done $0x0  }
0xd0: {  	p0 =	seq.s32 s22, $0x4C8;
	[sflag:s6] =	ssyncadd.s32 $0xFFFFFFA0  }
0xd1: {  	[tilespmem:s17], [sflag:$0x3] =	stream.indirect.gather [hbm4b:s13+s8], $0x80, s16, s8, $0xb8;
	[tilespmem:$0x1D300] =	vst v63  }
.Ltmp3:
0xd2: {  	_ = 	snop;
	(pc) =	sbr.rel @p0 .LBB2_6-.Ltmp3, $4  }
0xd3: {  	_ =	swait.ge [sflag:s18], $0x3000  }
0xd4: {  	[sflag:s18] =	ssyncset.done $0x0  }
0xd5: {  	[sflag:s18] =	ssyncadd.s32 $0xFFFFD000  }
0xd6: {  	[spmem:s2] =	stream.indirect.scatter.add.f32 [tilespmem:s11], [sflag:$0x5], $0x80, s9, s8, $0xb8;
	[tilespmem:$0x1D300] =	vst v63  }
0xd7: {  	_ =	swait.ge [sflag:s31], $0x3000  }
0xd8: {  	s24 =	sshrl.u32 s23, $0x3;
	[sflag:s31] =	ssyncset.done $0x0  }
0xd9: {  	s25 =	sadd.s32 s1, s24;
	[sflag:s31] =	ssyncadd.s32 $0xFFFFD000  }
0xda: {  	[tilespmem:s7], [sflag:$0x7] =	stream.linear.gather [hbm4b:s25+s3], $0x60, $0x38;
	[tilespmem:$0x1D300] =	vst v63  }
0xdb: {  	_ =	swait.ge [sflag:s6], $0x60  }
0xdc: {  	[sflag:s6] =	ssyncset.done $0x0  }
0xdd: {  	s24 =	sadd.s32 s14, s24;
	[sflag:s6] =	ssyncadd.s32 $0xFFFFFFA0  }
0xde: {  	[tilespmem:s3], [sflag:$0x7] =	stream.linear.gather [hbm4b:s24+s3], $0x60, $0x38;
	[tilespmem:$0x1D300] =	vst v63  }
0xdf: {  	_ =	swait.ge [sflag:s6], $0x60  }
0xe0: {  	[sflag:s6] =	ssyncset.done $0x0  }
0xe1: {  	[sflag:s6] =	ssyncadd.s32 $0xFFFFFFA0  }
0xe2: {  	[tilespmem:s5], [sflag:$0x1] =	stream.indirect.gather [hbm4b:s13+s8], $0x80, s3, s8, $0xb8;
	[tilespmem:$0x1D300] =	vst v63  }
0xe3: {  	_ =	swait.ge [sflag:s20], $0x3000  }
0xe4: {  	[sflag:s20] =	ssyncset.done $0x0  }
0xe5: {  	[sflag:s20] =	ssyncadd.s32 $0xFFFFD000  }
0xe6: {  	[spmem:s2] =	stream.indirect.scatter.add.f32 [tilespmem:s17], [sflag:$0x6], $0x80, s15, s8, $0xb8;
	[tilespmem:$0x1D300] =	vst v63  }
0xe7: {  	_ =	swait.ge [sflag:s19], $0x3000  }
0xe8: {  	[sflag:s19] =	ssyncset.done $0x0  }
0xe9: {  	s25 =	sadd.s32 s22, s30;
	[sflag:s19] =	ssyncadd.s32 $0xFFFFD000  }
0xea: {  	[tilespmem:s9], [sflag:$0x7] =	stream.linear.gather [hbm4b:s25+s3], $0x60, $0x38;
	[tilespmem:$0x1D300] =	vst v63  }
0xeb: {  	_ =	swait.ge [sflag:s6], $0x60  }
0xec: {  	[sflag:s6] =	ssyncset.done $0x0  }
0xed: {  	s25 =	sadd.s32 s22, s29;
	[sflag:s6] =	ssyncadd.s32 $0xFFFFFFA0  }
0xee: {  	[tilespmem:s10], [sflag:$0x7] =	stream.linear.gather [hbm4b:s25+s3], $0x60, $0x38;
	[tilespmem:$0x1D300] =	vst v63  }
.Ltmp4:
0xef: {  	_ = 	snop;
	(pc) =	sbr.rel .LBB2_4-.Ltmp4, $4  }
0xf0: {  	_ =	swait.ge [sflag:s6], $0x60  }
0xf1: {  	[sflag:s6] =	ssyncset.done $0x0  }
0xf2: {  	s23 =	sadd.s32 $0x120, s23;
	s22 =	sadd.s32 $0x24, s22;
	[sflag:s6] =	ssyncadd.s32 $0xFFFFFFA0  }
0xf3: {  	[tilespmem:s11], [sflag:$0x2] =	stream.indirect.gather [hbm4b:s13+s8], $0x80, s10, s8, $0xb8;
	[tilespmem:$0x1D300] =	vst v63  }
.LBB2_7:
0xf4: {  	_ =	sfence.sel $0x180000  }
0xf5: {  	[bflag:$0x0] =	sbarrier.arrive $0xFFFF  }
0xf6: {  	_ =	strace $0x9000004D  }
0xf7: {  	s0 =	stileid.u32;
	[bflag:$0x2] =	sbarrier.arrive $0xFFFF  }
0xf8: {  	p0 =	sne.s32 s0, $0x0;
	s0 =	rddreg [dreg:$0x3]  }
0xf9: {  	s0 =	sadd.s32 @!p0 $0x100000, s0  }
0xfa: {  	[sflag:s0] =	ssyncadd.tile.s32 @!p0 $0x1;
	_ =	shalt  }
.Lfunc_end2:
_tile_overlayer_lowered:
.L_overlay_start_2:
0xfb: {  	(tag) =	ssettag $0x2  }
0xfc: {  	s0 =	rddreg [dreg:$0x0];
	s2 =	stileid.u32  }
0xfd: {  	s1 =	rddreg [dreg:$0x1];
	p0 =	sne.s32 s2, $0x0  }
0xfe: {  	s3 =	rddreg [dreg:$0x2];
	[bflag:$0x3] =	sbarrier.arrive $0xFFFF;
	s2 =	simm.s32 @!p0 $0x1C07  }
0xff: {  	[timem:s3], [sflag:s2] =	dma.local @!p0 [hbm:s0], s1  }
0x100: {  	s0 =	simm.s32 @!p0 $0x7  }
0x101: {  	_ =	swait.ge @!p0 [sflag:s0], s1  }
0x102: {  	s1 =	ssub.s32 @!p0 $0x0, s1;
	[sflag:s0] =	ssyncset.done @!p0 $0x0  }
0x103: {  	[sflag:s0] =	ssyncadd.s32 @!p0 s1  }
0x104: {  	[bflag:$0x3] =	sbarrier.arrive $0xFFFF  }
0x105: {  	_ =	shalt  }

// kernel: kernel.19.cloned.1.call-start
scs
__scs_entry_jumppad:
0x0: {  	(pc) =	sbr.rel $0x88, $3  }
0x1: {  	(tag) =	ssettag $0x0;
	lr =	simm.s32 $0x1  }
0x2: {  	[smem:$0x3F99] =	sst lr;
	_ =	strace $0xD0000000  }
0x3: {  	_ = 	snop  }
0x4: {  	_ = 	snop  }
0x5: {  	_ = 	snop  }
0x6: {  	_ = 	snop  }
0x7: {  	_ = 	snop  }
__scs_overlays_trampoline_lowered:
0x8: {  	[smem:$0x3FA8] =	sst s0  }
0x9: {  	[smem:$0x3FA9] =	sst s1  }
0xa: {  	[smem:$0x3FAA] =	sst s2  }
0xb: {  	[smem:$0x3FAB] =	sst s3  }
0xc: {  	[smem:$0x3FAC] =	sst s4  }
0xd: {  	[smem:$0x3FAD] =	sst s5  }
0xe: {  	[smem:$0x3FAE] =	sst s6  }
0xf: {  	[smem:$0x3FAF] =	sst s7  }
0x10: {  	[smem:$0x3FB0] =	sst s8  }
0x11: {  	[smem:$0x3FB1] =	sst s9;
	s0 =	simm.s32 @!p0 $0x0  }
0x12: {  	s1 =	sld [smem:$0x3F97];
	s0 =	simm.s32 @p0 $0x1  }
0x13: {  	[smem:$0x3FB2] =	sst s0;
	s0 =	simm.s32 @!p1 $0x0  }
0x14: {  	s2 =	sld [smem:$0x3F96];
	s0 =	simm.s32 @p1 $0x1  }
0x15: {  	[smem:$0x3FB3] =	sst s0;
	s0 =	simm.s32 @!p2 $0x0  }
0x16: {  	s3 =	sld [smem:$0x3FDB];
	s0 =	simm.s32 @p2 $0x1  }
0x17: {  	s4 =	simm.s32 $0x1BF5;
	[smem:$0x3FB5] =	sst s0  }
0x18: {  	s0 =	sld [smem:$0x3F98];
	_ =	swait.ge [sflag:s4], $0x0  }
0x19: {  	s7 =	sld [smem:$0x3F99]  }
0x1a: {  	s8 =	sadd.s32 $0xFFFFE003, lr  }
0x1b: {  	s9 =	sadd.s32 $0xFFFFFEF7, lr;
	s5 =	simm.s32 $0xFFFFFFFF;
	p2 =	slt.u32 s8, $0xFFFFF086  }
0x1c: {  	p1 =	slt.u32 s9, $0xF7A;
	s5 =	simm.s32 @!p2 $0x0  }
0x1d: {  	s5 =	simm.s32 @p1 $0x1;
	p0 =	seq.s32 s7, s2  }
0x1e: {  	s7 =	smul.u32 @!p0 $0xF7A, s2;
	p2 =	seq.s32 @!p0 s5, $0x0  }
0x1f: {  	s9 =	smul.u32 $0xF7A, s1;
	s8 =	simm.s32 @!p0 $0x1BF5;
	p2 =	por !p2, p0  }
0x20: {  	[sflag:s8] =	ssyncset.s32 @!p0 $0xFFFFF086;
	s6 =	sadd.s32 @!p0 s3, s7;
	s7 =	simm.s32 @!p0 $0x108  }
0x21: {  	s3 =	sadd.s32 s3, s9;
	s6 =	sadd.s32 @!p0 $0x88, s6;
	s7 =	simm.s32 @p2 $0x1082  }
0x22: {  	[simem:s7], [sflag:s8] =	dma.local @!p0 [hbm:s6], $0xF7A  }
0x23: {  	s9 =	sor.u32 $0xD0000000, s2;
	s6 =	simm.s32 $0x108;
	_ =	swait.ge @!p0 [sflag:s8], $0x0  }
0x24: {  	s3 =	sadd.s32 $0x88, s3;
	s6 =	simm.s32 @!p1 $0x1082;
	[sflag:s4] =	ssyncset.s32 $0xFFFFF086  }
0x25: {  	[simem:s6], [sflag:s4] =	dma.local [hbm:s3], $0xF7A  }
0x26: {  	[smem:$0x3F99] =	sst s1;
	(tag) =	ssettag s2;
	_ =	strace s9  }
0x27: {  	s1 =	sld [smem:$0x3FA9]  }
0x28: {  	s2 =	sld [smem:$0x3FAA]  }
0x29: {  	s4 =	sld [smem:$0x3FAC]  }
0x2a: {  	p0 =	seq.s32 s5, $0x0;
	s5 =	sld [smem:$0x3FAD]  }
0x2b: {  	s6 =	sld [smem:$0x3FAE]  }
0x2c: {  	s7 =	sld [smem:$0x3FAF]  }
0x2d: {  	s3 =	simm.s32 $0x108;
	s8 =	sld [smem:$0x3FB0]  }
0x2e: {  	s3 =	simm.s32 @!p0 $0x1082;
	s9 =	sld [smem:$0x3FB1]  }
0x2f: {  	lr =	sadd.s32 s0, s3;
	s0 =	sld [smem:$0x3FA8]  }
0x30: {  	s3 =	sld [smem:$0x3FAB]  }
0x31: {  	[smem:$0x3FB4] =	sst s10  }
0x32: {  	s10 =	sld [smem:$0x3FB2];
	_ =	sdelay $0x3  }
0x33: {  	p0 =	seq.s32 s10, $0x1;
	s10 =	sld [smem:$0x3FB4];
	_ =	sdelay $0x3  }
0x34: {  	[smem:$0x3FB4] =	sst s10  }
0x35: {  	s10 =	sld [smem:$0x3FB3];
	_ =	sdelay $0x3  }
0x36: {  	p1 =	seq.s32 s10, $0x1;
	s10 =	sld [smem:$0x3FB4];
	_ =	sdelay $0x3  }
0x37: {  	[smem:$0x3FB4] =	sst s10  }
0x38: {  	s10 =	sld [smem:$0x3FB5]  }
0x39: {  	_ = 	snop;
	(pc) =	sbr.ind lr, $3  }
0x3a: {  	_ = 	snop  }
0x3b: {  	_ = 	snop  }
0x3c: {  	p2 =	seq.s32 s10, $0x1;
	s10 =	sld [smem:$0x3FB4]  }
0x3d: {  	_ =	shalt  }
0x3e: {  	_ =	shalt  }
0x3f: {  	_ =	shalt  }
0x40: {  	_ =	shalt  }
0x41: {  	_ =	shalt  }
0x42: {  	_ =	shalt  }
0x43: {  	_ =	shalt  }
0x44: {  	_ =	shalt  }
0x45: {  	_ =	shalt  }
0x46: {  	_ =	shalt  }
0x47: {  	_ =	shalt  }
0x48: {  	_ =	shalt  }
0x49: {  	_ =	shalt  }
0x4a: {  	_ =	shalt  }
0x4b: {  	_ =	shalt  }
0x4c: {  	_ =	shalt  }
0x4d: {  	_ =	shalt  }
0x4e: {  	_ =	shalt  }
0x4f: {  	_ =	shalt  }
0x50: {  	_ =	shalt  }
0x51: {  	_ =	shalt  }
0x52: {  	_ =	shalt  }
0x53: {  	_ =	shalt  }
0x54: {  	_ =	shalt  }
0x55: {  	_ =	shalt  }
0x56: {  	_ =	shalt  }
0x57: {  	_ =	shalt  }
0x58: {  	_ =	shalt  }
0x59: {  	_ =	shalt  }
0x5a: {  	_ =	shalt  }
0x5b: {  	_ =	shalt  }
0x5c: {  	_ =	shalt  }
0x5d: {  	_ =	shalt  }
0x5e: {  	_ =	shalt  }
0x5f: {  	_ =	shalt  }
0x60: {  	_ =	shalt  }
0x61: {  	_ =	shalt  }
0x62: {  	_ =	shalt  }
0x63: {  	_ =	shalt  }
0x64: {  	_ =	shalt  }
0x65: {  	_ =	shalt  }
0x66: {  	_ =	shalt  }
0x67: {  	_ =	shalt  }
0x68: {  	_ =	shalt  }
0x69: {  	_ =	shalt  }
0x6a: {  	_ =	shalt  }
0x6b: {  	_ =	shalt  }
0x6c: {  	_ =	shalt  }
0x6d: {  	_ =	shalt  }
0x6e: {  	_ =	shalt  }
0x6f: {  	_ =	shalt  }
0x70: {  	_ =	shalt  }
0x71: {  	_ =	shalt  }
0x72: {  	_ =	shalt  }
0x73: {  	_ =	shalt  }
0x74: {  	_ =	shalt  }
0x75: {  	_ =	shalt  }
0x76: {  	_ =	shalt  }
0x77: {  	_ =	shalt  }
0x78: {  	_ =	shalt  }
0x79: {  	_ =	shalt  }
0x7a: {  	_ =	shalt  }
0x7b: {  	_ =	shalt  }
0x7c: {  	_ =	shalt  }
0x7d: {  	_ =	shalt  }
0x7e: {  	_ =	shalt  }
0x7f: {  	_ =	shalt  }
0x80: {  	_ =	shalt  }
0x81: {  	_ =	shalt  }
0x82: {  	_ =	shalt  }
0x83: {  	_ =	shalt  }
0x84: {  	_ =	shalt  }
0x85: {  	_ =	shalt  }
0x86: {  	_ =	shalt  }
0x87: {  	_ =	shalt  }
.Lfunc_end0:
.L_simem_size_0:
called_computation.3_lowered:
.L_overlay_start_0:
0x88: {  	s2 =	sld [smem:$0x3FD9]  }
0x89: {  	s3 =	sld [smem:$0x3FFE];
	_ =	sdelay $0x1  }
0x8a: {  	s1 =	srdreg.scid  }
0x8b: {  	s0 =	sand.u32 $0x1, s1  }
0x8c: {  	s17 =	sshll.u32 s0, $0xA;
	s2 =	sadd.s32 s3, s2  }
0x8d: {  	s2 =	sadd.s32 s2, s17  }
0x8e: {  	[smem:$0x3FC0] =	sst s2  }
0x8f: {  	_ = 	snop  }
0x90: {  	s2 =	sld [smem:$0x3FD0];
	(tm) =	ssettm $0x1  }
0x91: {  	s18 =	sld [smem:$0x3FFB];
	_ =	sdelay $0x3  }
0x92: {  	_ =	strace s18  }
0x93: {  	s3 =	sld [smem:$0x3FFC];
	_ =	sdelay $0x3  }
0x94: {  	_ =	strace s3  }
0x95: {  	s3 =	sld [smem:$0x3FFD];
	_ =	sdelay $0x3  }
0x96: {  	_ =	strace s3  }
0x97: {  	_ =	strace $0x8FFFFFFF  }
0x98: {  	s19 =	sld [smem:$0x3FDB];
	_ =	sdelay $0x1  }
0x99: {  	s4 =	simm.s32 $_scs_section_size  }
0x9a: {  	s5 =	simm.s32 $_size__tile_overlayer_lowered;
	s6 =	simm.s32 $_tile_overlayer_lowered  }
0x9b: {  	s22 =	simm.s32 $0x1BFF;
	s21 =	sshll.u32 s6, $0x1;
	s3 =	sadd.s32 s4, s19  }
0x9c: {  	s7 =	simm.s32 $0x0;
	s20 =	sshll.u32 s5, $0x1;
	s5 =	sadd.s32 s21, s3  }
0x9d: {  	[timem:s7], [sflag:s22] =	dma.local [hbm:s5], s20  }
0x9e: {  	_ =	swait.ge [sflag:s22], s20  }
0x9f: {  	s4 =	ssub.s32 $0x0, s20;
	[sflag:s22] =	ssyncset.done $0x0  }
0xa0: {  	[sflag:s22] =	ssyncadd.s32 s4;
	_ =	sdelay $0x1  }
0xa1: {  	s23 =	simm.s32 $0x1B8B  }
0xa2: {  	_ =	swait.ge [sflag:s23], $0x1  }
0xa3: {  	[sflag:s23] =	ssyncset.done $0x0  }
0xa4: {  	s25 =	simm.s32 $0x1B8E;
	s24 =	sld [smem:$0x3FFE];
	[sflag:s23] =	ssyncadd.s32 $0xFFFFFFFF  }
0xa5: {  	s26 =	simm.s32 $execute0_lowered;
	[smem:$0x3FD2] =	sst s25  }
0xa6: {  	s5 =	sshll.u32 s26, $0x1;
	_ =	strace $0x8000004F;
	[dreg:$0x1] =	wrdreg $0xFFFFFFFF  }
0xa7: {  	s28 =	simm.s32 $_size_execute0_lowered;
	s3 =	sadd.s32 s3, s5;
	[dreg:$0x0] =	wrdreg $0x0  }
0xa8: {  	s5 =	sshll.u32 s28, $0x1;
	[dreg:$0x2] =	wrdreg s3  }
0xa9: {  	[dreg:$0x3] =	wrdreg s5  }
0xaa: {  	[dreg:$0x4] =	wrdreg $0xC0  }
0xab: {  	_ =	task [dreg:s7], $0x5FFFF  }
0xac: {  	[dreg:$0x1] =	wrdreg $0xFFFFFFFF  }
0xad: {  	[dreg:$0x0] =	wrdreg $0x60  }
0xae: {  	[dreg:$0x2] =	wrdreg s24  }
0xaf: {  	[dreg:$0x3] =	wrdreg s2  }
0xb0: {  	[dreg:$0x4] =	wrdreg $0x93000  }
0xb1: {  	[dreg:$0x5] =	wrdreg $0x9  }
0xb2: {  	_ =	task.clear_ibuf [dreg:s7], $0x6FFFF;
	_ =	strace $0x9000004F  }
0xb3: {  	s29 =	simm.s32 $0x9;
	_ =	strace $0x80000051  }
0xb4: {  	_ =	swait.ge [sflag:s29], $0x1  }
0xb5: {  	[sflag:s29] =	ssyncadd.s32 $0xFFFFFFFF  }
0xb6: {  	_ =	strace $0x90000051  }
0xb7: {  	_ =	sfence  }
0xb8: {  	s30 =	sld [smem:$0x0];
	_ =	sdelay $0x2  }
0xb9: {  	s31 =	sshll.u32 s1, $0xD;
	s1 =	sshrl.u32 s1, $0x2  }
0xba: {  	s3 =	sand.u32 $0x4000, s31;
	s1 =	sadd.s32 s1, s30  }
0xbb: {  	s0 =	sor.u32 s3, s0;
	s1 =	sshll.u32 s1, $0x11  }
0xbc: {  	s0 =	sor.u32 s1, s0  }
0xbd: {  	s0 =	sadd.s32 $0x8F2B, s0  }
0xbe: {  	[sflag:s0] =	ssyncadd.remote.s32 $0x1  }
0xbf: {  	_ =	sfence.sel $0xFFFF  }
0xc0: {  	[dreg:$0x0] =	wrdreg $0xFFFFFFFF;
	(pc) =	sbr.abs _section_cstart, $3  }
0xc1: {  	[dreg:$0x1] =	wrdreg $0xFFFFFFFF  }
0xc2: {  	_ =	task.clear_ibuf [dreg:s7], $0x2FFFF;
	_ =	strace $0x9FFFFFFF  }
0xc3: {  	(tm) =	ssettm $0x7FFFFFFF  }
tec
execute0_lowered:
.L_overlay_start_1:
0x0: {  	(tag) =	ssettag $0x1  }
0x1: {  	s0 =	rddreg [dreg:$0x0]  }
0x2: {  	s1 =	rddreg [dreg:$0x1]  }
0x3: {  	s2 =	rddreg [dreg:$0x2]  }
0x4: {  	s3 =	simm.s32 $0x0;
	s4 =	srdreg.scid;
	s19 =	stileid.u32  }
0x5: {  	s31 =	simm.s32 $0x4;
	[smem:$0x7FF] =	sst s3;
	s4 =	sand.u32 $0x1, s4  }
0x6: {  	s7 =	smul.u32 $0x14000, s19;
	s8 =	sadd.s32 $0x5E200, s0;
	_ =	strace $0x80000050  }
0x7: {  	s5 =	sshll.u32 s4, $0x4;
	s6 =	ssub.s32 $0x2, s4;
	s21 =	smul.u32 $0x140000, s4  }
0x8: {  	s4 =	smul.u32 $0x27600, s4;
	s5 =	sor.u32 s19, s5;
	s9 =	sshrl.u32 s6, $0x1  }
0x9: {  	s10 =	sor.u32 $0x2800, s7;
	s11 =	sadd.s32 $0x5000, s7;
	s12 =	sadd.s32 $0x7800, s7  }
0xa: {  	s15 =	sadd.s32 $0xA000, s7;
	s16 =	sadd.s32 $0xC800, s7;
	s17 =	sadd.s32 $0xF000, s7  }
0xb: {  	s18 =	sadd.s32 $0x11800, s7;
	s5 =	smul.u32 $0x2760, s5;
	s6 =	ssub.s32 s6, s9  }
0xc: {  	s7 =	sadd.s32 s21, s7;
	s13 =	sadd.s32 s21, s10;
	s14 =	sadd.s32 s21, s11  }
0xd: {  	s24 =	sadd.s32 s21, s12;
	s25 =	sadd.s32 s21, s15;
	s26 =	sadd.s32 s21, s16  }
0xe: {  	s20 =	sadd.s32 s21, s17;
	s9 =	sadd.s32 s21, s18;
	s21 =	smul.u32 $0x2760, s19  }
0xf: {  	s10 =	sadd.s32 s10, s2;
	s11 =	sadd.s32 s11, s2;
	s28 =	sadd.s32 s18, s2  }
0x10: {  	s18 =	simm.s32 $0x2;
	s7 =	sshrl.u32 s7, $0x3;
	s13 =	sshrl.u32 s13, $0x3  }
0x11: {  	s14 =	sshrl.u32 s14, $0x3;
	s9 =	sshrl.u32 s9, $0x3;
	[dreg:$0x11] =	wrdreg s10  }
0x12: {  	[dreg:$0x12] =	wrdreg s11;
	s10 =	simm.s32 $0x80;
	s11 =	simm.s32 $0x3300  }
0x13: {  	s7 =	sadd.s32 s8, s7;
	s22 =	sadd.s32 s8, s13;
	s23 =	sadd.s32 s8, s14  }
0x14: {  	s13 =	sshrl.u32 s25, $0x3;
	s14 =	sshrl.u32 s26, $0x3;
	[dreg:$0x4] =	wrdreg s7  }
0x15: {  	s5 =	sshrl.u32 s5, $0x3;
	s4 =	sadd.s32 s21, s4;
	[dreg:$0x5] =	wrdreg s22  }
0x16: {  	s21 =	sadd.s32 s16, s2;
	s16 =	simm.s32 $0x100;
	[dreg:$0x6] =	wrdreg s23  }
0x17: {  	s7 =	sshrl.u32 s24, $0x3;
	s13 =	sadd.s32 s8, s13;
	s14 =	sadd.s32 s8, s14  }
0x18: {  	s22 =	sadd.s32 s8, s9;
	s23 =	smul.u32 $0x50000, s19;
	[dreg:$0x15] =	wrdreg s21  }
0x19: {  	s24 =	sadd.s32 s1, s5;
	s25 =	sadd.s32 $0xC, s5;
	[dreg:$0x8] =	wrdreg s13  }
0x1a: {  	s9 =	smax.u32 s6, $0x1;
	s19 =	sadd.s32 s12, s2;
	[dreg:$0x9] =	wrdreg s14  }
0x1b: {  	s6 =	simm.s32 $0x7;
	s12 =	simm.s32 $0x1;
	[dreg:$0xb] =	wrdreg s22  }
0x1c: {  	s21 =	simm.s32 $0x0;
	s7 =	sadd.s32 s8, s7;
	[dreg:$0xc] =	wrdreg s24  }
0x1d: {  	s13 =	sadd.s32 $0x4400, s0;
	s14 =	sadd.s32 $0x54400, s0;
	[dreg:$0x10] =	wrdreg s9  }
0x1e: {  	[dreg:$0x13] =	wrdreg s19;
	s22 =	sadd.s32 $0x180, s4;
	s9 =	simm.s32 $0x200  }
0x1f: {  	s19 =	simm.s32 $0x5;
	[dreg:$0x7] =	wrdreg s7;
	s7 =	sshrl.u32 s20, $0x3  }
0x20: {  	s5 =	sadd.s32 s14, s5;
	s26 =	sshrl.u32 s23, $0x2;
	s0 =	sadd.s32 s14, s25  }
0x21: {  	s20 =	sadd.s32 s15, s2;
	s23 =	sadd.s32 s17, s2;
	[dreg:$0xd] =	wrdreg s5  }
0x22: {  	s15 =	simm.s32 $0x280;
	s17 =	simm.s32 $0x6300;
	[dreg:$0xf] =	wrdreg s0  }
0x23: {  	s7 =	sadd.s32 s8, s7;
	s8 =	sadd.s32 s1, s25;
	[dreg:$0x14] =	wrdreg s20  }
0x24: {  	s24 =	sadd.s32 s26, s2;
	[dreg:$0x16] =	wrdreg s23;
	s0 =	sshrl.u32 s22, $0x3  }
.Ltmp0:
0x25: {  	s25 =	sadd.s32 $0xC0, s4;
	[dreg:$0xa] =	wrdreg s7;
	(pc) =	sbr.rel .LBB2_1-.Ltmp0, $4  }
0x26: {  	s26 =	sadd.s32 $0x120, s4;
	s20 =	simm.s32 $0x3;
	[dreg:$0xe] =	wrdreg s8  }
0x27: {  	s5 =	sshrl.u32 s25, $0x3;
	s29 =	sadd.s32 s0, s14;
	s30 =	sadd.s32 s0, s1  }
0x28: {  	[dreg:$0x17] =	wrdreg s26;
	s7 =	simm.s32 $0x180;
	s8 =	simm.s32 $0x60  }
0x29: {  	v0 =	vimm.f32 $0.0e+00;
	s0 =	sadd.s32 s5, s14;
	s4 =	sadd.s32 s5, s1;
	s5 =	simm.s32 $0x300  }
.LBB2_6:
0x2a: {  	_ =	swait.ge [sflag:s20], $0x3000  }
0x2b: {  	[sflag:s20] =	ssyncset.done $0x0  }
0x2c: {  	[sflag:s20] =	ssyncadd.s32 $0xFFFFD000  }
0x2d: {  	[spmem:s2] =	stream.indirect.scatter.add.f32 [tilespmem:s17], [sflag:$0x6], $0x80, s15, s8, $0xb8;
	[tilespmem:$0x1D300] =	vst v63  }
0x2e: {  	_ =	swait.ge [sflag:s31], $0x3000  }
0x2f: {  	[sflag:s31] =	ssyncset.done $0x0  }
0x30: {  	[sflag:s31] =	ssyncadd.s32 $0xFFFFD000  }
0x31: {  	_ =	swait.ge [sflag:s19], $0x3000  }
0x32: {  	[sflag:s19] =	ssyncset.done $0x0  }
0x33: {  	s22 =	simm.s32 $0x6;
	[sflag:s19] =	ssyncadd.s32 $0xFFFFD000  }
0x34: {  	_ =	swait.ge [sflag:s22], $0x3000  }
0x35: {  	[sflag:s22] =	ssyncset.done $0x0  }
0x36: {  	[sflag:s22] =	ssyncadd.s32 $0xFFFFD000  }
0x37: {  	[bflag:$0x0] =	sbarrier.arrive $0xFFFF  }
0x38: {  	[tilespmem:s5], [sflag:$0x7] =	stream.linear.gather [spmem:s26], $0x2800, $0x38;
	[tilespmem:$0x1D300] =	vst v63  }
0x39: {  	_ =	swait.ge [sflag:s6], $0x2800  }
0x3a: {  	[sflag:s6] =	ssyncset.done $0x0  }
0x3b: {  	s23 =	rddreg [dreg:$0x4];
	[sflag:s6] =	ssyncadd.s32 $0xFFFFD800  }
0x3c: {  	[hbm4b:s23+s3] =	stream.linear.scatter [tilespmem:s5], [sflag:$0x7], $0x2800, $0x38;
	[tilespmem:$0x1D300] =	vst v63  }
0x3d: {  	_ =	swait.ge [sflag:s6], $0x2800  }
0x3e: {  	[sflag:s6] =	ssyncset.done $0x0  }
0x3f: {  	s25 =	rddreg [dreg:$0x11];
	[sflag:s6] =	ssyncadd.s32 $0xFFFFD800  }
0x40: {  	[tilespmem:s5], [sflag:$0x7] =	stream.linear.gather [spmem:s25], $0x2800, $0x38;
	[tilespmem:$0x1D300] =	vst v63  }
0x41: {  	_ =	swait.ge [sflag:s6], $0x2800  }
0x42: {  	[sflag:s6] =	ssyncset.done $0x0  }
0x43: {  	s24 =	smov.u32 s26;
	s26 =	rddreg [dreg:$0x5];
	[sflag:s6] =	ssyncadd.s32 $0xFFFFD800  }
0x44: {  	[hbm4b:s26+s3] =	stream.linear.scatter [tilespmem:s5], [sflag:$0x7], $0x2800, $0x38;
	[tilespmem:$0x1D300] =	vst v63  }
0x45: {  	_ =	swait.ge [sflag:s6], $0x2800  }
0x46: {  	[sflag:s6] =	ssyncset.done $0x0  }
0x47: {  	s23 =	rddreg [dreg:$0x12];
	[sflag:s6] =	ssyncadd.s32 $0xFFFFD800  }
0x48: {  	[tilespmem:s5], [sflag:$0x7] =	stream.linear.gather [spmem:s23], $0x2800, $0x38;
	[tilespmem:$0x1D300] =	vst v63  }
0x49: {  	_ =	swait.ge [sflag:s6], $0x2800  }
0x4a: {  	[sflag:s6] =	ssyncset.done $0x0  }
0x4b: {  	s25 =	rddreg [dreg:$0x6];
	[sflag:s6] =	ssyncadd.s32 $0xFFFFD800  }
0x4c: {  	[hbm4b:s25+s3] =	stream.linear.scatter [tilespmem:s5], [sflag:$0x7], $0x2800, $0x38;
	[tilespmem:$0x1D300] =	vst v63  }
0x4d: {  	_ =	swait.ge [sflag:s6], $0x2800  }
0x4e: {  	[sflag:s6] =	ssyncset.done $0x0  }
0x4f: {  	s26 =	rddreg [dreg:$0x13];
	[sflag:s6] =	ssyncadd.s32 $0xFFFFD800  }
0x50: {  	[tilespmem:s5], [sflag:$0x7] =	stream.linear.gather [spmem:s26], $0x2800, $0x38;
	[tilespmem:$0x1D300] =	vst v63  }
0x51: {  	_ =	swait.ge [sflag:s6], $0x2800  }
0x52: {  	[sflag:s6] =	ssyncset.done $0x0  }
0x53: {  	s23 =	rddreg [dreg:$0x7];
	[sflag:s6] =	ssyncadd.s32 $0xFFFFD800  }
0x54: {  	[hbm4b:s23+s3] =	stream.linear.scatter [tilespmem:s5], [sflag:$0x7], $0x2800, $0x38;
	[tilespmem:$0x1D300] =	vst v63  }
0x55: {  	_ =	swait.ge [sflag:s6], $0x2800  }
0x56: {  	[sflag:s6] =	ssyncset.done $0x0  }
0x57: {  	s25 =	rddreg [dreg:$0x14];
	[sflag:s6] =	ssyncadd.s32 $0xFFFFD800  }
0x58: {  	[tilespmem:s5], [sflag:$0x7] =	stream.linear.gather [spmem:s25], $0x2800, $0x38;
	[tilespmem:$0x1D300] =	vst v63  }
0x59: {  	_ =	swait.ge [sflag:s6], $0x2800  }
0x5a: {  	[sflag:s6] =	ssyncset.done $0x0  }
0x5b: {  	s26 =	rddreg [dreg:$0x8];
	[sflag:s6] =	ssyncadd.s32 $0xFFFFD800  }
0x5c: {  	[hbm4b:s26+s3] =	stream.linear.scatter [tilespmem:s5], [sflag:$0x7], $0x2800, $0x38;
	[tilespmem:$0x1D300] =	vst v63  }
0x5d: {  	_ =	swait.ge [sflag:s6], $0x2800  }
0x5e: {  	[sflag:s6] =	ssyncset.done $0x0  }
0x5f: {  	s23 =	rddreg [dreg:$0x15];
	[sflag:s6] =	ssyncadd.s32 $0xFFFFD800  }
0x60: {  	[tilespmem:s5], [sflag:$0x7] =	stream.linear.gather [spmem:s23], $0x2800, $0x38;
	[tilespmem:$0x1D300] =	vst v63  }
0x61: {  	_ =	swait.ge [sflag:s6], $0x2800  }
0x62: {  	[sflag:s6] =	ssyncset.done $0x0  }
0x63: {  	s25 =	rddreg [dreg:$0x9];
	[sflag:s6] =	ssyncadd.s32 $0xFFFFD800  }
0x64: {  	[hbm4b:s25+s3] =	stream.linear.scatter [tilespmem:s5], [sflag:$0x7], $0x2800, $0x38;
	[tilespmem:$0x1D300] =	vst v63  }
0x65: {  	_ =	swait.ge [sflag:s6], $0x2800  }
0x66: {  	[sflag:s6] =	ssyncset.done $0x0  }
0x67: {  	s26 =	rddreg [dreg:$0x16];
	[sflag:s6] =	ssyncadd.s32 $0xFFFFD800  }
0x68: {  	[tilespmem:s5], [sflag:$0x7] =	stream.linear.gather [spmem:s26], $0x2800, $0x38;
	[tilespmem:$0x1D300] =	vst v63  }
0x69: {  	_ =	swait.ge [sflag:s6], $0x2800  }
0x6a: {  	[sflag:s6] =	ssyncset.done $0x0  }
0x6b: {  	s23 =	rddreg [dreg:$0xa];
	[sflag:s6] =	ssyncadd.s32 $0xFFFFD800  }
0x6c: {  	[hbm4b:s23+s3] =	stream.linear.scatter [tilespmem:s5], [sflag:$0x7], $0x2800, $0x38;
	[tilespmem:$0x1D300] =	vst v63  }
0x6d: {  	_ =	swait.ge [sflag:s6], $0x2800  }
0x6e: {  	[sflag:s6] =	ssyncset.done $0x0  }
0x6f: {  	[sflag:s6] =	ssyncadd.s32 $0xFFFFD800  }
0x70: {  	[tilespmem:s5], [sflag:$0x7] =	stream.linear.gather [spmem:s28], $0x2800, $0x38;
	[tilespmem:$0x1D300] =	vst v63  }
0x71: {  	_ =	swait.ge [sflag:s6], $0x2800  }
0x72: {  	[sflag:s6] =	ssyncset.done $0x0  }
0x73: {  	s25 =	rddreg [dreg:$0xb];
	[sflag:s6] =	ssyncadd.s32 $0xFFFFD800  }
0x74: {  	[hbm4b:s25+s3] =	stream.linear.scatter [tilespmem:s5], [sflag:$0x7], $0x2800, $0x38;
	[tilespmem:$0x1D300] =	vst v63  }
0x75: {  	_ =	swait.ge [sflag:s6], $0x2800  }
0x76: {  	s21 =	sadd.s32 $0x1, s21;
	s26 =	rddreg [dreg:$0x10]  }
0x77: {  	p0 =	sne.s32 s21, s26  }
.Ltmp1:
0x78: {  	_ = 	snop;
	(pc) =	sbr.rel @!p0 .LBB2_7-.Ltmp1, $3  }
0x79: {  	_ =	sdelay $0x1  }
0x7a: {  	[sflag:s6] =	ssyncset.done $0x0  }
0x7b: {  	[sflag:s6] =	ssyncadd.s32 $0xFFFFD800  }
.LBB2_1:
0x7c: {  	s22 =	simm.s32 $0x70;
	s23 =	simm.s32 $0x3C0  }
.LBB2_2:
0x7d: {  	p0 =	sne.s32 s23, $0xBFC0;
	[tilespmem:s22+$0x300] =	vst v0  }
0x7e: {  	[tilespmem:s22+$0x290] =	vst v0  }
0x7f: {  	[tilespmem:s22+$0x2A0] =	vst v0  }
.Ltmp2:
0x80: {  	[tilespmem:s22+$0x2B0] =	vst v0;
	(pc) =	sbr.rel @p0 .LBB2_2-.Ltmp2, $4  }
0x81: {  	[tilespmem:s22+$0x2C0] =	vst v0  }
0x82: {  	[tilespmem:s22+$0x2D0] =	vst v0  }
0x83: {  	[tilespmem:s22+$0x2E0] =	vst v0  }
0x84: {  	[tilespmem:s22+$0x2F0] =	vst v0;
	s22 =	sshra.s32 s23, $0x2;
	s23 =	sadd.s32 $0x200, s23  }
0x85: {  	[tilespmem:s22+$0x300] =	vst v0  }
0x86: {  	[tilespmem:s22+$0x290] =	vst v0  }
0x87: {  	[tilespmem:s22+$0x2A0] =	vst v0  }
0x88: {  	[tilespmem:s22+$0x2B0] =	vst v0  }
0x89: {  	[tilespmem:s22+$0x2C0] =	vst v0  }
0x8a: {  	[tilespmem:s22+$0x2D0] =	vst v0  }
0x8b: {  	[tilespmem:s22+$0x2E0] =	vst v0  }
0x8c: {  	[tilespmem:s22+$0x2F0] =	vst v0  }
0x8d: {  	[spmem:s24] =	stream.linear.scatter [tilespmem:s5], [sflag:$0x7], $0x2800, $0x38;
	[tilespmem:$0x1D300] =	vst v63  }
0x8e: {  	_ =	swait.ge [sflag:s6], $0x2800  }
0x8f: {  	[sflag:s6] =	ssyncset.done $0x0  }
0x90: {  	s25 =	rddreg [dreg:$0x11];
	[sflag:s6] =	ssyncadd.s32 $0xFFFFD800  }
0x91: {  	[spmem:s25] =	stream.linear.scatter [tilespmem:s5], [sflag:$0x7], $0x2800, $0x38;
	[tilespmem:$0x1D300] =	vst v63  }
0x92: {  	_ =	swait.ge [sflag:s6], $0x2800  }
0x93: {  	[sflag:s6] =	ssyncset.done $0x0  }
0x94: {  	s23 =	rddreg [dreg:$0x12];
	[sflag:s6] =	ssyncadd.s32 $0xFFFFD800  }
0x95: {  	[spmem:s23] =	stream.linear.scatter [tilespmem:s5], [sflag:$0x7], $0x2800, $0x38;
	[tilespmem:$0x1D300] =	vst v63  }
0x96: {  	_ =	swait.ge [sflag:s6], $0x2800  }
0x97: {  	[sflag:s6] =	ssyncset.done $0x0  }
0x98: {  	s26 =	smov.u32 s24;
	s24 =	rddreg [dreg:$0x13];
	[sflag:s6] =	ssyncadd.s32 $0xFFFFD800  }
0x99: {  	[spmem:s24] =	stream.linear.scatter [tilespmem:s5], [sflag:$0x7], $0x2800, $0x38;
	[tilespmem:$0x1D300] =	vst v63  }
0x9a: {  	_ =	swait.ge [sflag:s6], $0x2800  }
0x9b: {  	[sflag:s6] =	ssyncset.done $0x0  }
0x9c: {  	s25 =	rddreg [dreg:$0x14];
	[sflag:s6] =	ssyncadd.s32 $0xFFFFD800  }
0x9d: {  	[spmem:s25] =	stream.linear.scatter [tilespmem:s5], [sflag:$0x7], $0x2800, $0x38;
	[tilespmem:$0x1D300] =	vst v63  }
0x9e: {  	_ =	swait.ge [sflag:s6], $0x2800  }
0x9f: {  	[sflag:s6] =	ssyncset.done $0x0  }
0xa0: {  	s23 =	rddreg [dreg:$0x15];
	[sflag:s6] =	ssyncadd.s32 $0xFFFFD800  }
0xa1: {  	[spmem:s23] =	stream.linear.scatter [tilespmem:s5], [sflag:$0x7], $0x2800, $0x38;
	[tilespmem:$0x1D300] =	vst v63  }
0xa2: {  	_ =	swait.ge [sflag:s6], $0x2800  }
0xa3: {  	[sflag:s6] =	ssyncset.done $0x0  }
0xa4: {  	s24 =	rddreg [dreg:$0x16];
	[sflag:s6] =	ssyncadd.s32 $0xFFFFD800  }
0xa5: {  	[spmem:s24] =	stream.linear.scatter [tilespmem:s5], [sflag:$0x7], $0x2800, $0x38;
	[tilespmem:$0x1D300] =	vst v63  }
0xa6: {  	_ =	swait.ge [sflag:s6], $0x2800  }
0xa7: {  	[sflag:s6] =	ssyncset.done $0x0  }
0xa8: {  	[sflag:s6] =	ssyncadd.s32 $0xFFFFD800  }
0xa9: {  	[spmem:s28] =	stream.linear.scatter [tilespmem:s5], [sflag:$0x7], $0x2800, $0x38;
	[tilespmem:$0x1D300] =	vst v63  }
0xaa: {  	_ =	swait.ge [sflag:s6], $0x2800  }
0xab: {  	[sflag:s6] =	ssyncset.done $0x0  }
0xac: {  	[sflag:s6] =	ssyncadd.s32 $0xFFFFD800  }
0xad: {  	[bflag:$0x0] =	sbarrier.arrive $0xFFFF  }
0xae: {  	s22 =	simm.s32 $0x0;
	s23 =	rddreg [dreg:$0xc]  }
0xaf: {  	[tilespmem:s7], [sflag:$0x7] =	stream.linear.gather [hbm4b:s23+s22], $0x60, $0x38;
	[tilespmem:$0x1D300] =	vst v63  }
0xb0: {  	_ =	swait.ge [sflag:s6], $0x60  }
0xb1: {  	[sflag:s6] =	ssyncset.done $0x0  }
0xb2: {  	s25 =	rddreg [dreg:$0xd];
	[sflag:s6] =	ssyncadd.s32 $0xFFFFFFA0  }
0xb3: {  	[tilespmem:s22], [sflag:$0x7] =	stream.linear.gather [hbm4b:s25+s22], $0x60, $0x38;
	[tilespmem:$0x1D300] =	vst v63  }
0xb4: {  	_ =	swait.ge [sflag:s6], $0x60  }
0xb5: {  	[sflag:s6] =	ssyncset.done $0x0  }
0xb6: {  	[sflag:s6] =	ssyncadd.s32 $0xFFFFFFA0  }
0xb7: {  	[tilespmem:s5], [sflag:$0x1] =	stream.indirect.gather [hbm4b:s13+s8], $0x80, s22, s8, $0xb8;
	[tilespmem:$0x1D300] =	vst v63  }
0xb8: {  	s24 =	rddreg [dreg:$0xe]  }
0xb9: {  	[tilespmem:s9], [sflag:$0x7] =	stream.linear.gather [hbm4b:s24+s22], $0x60, $0x38;
	[tilespmem:$0x1D300] =	vst v63  }
0xba: {  	_ =	swait.ge [sflag:s6], $0x60  }
0xbb: {  	[sflag:s6] =	ssyncset.done $0x0  }
0xbc: {  	s25 =	rddreg [dreg:$0xf];
	[sflag:s6] =	ssyncadd.s32 $0xFFFFFFA0  }
0xbd: {  	[tilespmem:s10], [sflag:$0x7] =	stream.linear.gather [hbm4b:s25+s22], $0x60, $0x38;
	[tilespmem:$0x1D300] =	vst v63  }
0xbe: {  	_ =	swait.ge [sflag:s6], $0x60  }
0xbf: {  	[sflag:s6] =	ssyncset.done $0x0  }
0xc0: {  	s23 =	rddreg [dreg:$0x17];
	[sflag:s6] =	ssyncadd.s32 $0xFFFFFFA0  }
0xc1: {  	[tilespmem:s11], [sflag:$0x2] =	stream.indirect.gather [hbm4b:s13+s8], $0x80, s10, s8, $0xb8;
	[tilespmem:$0x1D300] =	vst v63  }
.LBB2_4:
0xc2: {  	_ =	swait.ge [sflag:s12], $0x3000  }
0xc3: {  	p0 =	seq.s32 s22, $0x0;
	[sflag:s12] =	ssyncset.done $0x0  }
0xc4: {  	s24 =	simm.s32 @!p0 $0x6;
	[sflag:s12] =	ssyncadd.s32 $0xFFFFD000  }
0xc5: {  	[spmem:s2] =	stream.indirect.scatter.add.f32 [tilespmem:s5], [sflag:$0x4], $0x80, s7, s8, $0xb8;
	[tilespmem:$0x1D300] =	vst v63  }
0xc6: {  	_ =	swait.ge @!p0 [sflag:s24], $0x3000  }
0xc7: {  	[sflag:s24] =	ssyncset.done @!p0 $0x0  }
0xc8: {  	s25 =	sadd.s32 s22, s4;
	[sflag:s24] =	ssyncadd.s32 @!p0 $0xFFFFD000  }
0xc9: {  	[tilespmem:s15], [sflag:$0x7] =	stream.linear.gather [hbm4b:s25+s3], $0x60, $0x38;
	[tilespmem:$0x1D300] =	vst v63  }
0xca: {  	_ =	swait.ge [sflag:s6], $0x60  }
0xcb: {  	[sflag:s6] =	ssyncset.done $0x0  }
0xcc: {  	s25 =	sadd.s32 s22, s0;
	[sflag:s6] =	ssyncadd.s32 $0xFFFFFFA0  }
0xcd: {  	[tilespmem:s16], [sflag:$0x7] =	stream.linear.gather [hbm4b:s25+s3], $0x60, $0x38;
	[tilespmem:$0x1D300] =	vst v63  }
0xce: {  	_ =	swait.ge [sflag:s6], $0x60  }
0xcf: {  	[sflag:s6] =	ssyncset.done $0x0  }
0xd0: {  	p0 =	seq.s32 s22, $0x4C8;
	[sflag:s6] =	ssyncadd.s32 $0xFFFFFFA0  }
0xd1: {  	[tilespmem:s17], [sflag:$0x3] =	stream.indirect.gather [hbm4b:s13+s8], $0x80, s16, s8, $0xb8;
	[tilespmem:$0x1D300] =	vst v63  }
.Ltmp3:
0xd2: {  	_ = 	snop;
	(pc) =	sbr.rel @p0 .LBB2_6-.Ltmp3, $4  }
0xd3: {  	_ =	swait.ge [sflag:s18], $0x3000  }
0xd4: {  	[sflag:s18] =	ssyncset.done $0x0  }
0xd5: {  	[sflag:s18] =	ssyncadd.s32 $0xFFFFD000  }
0xd6: {  	[spmem:s2] =	stream.indirect.scatter.add.f32 [tilespmem:s11], [sflag:$0x5], $0x80, s9, s8, $0xb8;
	[tilespmem:$0x1D300] =	vst v63  }
0xd7: {  	_ =	swait.ge [sflag:s31], $0x3000  }
0xd8: {  	s24 =	sshrl.u32 s23, $0x3;
	[sflag:s31] =	ssyncset.done $0x0  }
0xd9: {  	s25 =	sadd.s32 s1, s24;
	[sflag:s31] =	ssyncadd.s32 $0xFFFFD000  }
0xda: {  	[tilespmem:s7], [sflag:$0x7] =	stream.linear.gather [hbm4b:s25+s3], $0x60, $0x38;
	[tilespmem:$0x1D300] =	vst v63  }
0xdb: {  	_ =	swait.ge [sflag:s6], $0x60  }
0xdc: {  	[sflag:s6] =	ssyncset.done $0x0  }
0xdd: {  	s24 =	sadd.s32 s14, s24;
	[sflag:s6] =	ssyncadd.s32 $0xFFFFFFA0  }
0xde: {  	[tilespmem:s3], [sflag:$0x7] =	stream.linear.gather [hbm4b:s24+s3], $0x60, $0x38;
	[tilespmem:$0x1D300] =	vst v63  }
0xdf: {  	_ =	swait.ge [sflag:s6], $0x60  }
0xe0: {  	[sflag:s6] =	ssyncset.done $0x0  }
0xe1: {  	[sflag:s6] =	ssyncadd.s32 $0xFFFFFFA0  }
0xe2: {  	[tilespmem:s5], [sflag:$0x1] =	stream.indirect.gather [hbm4b:s13+s8], $0x80, s3, s8, $0xb8;
	[tilespmem:$0x1D300] =	vst v63  }
0xe3: {  	_ =	swait.ge [sflag:s20], $0x3000  }
0xe4: {  	[sflag:s20] =	ssyncset.done $0x0  }
0xe5: {  	[sflag:s20] =	ssyncadd.s32 $0xFFFFD000  }
0xe6: {  	[spmem:s2] =	stream.indirect.scatter.add.f32 [tilespmem:s17], [sflag:$0x6], $0x80, s15, s8, $0xb8;
	[tilespmem:$0x1D300] =	vst v63  }
0xe7: {  	_ =	swait.ge [sflag:s19], $0x3000  }
0xe8: {  	[sflag:s19] =	ssyncset.done $0x0  }
0xe9: {  	s25 =	sadd.s32 s22, s30;
	[sflag:s19] =	ssyncadd.s32 $0xFFFFD000  }
0xea: {  	[tilespmem:s9], [sflag:$0x7] =	stream.linear.gather [hbm4b:s25+s3], $0x60, $0x38;
	[tilespmem:$0x1D300] =	vst v63  }
0xeb: {  	_ =	swait.ge [sflag:s6], $0x60  }
0xec: {  	[sflag:s6] =	ssyncset.done $0x0  }
0xed: {  	s25 =	sadd.s32 s22, s29;
	[sflag:s6] =	ssyncadd.s32 $0xFFFFFFA0  }
0xee: {  	[tilespmem:s10], [sflag:$0x7] =	stream.linear.gather [hbm4b:s25+s3], $0x60, $0x38;
	[tilespmem:$0x1D300] =	vst v63  }
.Ltmp4:
0xef: {  	_ = 	snop;
	(pc) =	sbr.rel .LBB2_4-.Ltmp4, $4  }
0xf0: {  	_ =	swait.ge [sflag:s6], $0x60  }
0xf1: {  	[sflag:s6] =	ssyncset.done $0x0  }
0xf2: {  	s23 =	sadd.s32 $0x120, s23;
	s22 =	sadd.s32 $0x24, s22;
	[sflag:s6] =	ssyncadd.s32 $0xFFFFFFA0  }
0xf3: {  	[tilespmem:s11], [sflag:$0x2] =	stream.indirect.gather [hbm4b:s13+s8], $0x80, s10, s8, $0xb8;
	[tilespmem:$0x1D300] =	vst v63  }
.LBB2_7:
0xf4: {  	_ =	sfence.sel $0x180000  }
0xf5: {  	[bflag:$0x0] =	sbarrier.arrive $0xFFFF  }
0xf6: {  	_ =	strace $0x90000050  }
0xf7: {  	s0 =	stileid.u32;
	[bflag:$0x2] =	sbarrier.arrive $0xFFFF  }
0xf8: {  	p0 =	sne.s32 s0, $0x0;
	s0 =	rddreg [dreg:$0x3]  }
0xf9: {  	s0 =	sadd.s32 @!p0 $0x100000, s0  }
0xfa: {  	[sflag:s0] =	ssyncadd.tile.s32 @!p0 $0x1;
	_ =	shalt  }
.Lfunc_end2:
_tile_overlayer_lowered:
.L_overlay_start_2:
0xfb: {  	(tag) =	ssettag $0x2  }
0xfc: {  	s0 =	rddreg [dreg:$0x0];
	s2 =	stileid.u32  }
0xfd: {  	s1 =	rddreg [dreg:$0x1];
	p0 =	sne.s32 s2, $0x0  }
0xfe: {  	s3 =	rddreg [dreg:$0x2];
	[bflag:$0x3] =	sbarrier.arrive $0xFFFF;
	s2 =	simm.s32 @!p0 $0x1C07  }
0xff: {  	[timem:s3], [sflag:s2] =	dma.local @!p0 [hbm:s0], s1  }
0x100: {  	s0 =	simm.s32 @!p0 $0x7  }
0x101: {  	_ =	swait.ge @!p0 [sflag:s0], s1  }
0x102: {  	s1 =	ssub.s32 @!p0 $0x0, s1;
	[sflag:s0] =	ssyncset.done @!p0 $0x0  }
0x103: {  	[sflag:s0] =	ssyncadd.s32 @!p0 s1  }
0x104: {  	[bflag:$0x3] =	sbarrier.arrive $0xFFFF  }
0x105: {  	_ =	shalt  }

</sc_bundles>
